<compile_context>
chip_gen: v7x
topology: tpu7x:2x2x1
jax: 0.10.2.dev20260603
libtpu: 0.0.44.dev20260713+nightly
codegen_flags: <defaults>
</compile_context>

<pallas_src>
import functools

import numpy as np

import jax
import jax.numpy as jnp
from jax import lax
from jax.experimental import pallas as pl
from jax.experimental.pallas import tpu as pltpu
from jax.experimental.pallas import tpu_sc as plsc

B = 16
C = 6
L = 4096
CH = 16
NCHUNK = L // CH
VOCAB = 3126
TABLE_PAD = 3200

_E_NP = np.zeros((128, 640), np.float32)
_E_NP[np.arange(128).repeat(5), np.arange(640)] = 1.0


def _tc_pre(samp_ref, w_ref):
    best = samp_ref[0]
    base = jnp.zeros((B, L), jnp.int32)
    for ch in range(1, C):
        s = samp_ref[ch]
        m = s > best
        best = jnp.where(m, s, best)
        base = jnp.where(m, ch, base)
    prev = pltpu.roll(base, 1, axis=1)
    lane = lax.broadcasted_iota(jnp.int32, (B, L), 1)
    prev = jnp.where(lane == 0, 0, prev)
    app = (base != 0) & (base != prev)
    appf = app.astype(jnp.float32)
    ii = lax.broadcasted_iota(jnp.int32, (128, 128), 0)
    jj = lax.broadcasted_iota(jnp.int32, (128, 128), 1)
    t = (ii <= jj).astype(jnp.float32)
    run = jnp.zeros((B, 1), jnp.float32)
    cs = []
    for k in range(L // 128):
        blk = appf[:, 128 * k:128 * (k + 1)]
        intra = jnp.dot(blk, t, preferred_element_type=jnp.float32)
        cs.append(intra + run)
        run = run + intra[:, 127:128]
    c = jnp.concatenate(cs, axis=1).astype(jnp.int32)
    w_ref[...] = (c + 8) * 16 + jnp.where(app, 8 + base - 1, 0)


def _sc_decode_lookup(w_hbm, table_hbm, emb_hbm, w_v, table_v, d_v,
                      emb_v):
    wid = lax.axis_index("s") * 2 + lax.axis_index("c")

    @pl.when(wid < B)
    def _():
        pltpu.sync_copy(w_hbm.at[wid], w_v)
        pltpu.sync_copy(table_hbm, table_v)
        d_v[pl.ds(0, CH)] = jnp.zeros((CH,), jnp.int32)

        def chunk(j, _):
            off = j * CH
            w = w_v[pl.ds(off, CH)]
            c8 = lax.shift_right_logical(w, 4)
            app = (w & 8) != 0
            digit = w & 7
            plsc.store_scatter(d_v, [c8], digit, mask=app)
            val = jnp.zeros((CH,), jnp.int32)
            for k, p5 in enumerate((1, 5, 25, 125, 625)):
                g = plsc.load_gather(d_v, [c8 - k])
                val = val + g * p5
            kmer = jnp.where(c8 >= 13, val + 1, 0)
            emb = plsc.load_gather(table_v, [kmer])
            emb_v[pl.ds(off, CH)] = emb
            return 0

        lax.fori_loop(0, NCHUNK, chunk, 0)
        pltpu.sync_copy(emb_v, emb_hbm.at[wid])


@functools.partial(
    pl.kernel,
    out_type=jax.ShapeDtypeStruct((B, L), jnp.float32),
    mesh=plsc.VectorSubcoreMesh(core_axis_name="c", subcore_axis_name="s"),
    compiler_params=pltpu.CompilerParams(needs_layout_passes=False),
    scratch_types=[
        pltpu.VMEM((L,), jnp.int32),
        pltpu.VMEM((TABLE_PAD,), jnp.float32),
        pltpu.VMEM((L + 24,), jnp.int32),
        pltpu.VMEM((L,), jnp.float32),
    ],
)
def _sc_kernel(w_hbm, table_hbm, emb_hbm, w_v, table_v, d_v, emb_v):
    _sc_decode_lookup(w_hbm, table_hbm, emb_hbm, w_v, table_v, d_v, emb_v)


def _tc_finalize(emb_ref, w_ref, b_ref, e_ref, o_ref):
    x = emb_ref[...]
    n = B * L
    mean = jnp.sum(x) / n
    var = jnp.sum(x * x) / n - mean * mean
    scale = w_ref[0] * lax.rsqrt(var + 1e-5)
    shift = b_ref[0] - mean * scale
    e = e_ref[...]
    for k in range(L // 128):
        yk = emb_ref[:, 128 * k:128 * (k + 1)] * scale + shift
        ok = jnp.dot(yk, e, preferred_element_type=jnp.float32)
        for r in range(5):
            o_ref[:, 5 * k + r, :] = ok[:, 128 * r:128 * (r + 1)]


def kernel(sampling, table, bn_weight, bn_bias):
    samp_t = jnp.transpose(sampling, (1, 0, 2))
    w = pl.pallas_call(
        _tc_pre,
        out_shape=jax.ShapeDtypeStruct((B, L), jnp.int32),
    )(samp_t)
    table_flat = jnp.pad(table[:, 0], (0, TABLE_PAD - VOCAB))
    emb = _sc_kernel(w, table_flat)
    out = pl.pallas_call(
        _tc_finalize,
        out_shape=jax.ShapeDtypeStruct((B, 5 * L // 128, 128), jnp.float32),
        in_specs=[
            pl.BlockSpec(memory_space=pltpu.VMEM),
            pl.BlockSpec(memory_space=pltpu.SMEM),
            pl.BlockSpec(memory_space=pltpu.SMEM),
            pl.BlockSpec(memory_space=pltpu.VMEM),
        ],
        out_specs=pl.BlockSpec(memory_space=pltpu.VMEM),
    )(emb, bn_weight, bn_bias, jnp.asarray(_E_NP))
    return out.reshape(B, 5 * L, 1)

# --- scband reference (transcript-rebuilt; emitter-appended) ---
"""Pipeline reference for scband-mm-721554505917 (READ-ONLY COPY).

The authoritative reference and input builder live on the scoring server;
editing this copy changes nothing except your own understanding.
"""

import jax, jax.numpy as jnp
import numpy as np

K = 5
N_BASE = 5
VOCAB = N_BASE ** K + 1  # 3125 kmers + 1 padding row = 3126


def setup_inputs(seed: int = 0) -> dict:
    key = jax.random.key(seed)
    k1, k2 = jax.random.split(key)
    sampling = jax.random.normal(k1, (16, 6, 4096), dtype=jnp.float32)
    # learned embedding table: row 0 is the padding level, rows 1..3125 are kmer level means
    table = jax.random.normal(k2, (VOCAB, 1), dtype=jnp.float32)
    bn_weight = jnp.ones((1,), dtype=jnp.float32)
    bn_bias = jnp.zeros((1,), dtype=jnp.float32)
    return {"sampling": sampling, "table": table, "bn_weight": bn_weight, "bn_bias": bn_bias}


def _kmer_decode_seq(bases):
    # bases: int32[L], values in [0, 5]. Replicates MM._kmer_decode for one sequence.
    MOD = N_BASE ** K

    def step(carry, base):
        val, length, pre = carry
        append = (base != 0) & (base != pre)
        new_val = jnp.where(append, (val * N_BASE + (base - 1)) % MOD, val)
        new_len = jnp.where(append, jnp.minimum(length + 1, K), length)
        idx = jnp.where(new_len < K, jnp.int32(-1), new_val)
        return (new_val, new_len, base), idx + 1

    init = (jnp.int32(0), jnp.int32(0), jnp.int32(0))
    _, kmers = jax.lax.scan(step, init, bases)
    return kmers  # int32[L], values in [0, 3125]


def reference(sampling, table, bn_weight, bn_bias):
    # sampling: float32[B, 6, L]
    bases = jnp.argmax(sampling, axis=1).astype(jnp.int32)  # [B, L]
    kmers = jax.vmap(_kmer_decode_seq)(bases)  # [B, L]
    # embedding lookup: [B, L, 1] -> squeeze(2) -> unsqueeze(1) -> [B, 1, L]
    rc = jnp.take(table, kmers, axis=0)[..., 0][:, None, :]
    # nearest-neighbor 1d upsample, scale 5 -> [B, 1, 5L]
    rc = jnp.repeat(rc, 5, axis=-1)
    # BatchNorm1d(1), training mode (batch statistics), eps=1e-5
    mean = jnp.mean(rc, axis=(0, 2), keepdims=True)
    var = jnp.var(rc, axis=(0, 2), keepdims=True)
    rc = (rc - mean) / jnp.sqrt(var + 1e-5)
    rc = rc * bn_weight[None, :, None] + bn_bias[None, :, None]
    # permute([0, 2, 1]) -> [B, 5L, 1]
    return jnp.transpose(rc, (0, 2, 1))

if __name__ == "__main__":
    import jax
    _d = setup_inputs()
    print(jax.jit(kernel)(*tuple(_d.values())))

</pallas_src>

<mosaic_0001>
#map = affine_map<(d0, d1) -> (0, 0)>
#map1 = affine_map<(d0, d1) -> (0)>
module attributes {stable_mosaic.version = 14 : i64} {
  func.func @_sc_kernel(%arg0: i32, %arg1: i32, %arg2: memref<16x4096xi32, #tpu.memory_space<hbm>>, %arg3: memref<3200xf32, #tpu.memory_space<hbm>>, %arg4: memref<16x4096xf32, #tpu.memory_space<hbm>>, %arg5: memref<4096xi32, #tpu.memory_space<vmem>>, %arg6: memref<3200xf32, #tpu.memory_space<vmem>>, %arg7: memref<4120xi32, #tpu.memory_space<vmem>>, %arg8: memref<4096xf32, #tpu.memory_space<vmem>>) attributes {dimension_semantics = [#tpu.dimension_semantics<core_parallel>, #tpu.dimension_semantics<subcore_parallel>], iteration_bounds = array<i64: 2, 16>, scalar_prefetch = 0 : i64, scratch_operands = 4 : i64, tpu.core_type = #tpu.core_type<sc_vector_subcore>, window_params = [{transform_indices = #map}, {transform_indices = #map1}, {transform_indices = #map}]} {
    %mul3A = arith.constant 2 : i32
    %mul3A_0 = arith.muli %arg1, %mul3A : i32
    %add3A = arith.addi %mul3A_0, %arg0 : i32
    %lt3A = arith.constant 16 : i32
    %lt3A_1 = arith.cmpi slt, %add3A, %lt3A : i32
    %convert_element_type3A = arith.extui %lt3A_1 : i1 to i32
    %cond3A = arith.constant 0 : i32
    %cond3A_2 = arith.cmpi ne, %convert_element_type3A, %cond3A : i32
    scf.if %cond3A_2 {
      "tpu.region"() ({
        %run_scoped3A = tpu.sem_alloc : memref<!tpu.dma_semaphore, #tpu.memory_space<semaphore_mem>>
        %dma_start3A = arith.constant 0 : i32
        %dma_start3A_11 = tpu.memref_slice %arg2[%add3A, %dma_start3A] : memref<16x4096xi32, #tpu.memory_space<hbm>> -> memref<1x4096xi32, #tpu.memory_space<hbm>>
        %dma_start3A_12 = tpu.memref_squeeze %dma_start3A_11 : memref<1x4096xi32, #tpu.memory_space<hbm>> -> memref<4096xi32, #tpu.memory_space<hbm>>
        %dma_start3A_13 = arith.constant 0 : i32
        %dma_start3A_14 = tpu.memref_slice %arg2[%add3A, %dma_start3A_13] : memref<16x4096xi32, #tpu.memory_space<hbm>> -> memref<1x4096xi32, #tpu.memory_space<hbm>>
        %dma_start3A_15 = tpu.memref_squeeze %dma_start3A_14 : memref<1x4096xi32, #tpu.memory_space<hbm>> -> memref<4096xi32, #tpu.memory_space<hbm>>
        tpu.enqueue_dma source(%dma_start3A_15 : memref<4096xi32, #tpu.memory_space<hbm>>) target(%arg5 : memref<4096xi32, #tpu.memory_space<vmem>>) target_semaphore(%run_scoped3A : memref<!tpu.dma_semaphore, #tpu.memory_space<semaphore_mem>>)
        %dma_wait3A = arith.constant 0 : i32
        %dma_wait3A_16 = tpu.memref_slice %arg2[%add3A, %dma_wait3A] : memref<16x4096xi32, #tpu.memory_space<hbm>> -> memref<1x4096xi32, #tpu.memory_space<hbm>>
        %dma_wait3A_17 = tpu.memref_squeeze %dma_wait3A_16 : memref<1x4096xi32, #tpu.memory_space<hbm>> -> memref<4096xi32, #tpu.memory_space<hbm>>
        %dma_wait3A_18 = arith.constant 0 : i32
        %dma_wait3A_19 = tpu.memref_slice %arg2[%add3A, %dma_wait3A_18] : memref<16x4096xi32, #tpu.memory_space<hbm>> -> memref<1x4096xi32, #tpu.memory_space<hbm>>
        %dma_wait3A_20 = tpu.memref_squeeze %dma_wait3A_19 : memref<1x4096xi32, #tpu.memory_space<hbm>> -> memref<4096xi32, #tpu.memory_space<hbm>>
        tpu.wait_dma2 semaphore(%run_scoped3A : memref<!tpu.dma_semaphore, #tpu.memory_space<semaphore_mem>>) src(%dma_wait3A_20 : memref<4096xi32, #tpu.memory_space<hbm>>) dst(%arg5 : memref<4096xi32, #tpu.memory_space<vmem>>)
        tpu.yield
      }) : () -> ()
      "tpu.region"() ({
        %run_scoped3A = tpu.sem_alloc : memref<!tpu.dma_semaphore, #tpu.memory_space<semaphore_mem>>
        tpu.enqueue_dma source(%arg3 : memref<3200xf32, #tpu.memory_space<hbm>>) target(%arg6 : memref<3200xf32, #tpu.memory_space<vmem>>) target_semaphore(%run_scoped3A : memref<!tpu.dma_semaphore, #tpu.memory_space<semaphore_mem>>)
        tpu.wait_dma2 semaphore(%run_scoped3A : memref<!tpu.dma_semaphore, #tpu.memory_space<semaphore_mem>>) src(%arg3 : memref<3200xf32, #tpu.memory_space<hbm>>) dst(%arg6 : memref<3200xf32, #tpu.memory_space<vmem>>)
        tpu.yield
      }) : () -> ()
      %broadcast_in_dim3A = arith.constant 0 : i32
      %broadcast_in_dim3A_3 = vector.broadcast %broadcast_in_dim3A : i32 to vector<16xi32>
      %swap3A = arith.constant 0 : index
      %swap3A_4 = tpu.vector_load %arg7[%swap3A] {strides = array<i32>} : memref<4120xi32, #tpu.memory_space<vmem>>, vector<16xi32>,
      tpu.vector_store %arg7[%swap3A], %broadcast_in_dim3A_3 {strides = array<i32>} : memref<4120xi32, #tpu.memory_space<vmem>>, vector<16xi32>,
      %scan3A = arith.constant 0 : i32
      %scan3A_5 = arith.constant 0 : i32
      %scan3A_6 = arith.constant 256 : i32
      %scan3A_7 = arith.addi %scan3A_5, %scan3A_6 : i32
      %scan3A_8 = arith.constant 1 : i32
      %scan3A_9 = scf.for %scan3A_11 = %scan3A_5 to %scan3A_7 step %scan3A_8 iter_args(%scan3A_12 = %scan3A) -> (i32)  : i32 {
        %mul3A_13 = arith.constant 16 : i32
        %mul3A_14 = arith.muli %scan3A_11, %mul3A_13 : i32
        %get3A = arith.index_cast %mul3A_14 : i32 to index
        %get3A_15 = tpu.vector_load %arg5[%get3A] {strides = array<i32>} : memref<4096xi32, #tpu.memory_space<vmem>>, vector<16xi32>,
        %shift_right_logical3A = arith.constant 4 : i32
        %shift_right_logical3A_16 = vector.broadcast %shift_right_logical3A : i32 to vector<16xi32>
        %shift_right_logical3A_17 = arith.shrui %get3A_15, %shift_right_logical3A_16 : vector<16xi32>
        %and3A = arith.constant 8 : i32
        %and3A_18 = vector.broadcast %and3A : i32 to vector<16xi32>
        %and3A_19 = arith.andi %get3A_15, %and3A_18 : vector<16xi32>
        %ne3A = arith.constant 0 : i32
        %ne3A_20 = vector.broadcast %ne3A : i32 to vector<16xi32>
        %ne3A_21 = arith.cmpi ne, %and3A_19, %ne3A_20 : vector<16xi32>
        %and3A_22 = arith.constant 7 : i32
        %and3A_23 = vector.broadcast %and3A_22 : i32 to vector<16xi32>
        %and3A_24 = arith.andi %get3A_15, %and3A_23 : vector<16xi32>
        tpu.vector_store_idx %arg7[%shift_right_logical3A_17], %and3A_24 masked %ne3A_21 : memref<4120xi32, #tpu.memory_space<vmem>>[vector<16xi32>], vector<16xi32>, vector<16xi1>
        %broadcast_in_dim3A_25 = arith.constant 0 : i32
        %broadcast_in_dim3A_26 = vector.broadcast %broadcast_in_dim3A_25 : i32 to vector<16xi32>
        %sub3A = arith.constant 0 : i32
        %sub3A_27 = vector.broadcast %sub3A : i32 to vector<16xi32>
        %sub3A_28 = arith.subi %shift_right_logical3A_17, %sub3A_27 : vector<16xi32>
        %gather3A = tpu.vector_load_idx %arg7[%sub3A_28] : memref<4120xi32, #tpu.memory_space<vmem>>[vector<16xi32>], vector<16xi32>,
        %mul3A_29 = arith.constant 1 : i32
        %mul3A_30 = vector.broadcast %mul3A_29 : i32 to vector<16xi32>
        %mul3A_31 = arith.muli %gather3A, %mul3A_30 : vector<16xi32>
        %add3A_32 = arith.addi %broadcast_in_dim3A_26, %mul3A_31 : vector<16xi32>
        %sub3A_33 = arith.constant 1 : i32
        %sub3A_34 = vector.broadcast %sub3A_33 : i32 to vector<16xi32>
        %sub3A_35 = arith.subi %shift_right_logical3A_17, %sub3A_34 : vector<16xi32>
        %gather3A_36 = tpu.vector_load_idx %arg7[%sub3A_35] : memref<4120xi32, #tpu.memory_space<vmem>>[vector<16xi32>], vector<16xi32>,
        %mul3A_37 = arith.constant 5 : i32
        %mul3A_38 = vector.broadcast %mul3A_37 : i32 to vector<16xi32>
        %mul3A_39 = arith.muli %gather3A_36, %mul3A_38 : vector<16xi32>
        %add3A_40 = arith.addi %add3A_32, %mul3A_39 : vector<16xi32>
        %sub3A_41 = arith.constant 2 : i32
        %sub3A_42 = vector.broadcast %sub3A_41 : i32 to vector<16xi32>
        %sub3A_43 = arith.subi %shift_right_logical3A_17, %sub3A_42 : vector<16xi32>
        %gather3A_44 = tpu.vector_load_idx %arg7[%sub3A_43] : memref<4120xi32, #tpu.memory_space<vmem>>[vector<16xi32>], vector<16xi32>,
        %mul3A_45 = arith.constant 25 : i32
        %mul3A_46 = vector.broadcast %mul3A_45 : i32 to vector<16xi32>
        %mul3A_47 = arith.muli %gather3A_44, %mul3A_46 : vector<16xi32>
        %add3A_48 = arith.addi %add3A_40, %mul3A_47 : vector<16xi32>
        %sub3A_49 = arith.constant 3 : i32
        %sub3A_50 = vector.broadcast %sub3A_49 : i32 to vector<16xi32>
        %sub3A_51 = arith.subi %shift_right_logical3A_17, %sub3A_50 : vector<16xi32>
        %gather3A_52 = tpu.vector_load_idx %arg7[%sub3A_51] : memref<4120xi32, #tpu.memory_space<vmem>>[vector<16xi32>], vector<16xi32>,
        %mul3A_53 = arith.constant 125 : i32
        %mul3A_54 = vector.broadcast %mul3A_53 : i32 to vector<16xi32>
        %mul3A_55 = arith.muli %gather3A_52, %mul3A_54 : vector<16xi32>
        %add3A_56 = arith.addi %add3A_48, %mul3A_55 : vector<16xi32>
        %sub3A_57 = arith.constant 4 : i32
        %sub3A_58 = vector.broadcast %sub3A_57 : i32 to vector<16xi32>
        %sub3A_59 = arith.subi %shift_right_logical3A_17, %sub3A_58 : vector<16xi32>
        %gather3A_60 = tpu.vector_load_idx %arg7[%sub3A_59] : memref<4120xi32, #tpu.memory_space<vmem>>[vector<16xi32>], vector<16xi32>,
        %mul3A_61 = arith.constant 625 : i32
        %mul3A_62 = vector.broadcast %mul3A_61 : i32 to vector<16xi32>
        %mul3A_63 = arith.muli %gather3A_60, %mul3A_62 : vector<16xi32>
        %add3A_64 = arith.addi %add3A_56, %mul3A_63 : vector<16xi32>
        %ge3A = arith.constant 13 : i32
        %ge3A_65 = vector.broadcast %ge3A : i32 to vector<16xi32>
        %ge3A_66 = arith.cmpi sge, %shift_right_logical3A_17, %ge3A_65 : vector<16xi32>
        %add3A_67 = arith.constant 1 : i32
        %add3A_68 = vector.broadcast %add3A_67 : i32 to vector<16xi32>
        %add3A_69 = arith.addi %add3A_64, %add3A_68 : vector<16xi32>
        %jit3A = arith.constant 0 : i32
        %broadcast_in_dim3A_70 = vector.broadcast %jit3A : i32 to vector<16xi32>
        %select_n3A = arith.select %ge3A_66, %add3A_69, %broadcast_in_dim3A_70 : vector<16xi1>, vector<16xi32>
        %gather3A_71 = tpu.vector_load_idx %arg6[%select_n3A] : memref<3200xf32, #tpu.memory_space<vmem>>[vector<16xi32>], vector<16xf32>,
        %swap3A_72 = arith.index_cast %mul3A_14 : i32 to index
        %swap3A_73 = tpu.vector_load %arg8[%swap3A_72] {strides = array<i32>} : memref<4096xf32, #tpu.memory_space<vmem>>, vector<16xf32>,
        tpu.vector_store %arg8[%swap3A_72], %gather3A_71 {strides = array<i32>} : memref<4096xf32, #tpu.memory_space<vmem>>, vector<16xf32>,
        %scan3A_74 = arith.constant 0 : i32
        scf.yield %scan3A_74 : i32
      }
      %scan3A_10 = arith.constant 256 : i32
      "tpu.region"() ({
        %run_scoped3A = tpu.sem_alloc : memref<!tpu.dma_semaphore, #tpu.memory_space<semaphore_mem>>
        %dma_start3A = arith.constant 0 : i32
        %dma_start3A_11 = tpu.memref_slice %arg4[%add3A, %dma_start3A] : memref<16x4096xf32, #tpu.memory_space<hbm>> -> memref<1x4096xf32, #tpu.memory_space<hbm>>
        %dma_start3A_12 = tpu.memref_squeeze %dma_start3A_11 : memref<1x4096xf32, #tpu.memory_space<hbm>> -> memref<4096xf32, #tpu.memory_space<hbm>>
        %dma_start3A_13 = arith.constant 0 : i32
        %dma_start3A_14 = tpu.memref_slice %arg4[%add3A, %dma_start3A_13] : memref<16x4096xf32, #tpu.memory_space<hbm>> -> memref<1x4096xf32, #tpu.memory_space<hbm>>
        %dma_start3A_15 = tpu.memref_squeeze %dma_start3A_14 : memref<1x4096xf32, #tpu.memory_space<hbm>> -> memref<4096xf32, #tpu.memory_space<hbm>>
        tpu.enqueue_dma source(%arg8 : memref<4096xf32, #tpu.memory_space<vmem>>) target(%dma_start3A_15 : memref<4096xf32, #tpu.memory_space<hbm>>) target_semaphore(%run_scoped3A : memref<!tpu.dma_semaphore, #tpu.memory_space<semaphore_mem>>)
        %dma_wait3A = arith.constant 0 : i32
        %dma_wait3A_16 = tpu.memref_slice %arg4[%add3A, %dma_wait3A] : memref<16x4096xf32, #tpu.memory_space<hbm>> -> memref<1x4096xf32, #tpu.memory_space<hbm>>
        %dma_wait3A_17 = tpu.memref_squeeze %dma_wait3A_16 : memref<1x4096xf32, #tpu.memory_space<hbm>> -> memref<4096xf32, #tpu.memory_space<hbm>>
        %dma_wait3A_18 = arith.constant 0 : i32
        %dma_wait3A_19 = tpu.memref_slice %arg4[%add3A, %dma_wait3A_18] : memref<16x4096xf32, #tpu.memory_space<hbm>> -> memref<1x4096xf32, #tpu.memory_space<hbm>>
        %dma_wait3A_20 = tpu.memref_squeeze %dma_wait3A_19 : memref<1x4096xf32, #tpu.memory_space<hbm>> -> memref<4096xf32, #tpu.memory_space<hbm>>
        tpu.wait_dma2 semaphore(%run_scoped3A : memref<!tpu.dma_semaphore, #tpu.memory_space<semaphore_mem>>) src(%arg8 : memref<4096xf32, #tpu.memory_space<vmem>>) dst(%dma_wait3A_20 : memref<4096xf32, #tpu.memory_space<hbm>>)
        tpu.yield
      }) : () -> ()
    } else {
    }
    return
  }
}

module attributes {stable_mosaic.version = 14 : i64} {
  func.func @_tc_pre(%arg0: memref<6x16x4096xf32, #tpu.memory_space<vmem>>, %arg1: memref<16x4096xi32, #tpu.memory_space<vmem>>) attributes {dimension_semantics = [], scalar_prefetch = 0 : i64, scratch_operands = 0 : i64, tpu.core_type = #tpu.core_type<tc>} {
    %get3A = arith.constant 0 : index
    %get3A_0 = arith.constant 0 : index
    %get3A_1 = arith.constant 0 : index
    %get3A_2 = vector.load %arg0[%get3A, %get3A_0, %get3A_1] : memref<6x16x4096xf32, #tpu.memory_space<vmem>>, vector<1x16x4096xf32>
    %get3A_3 = vector.shape_cast %get3A_2 : vector<1x16x4096xf32> to vector<16x4096xf32>
    %broadcast_in_dim3A = arith.constant 0 : i32
    %broadcast_in_dim3A_4 = vector.broadcast %broadcast_in_dim3A : i32 to vector<16x4096xi32>
    %get3A_5 = arith.constant 1 : index
    %get3A_6 = arith.constant 0 : index
    %get3A_7 = arith.constant 0 : index
    %get3A_8 = vector.load %arg0[%get3A_5, %get3A_6, %get3A_7] : memref<6x16x4096xf32, #tpu.memory_space<vmem>>, vector<1x16x4096xf32>
    %get3A_9 = vector.shape_cast %get3A_8 : vector<1x16x4096xf32> to vector<16x4096xf32>
    %gt3A = arith.cmpf ogt, %get3A_9, %get3A_3 : vector<16x4096xf32>
    %select_n3A = arith.select %gt3A, %get3A_9, %get3A_3 : vector<16x4096xi1>, vector<16x4096xf32>
    %jit3A = arith.constant 1 : i32
    %broadcast_in_dim3A_10 = vector.broadcast %jit3A : i32 to vector<16x4096xi32>
    %select_n3A_11 = arith.select %gt3A, %broadcast_in_dim3A_10, %broadcast_in_dim3A_4 : vector<16x4096xi1>, vector<16x4096xi32>
    %get3A_12 = arith.constant 2 : index
    %get3A_13 = arith.constant 0 : index
    %get3A_14 = arith.constant 0 : index
    %get3A_15 = vector.load %arg0[%get3A_12, %get3A_13, %get3A_14] : memref<6x16x4096xf32, #tpu.memory_space<vmem>>, vector<1x16x4096xf32>
    %get3A_16 = vector.shape_cast %get3A_15 : vector<1x16x4096xf32> to vector<16x4096xf32>
    %gt3A_17 = arith.cmpf ogt, %get3A_16, %select_n3A : vector<16x4096xf32>
    %select_n3A_18 = arith.select %gt3A_17, %get3A_16, %select_n3A : vector<16x4096xi1>, vector<16x4096xf32>
    %jit3A_19 = arith.constant 2 : i32
    %broadcast_in_dim3A_20 = vector.broadcast %jit3A_19 : i32 to vector<16x4096xi32>
    %select_n3A_21 = arith.select %gt3A_17, %broadcast_in_dim3A_20, %select_n3A_11 : vector<16x4096xi1>, vector<16x4096xi32>
    %get3A_22 = arith.constant 3 : index
    %get3A_23 = arith.constant 0 : index
    %get3A_24 = arith.constant 0 : index
    %get3A_25 = vector.load %arg0[%get3A_22, %get3A_23, %get3A_24] : memref<6x16x4096xf32, #tpu.memory_space<vmem>>, vector<1x16x4096xf32>
    %get3A_26 = vector.shape_cast %get3A_25 : vector<1x16x4096xf32> to vector<16x4096xf32>
    %gt3A_27 = arith.cmpf ogt, %get3A_26, %select_n3A_18 : vector<16x4096xf32>
    %select_n3A_28 = arith.select %gt3A_27, %get3A_26, %select_n3A_18 : vector<16x4096xi1>, vector<16x4096xf32>
    %jit3A_29 = arith.constant 3 : i32
    %broadcast_in_dim3A_30 = vector.broadcast %jit3A_29 : i32 to vector<16x4096xi32>
    %select_n3A_31 = arith.select %gt3A_27, %broadcast_in_dim3A_30, %select_n3A_21 : vector<16x4096xi1>, vector<16x4096xi32>
    %get3A_32 = arith.constant 4 : index
    %get3A_33 = arith.constant 0 : index
    %get3A_34 = arith.constant 0 : index
    %get3A_35 = vector.load %arg0[%get3A_32, %get3A_33, %get3A_34] : memref<6x16x4096xf32, #tpu.memory_space<vmem>>, vector<1x16x4096xf32>
    %get3A_36 = vector.shape_cast %get3A_35 : vector<1x16x4096xf32> to vector<16x4096xf32>
    %gt3A_37 = arith.cmpf ogt, %get3A_36, %select_n3A_28 : vector<16x4096xf32>
    %select_n3A_38 = arith.select %gt3A_37, %get3A_36, %select_n3A_28 : vector<16x4096xi1>, vector<16x4096xf32>
    %jit3A_39 = arith.constant 4 : i32
    %broadcast_in_dim3A_40 = vector.broadcast %jit3A_39 : i32 to vector<16x4096xi32>
    %select_n3A_41 = arith.select %gt3A_37, %broadcast_in_dim3A_40, %select_n3A_31 : vector<16x4096xi1>, vector<16x4096xi32>
    %get3A_42 = arith.constant 5 : index
    %get3A_43 = arith.constant 0 : index
    %get3A_44 = arith.constant 0 : index
    %get3A_45 = vector.load %arg0[%get3A_42, %get3A_43, %get3A_44] : memref<6x16x4096xf32, #tpu.memory_space<vmem>>, vector<1x16x4096xf32>
    %get3A_46 = vector.shape_cast %get3A_45 : vector<1x16x4096xf32> to vector<16x4096xf32>
    %gt3A_47 = arith.cmpf ogt, %get3A_46, %select_n3A_38 : vector<16x4096xf32>
    %jit3A_48 = arith.constant 5 : i32
    %broadcast_in_dim3A_49 = vector.broadcast %jit3A_48 : i32 to vector<16x4096xi32>
    %select_n3A_50 = arith.select %gt3A_47, %broadcast_in_dim3A_49, %select_n3A_41 : vector<16x4096xi1>, vector<16x4096xi32>
    %roll3A = arith.constant 1 : i32
    %roll3A_51 = tpu.dynamic_rotate %select_n3A_50 by %roll3A dim 1 : vector<16x4096xi32>, i32 -> vector<16x4096xi32>
    %iota3A = tpu.iota {dimensions = array<i32: 1>} : vector<16x4096xi32>
    %eq3A = arith.constant 0 : i32
    %eq3A_52 = vector.broadcast %eq3A : i32 to vector<16x4096xi32>
    %eq3A_53 = arith.cmpi eq, %iota3A, %eq3A_52 : vector<16x4096xi32>
    %jit3A_54 = arith.constant 0 : i32
    %broadcast_in_dim3A_55 = vector.broadcast %jit3A_54 : i32 to vector<16x4096xi32>
    %select_n3A_56 = arith.select %eq3A_53, %broadcast_in_dim3A_55, %roll3A_51 : vector<16x4096xi1>, vector<16x4096xi32>
    %ne3A = arith.constant 0 : i32
    %ne3A_57 = vector.broadcast %ne3A : i32 to vector<16x4096xi32>
    %ne3A_58 = arith.cmpi ne, %select_n3A_50, %ne3A_57 : vector<16x4096xi32>
    %ne3A_59 = arith.cmpi ne, %select_n3A_50, %select_n3A_56 : vector<16x4096xi32>
    %and3A = arith.andi %ne3A_58, %ne3A_59 : vector<16x4096xi1>
    %convert_element_type3A = arith.extui %and3A : vector<16x4096xi1> to vector<16x4096xi32>
    %convert_element_type3A_60 = arith.sitofp %convert_element_type3A : vector<16x4096xi32> to vector<16x4096xf32>
    %iota3A_61 = tpu.iota {dimensions = array<i32: 0>} : vector<128x128xi32>
    %iota3A_62 = tpu.iota {dimensions = array<i32: 1>} : vector<128x128xi32>
    %le3A = arith.cmpi sle, %iota3A_61, %iota3A_62 : vector<128x128xi32>
    %convert_element_type3A_63 = arith.extui %le3A : vector<128x128xi1> to vector<128x128xi32>
    %convert_element_type3A_64 = arith.sitofp %convert_element_type3A_63 : vector<128x128xi32> to vector<128x128xf32>
    %broadcast_in_dim3A_65 = arith.constant 0.000000e+00 : f32
    %broadcast_in_dim3A_66 = vector.broadcast %broadcast_in_dim3A_65 : f32 to vector<16x1xf32>
    %slice3A = vector.extract_strided_slice %convert_element_type3A_60 {offsets = [0, 0], sizes = [16, 128], strides = [1, 1]} : vector<16x4096xf32> to vector<16x128xf32>
    %dot_general3A = arith.constant dense<0.000000e+00> : vector<16x128xf32>
    %dot_general3A_67 = tpu.matmul %slice3A, %convert_element_type3A_64, %dot_general3A {dimension_numbers = #tpu.dot_dimension_numbers<[1], [0], [0], [1], [0, 0, 1, 1], [], []>, transpose_lhs_hint = false} : vector<16x128xf32>, vector<128x128xf32>, vector<16x128xf32> -> vector<16x128xf32>
    %add3A = vector.broadcast %broadcast_in_dim3A_66 : vector<16x1xf32> to vector<16x128xf32>
    %add3A_68 = arith.addf %dot_general3A_67, %add3A : vector<16x128xf32>
    %slice3A_69 = vector.extract_strided_slice %dot_general3A_67 {offsets = [0, 127], sizes = [16, 1], strides = [1, 1]} : vector<16x128xf32> to vector<16x1xf32>
    %add3A_70 = arith.addf %broadcast_in_dim3A_66, %slice3A_69 : vector<16x1xf32>
    %slice3A_71 = vector.extract_strided_slice %convert_element_type3A_60 {offsets = [0, 128], sizes = [16, 128], strides = [1, 1]} : vector<16x4096xf32> to vector<16x128xf32>
    %dot_general3A_72 = arith.constant dense<0.000000e+00> : vector<16x128xf32>
    %dot_general3A_73 = tpu.matmul %slice3A_71, %convert_element_type3A_64, %dot_general3A_72 {dimension_numbers = #tpu.dot_dimension_numbers<[1], [0], [0], [1], [0, 0, 1, 1], [], []>, transpose_lhs_hint = false} : vector<16x128xf32>, vector<128x128xf32>, vector<16x128xf32> -> vector<16x128xf32>
    %add3A_74 = vector.broadcast %add3A_70 : vector<16x1xf32> to vector<16x128xf32>
    %add3A_75 = arith.addf %dot_general3A_73, %add3A_74 : vector<16x128xf32>
    %slice3A_76 = vector.extract_strided_slice %dot_general3A_73 {offsets = [0, 127], sizes = [16, 1], strides = [1, 1]} : vector<16x128xf32> to vector<16x1xf32>
    %add3A_77 = arith.addf %add3A_70, %slice3A_76 : vector<16x1xf32>
    %slice3A_78 = vector.extract_strided_slice %convert_element_type3A_60 {offsets = [0, 256], sizes = [16, 128], strides = [1, 1]} : vector<16x4096xf32> to vector<16x128xf32>
    %dot_general3A_79 = arith.constant dense<0.000000e+00> : vector<16x128xf32>
    %dot_general3A_80 = tpu.matmul %slice3A_78, %convert_element_type3A_64, %dot_general3A_79 {dimension_numbers = #tpu.dot_dimension_numbers<[1], [0], [0], [1], [0, 0, 1, 1], [], []>, transpose_lhs_hint = false} : vector<16x128xf32>, vector<128x128xf32>, vector<16x128xf32> -> vector<16x128xf32>
    %add3A_81 = vector.broadcast %add3A_77 : vector<16x1xf32> to vector<16x128xf32>
    %add3A_82 = arith.addf %dot_general3A_80, %add3A_81 : vector<16x128xf32>
    %slice3A_83 = vector.extract_strided_slice %dot_general3A_80 {offsets = [0, 127], sizes = [16, 1], strides = [1, 1]} : vector<16x128xf32> to vector<16x1xf32>
    %add3A_84 = arith.addf %add3A_77, %slice3A_83 : vector<16x1xf32>
    %slice3A_85 = vector.extract_strided_slice %convert_element_type3A_60 {offsets = [0, 384], sizes = [16, 128], strides = [1, 1]} : vector<16x4096xf32> to vector<16x128xf32>
    %dot_general3A_86 = arith.constant dense<0.000000e+00> : vector<16x128xf32>
    %dot_general3A_87 = tpu.matmul %slice3A_85, %convert_element_type3A_64, %dot_general3A_86 {dimension_numbers = #tpu.dot_dimension_numbers<[1], [0], [0], [1], [0, 0, 1, 1], [], []>, transpose_lhs_hint = false} : vector<16x128xf32>, vector<128x128xf32>, vector<16x128xf32> -> vector<16x128xf32>
    %add3A_88 = vector.broadcast %add3A_84 : vector<16x1xf32> to vector<16x128xf32>
    %add3A_89 = arith.addf %dot_general3A_87, %add3A_88 : vector<16x128xf32>
    %slice3A_90 = vector.extract_strided_slice %dot_general3A_87 {offsets = [0, 127], sizes = [16, 1], strides = [1, 1]} : vector<16x128xf32> to vector<16x1xf32>
    %add3A_91 = arith.addf %add3A_84, %slice3A_90 : vector<16x1xf32>
    %slice3A_92 = vector.extract_strided_slice %convert_element_type3A_60 {offsets = [0, 512], sizes = [16, 128], strides = [1, 1]} : vector<16x4096xf32> to vector<16x128xf32>
    %dot_general3A_93 = arith.constant dense<0.000000e+00> : vector<16x128xf32>
    %dot_general3A_94 = tpu.matmul %slice3A_92, %convert_element_type3A_64, %dot_general3A_93 {dimension_numbers = #tpu.dot_dimension_numbers<[1], [0], [0], [1], [0, 0, 1, 1], [], []>, transpose_lhs_hint = false} : vector<16x128xf32>, vector<128x128xf32>, vector<16x128xf32> -> vector<16x128xf32>
    %add3A_95 = vector.broadcast %add3A_91 : vector<16x1xf32> to vector<16x128xf32>
    %add3A_96 = arith.addf %dot_general3A_94, %add3A_95 : vector<16x128xf32>
    %slice3A_97 = vector.extract_strided_slice %dot_general3A_94 {offsets = [0, 127], sizes = [16, 1], strides = [1, 1]} : vector<16x128xf32> to vector<16x1xf32>
    %add3A_98 = arith.addf %add3A_91, %slice3A_97 : vector<16x1xf32>
    %slice3A_99 = vector.extract_strided_slice %convert_element_type3A_60 {offsets = [0, 640], sizes = [16, 128], strides = [1, 1]} : vector<16x4096xf32> to vector<16x128xf32>
    %dot_general3A_100 = arith.constant dense<0.000000e+00> : vector<16x128xf32>
    %dot_general3A_101 = tpu.matmul %slice3A_99, %convert_element_type3A_64, %dot_general3A_100 {dimension_numbers = #tpu.dot_dimension_numbers<[1], [0], [0], [1], [0, 0, 1, 1], [], []>, transpose_lhs_hint = false} : vector<16x128xf32>, vector<128x128xf32>, vector<16x128xf32> -> vector<16x128xf32>
    %add3A_102 = vector.broadcast %add3A_98 : vector<16x1xf32> to vector<16x128xf32>
    %add3A_103 = arith.addf %dot_general3A_101, %add3A_102 : vector<16x128xf32>
    %slice3A_104 = vector.extract_strided_slice %dot_general3A_101 {offsets = [0, 127], sizes = [16, 1], strides = [1, 1]} : vector<16x128xf32> to vector<16x1xf32>
    %add3A_105 = arith.addf %add3A_98, %slice3A_104 : vector<16x1xf32>
    %slice3A_106 = vector.extract_strided_slice %convert_element_type3A_60 {offsets = [0, 768], sizes = [16, 128], strides = [1, 1]} : vector<16x4096xf32> to vector<16x128xf32>
    %dot_general3A_107 = arith.constant dense<0.000000e+00> : vector<16x128xf32>
    %dot_general3A_108 = tpu.matmul %slice3A_106, %convert_element_type3A_64, %dot_general3A_107 {dimension_numbers = #tpu.dot_dimension_numbers<[1], [0], [0], [1], [0, 0, 1, 1], [], []>, transpose_lhs_hint = false} : vector<16x128xf32>, vector<128x128xf32>, vector<16x128xf32> -> vector<16x128xf32>
    %add3A_109 = vector.broadcast %add3A_105 : vector<16x1xf32> to vector<16x128xf32>
    %add3A_110 = arith.addf %dot_general3A_108, %add3A_109 : vector<16x128xf32>
    %slice3A_111 = vector.extract_strided_slice %dot_general3A_108 {offsets = [0, 127], sizes = [16, 1], strides = [1, 1]} : vector<16x128xf32> to vector<16x1xf32>
    %add3A_112 = arith.addf %add3A_105, %slice3A_111 : vector<16x1xf32>
    %slice3A_113 = vector.extract_strided_slice %convert_element_type3A_60 {offsets = [0, 896], sizes = [16, 128], strides = [1, 1]} : vector<16x4096xf32> to vector<16x128xf32>
    %dot_general3A_114 = arith.constant dense<0.000000e+00> : vector<16x128xf32>
    %dot_general3A_115 = tpu.matmul %slice3A_113, %convert_element_type3A_64, %dot_general3A_114 {dimension_numbers = #tpu.dot_dimension_numbers<[1], [0], [0], [1], [0, 0, 1, 1], [], []>, transpose_lhs_hint = false} : vector<16x128xf32>, vector<128x128xf32>, vector<16x128xf32> -> vector<16x128xf32>
    %add3A_116 = vector.broadcast %add3A_112 : vector<16x1xf32> to vector<16x128xf32>
    %add3A_117 = arith.addf %dot_general3A_115, %add3A_116 : vector<16x128xf32>
    %slice3A_118 = vector.extract_strided_slice %dot_general3A_115 {offsets = [0, 127], sizes = [16, 1], strides = [1, 1]} : vector<16x128xf32> to vector<16x1xf32>
    %add3A_119 = arith.addf %add3A_112, %slice3A_118 : vector<16x1xf32>
    %slice3A_120 = vector.extract_strided_slice %convert_element_type3A_60 {offsets = [0, 1024], sizes = [16, 128], strides = [1, 1]} : vector<16x4096xf32> to vector<16x128xf32>
    %dot_general3A_121 = arith.constant dense<0.000000e+00> : vector<16x128xf32>
    %dot_general3A_122 = tpu.matmul %slice3A_120, %convert_element_type3A_64, %dot_general3A_121 {dimension_numbers = #tpu.dot_dimension_numbers<[1], [0], [0], [1], [0, 0, 1, 1], [], []>, transpose_lhs_hint = false} : vector<16x128xf32>, vector<128x128xf32>, vector<16x128xf32> -> vector<16x128xf32>
    %add3A_123 = vector.broadcast %add3A_119 : vector<16x1xf32> to vector<16x128xf32>
    %add3A_124 = arith.addf %dot_general3A_122, %add3A_123 : vector<16x128xf32>
    %slice3A_125 = vector.extract_strided_slice %dot_general3A_122 {offsets = [0, 127], sizes = [16, 1], strides = [1, 1]} : vector<16x128xf32> to vector<16x1xf32>
    %add3A_126 = arith.addf %add3A_119, %slice3A_125 : vector<16x1xf32>
    %slice3A_127 = vector.extract_strided_slice %convert_element_type3A_60 {offsets = [0, 1152], sizes = [16, 128], strides = [1, 1]} : vector<16x4096xf32> to vector<16x128xf32>
    %dot_general3A_128 = arith.constant dense<0.000000e+00> : vector<16x128xf32>
    %dot_general3A_129 = tpu.matmul %slice3A_127, %convert_element_type3A_64, %dot_general3A_128 {dimension_numbers = #tpu.dot_dimension_numbers<[1], [0], [0], [1], [0, 0, 1, 1], [], []>, transpose_lhs_hint = false} : vector<16x128xf32>, vector<128x128xf32>, vector<16x128xf32> -> vector<16x128xf32>
    %add3A_130 = vector.broadcast %add3A_126 : vector<16x1xf32> to vector<16x128xf32>
    %add3A_131 = arith.addf %dot_general3A_129, %add3A_130 : vector<16x128xf32>
    %slice3A_132 = vector.extract_strided_slice %dot_general3A_129 {offsets = [0, 127], sizes = [16, 1], strides = [1, 1]} : vector<16x128xf32> to vector<16x1xf32>
    %add3A_133 = arith.addf %add3A_126, %slice3A_132 : vector<16x1xf32>
    %slice3A_134 = vector.extract_strided_slice %convert_element_type3A_60 {offsets = [0, 1280], sizes = [16, 128], strides = [1, 1]} : vector<16x4096xf32> to vector<16x128xf32>
    %dot_general3A_135 = arith.constant dense<0.000000e+00> : vector<16x128xf32>
    %dot_general3A_136 = tpu.matmul %slice3A_134, %convert_element_type3A_64, %dot_general3A_135 {dimension_numbers = #tpu.dot_dimension_numbers<[1], [0], [0], [1], [0, 0, 1, 1], [], []>, transpose_lhs_hint = false} : vector<16x128xf32>, vector<128x128xf32>, vector<16x128xf32> -> vector<16x128xf32>
    %add3A_137 = vector.broadcast %add3A_133 : vector<16x1xf32> to vector<16x128xf32>
    %add3A_138 = arith.addf %dot_general3A_136, %add3A_137 : vector<16x128xf32>
    %slice3A_139 = vector.extract_strided_slice %dot_general3A_136 {offsets = [0, 127], sizes = [16, 1], strides = [1, 1]} : vector<16x128xf32> to vector<16x1xf32>
    %add3A_140 = arith.addf %add3A_133, %slice3A_139 : vector<16x1xf32>
    %slice3A_141 = vector.extract_strided_slice %convert_element_type3A_60 {offsets = [0, 1408], sizes = [16, 128], strides = [1, 1]} : vector<16x4096xf32> to vector<16x128xf32>
    %dot_general3A_142 = arith.constant dense<0.000000e+00> : vector<16x128xf32>
    %dot_general3A_143 = tpu.matmul %slice3A_141, %convert_element_type3A_64, %dot_general3A_142 {dimension_numbers = #tpu.dot_dimension_numbers<[1], [0], [0], [1], [0, 0, 1, 1], [], []>, transpose_lhs_hint = false} : vector<16x128xf32>, vector<128x128xf32>, vector<16x128xf32> -> vector<16x128xf32>
    %add3A_144 = vector.broadcast %add3A_140 : vector<16x1xf32> to vector<16x128xf32>
    %add3A_145 = arith.addf %dot_general3A_143, %add3A_144 : vector<16x128xf32>
    %slice3A_146 = vector.extract_strided_slice %dot_general3A_143 {offsets = [0, 127], sizes = [16, 1], strides = [1, 1]} : vector<16x128xf32> to vector<16x1xf32>
    %add3A_147 = arith.addf %add3A_140, %slice3A_146 : vector<16x1xf32>
    %slice3A_148 = vector.extract_strided_slice %convert_element_type3A_60 {offsets = [0, 1536], sizes = [16, 128], strides = [1, 1]} : vector<16x4096xf32> to vector<16x128xf32>
    %dot_general3A_149 = arith.constant dense<0.000000e+00> : vector<16x128xf32>
    %dot_general3A_150 = tpu.matmul %slice3A_148, %convert_element_type3A_64, %dot_general3A_149 {dimension_numbers = #tpu.dot_dimension_numbers<[1], [0], [0], [1], [0, 0, 1, 1], [], []>, transpose_lhs_hint = false} : vector<16x128xf32>, vector<128x128xf32>, vector<16x128xf32> -> vector<16x128xf32>
    %add3A_151 = vector.broadcast %add3A_147 : vector<16x1xf32> to vector<16x128xf32>
    %add3A_152 = arith.addf %dot_general3A_150, %add3A_151 : vector<16x128xf32>
    %slice3A_153 = vector.extract_strided_slice %dot_general3A_150 {offsets = [0, 127], sizes = [16, 1], strides = [1, 1]} : vector<16x128xf32> to vector<16x1xf32>
    %add3A_154 = arith.addf %add3A_147, %slice3A_153 : vector<16x1xf32>
    %slice3A_155 = vector.extract_strided_slice %convert_element_type3A_60 {offsets = [0, 1664], sizes = [16, 128], strides = [1, 1]} : vector<16x4096xf32> to vector<16x128xf32>
    %dot_general3A_156 = arith.constant dense<0.000000e+00> : vector<16x128xf32>
    %dot_general3A_157 = tpu.matmul %slice3A_155, %convert_element_type3A_64, %dot_general3A_156 {dimension_numbers = #tpu.dot_dimension_numbers<[1], [0], [0], [1], [0, 0, 1, 1], [], []>, transpose_lhs_hint = false} : vector<16x128xf32>, vector<128x128xf32>, vector<16x128xf32> -> vector<16x128xf32>
    %add3A_158 = vector.broadcast %add3A_154 : vector<16x1xf32> to vector<16x128xf32>
    %add3A_159 = arith.addf %dot_general3A_157, %add3A_158 : vector<16x128xf32>
    %slice3A_160 = vector.extract_strided_slice %dot_general3A_157 {offsets = [0, 127], sizes = [16, 1], strides = [1, 1]} : vector<16x128xf32> to vector<16x1xf32>
    %add3A_161 = arith.addf %add3A_154, %slice3A_160 : vector<16x1xf32>
    %slice3A_162 = vector.extract_strided_slice %convert_element_type3A_60 {offsets = [0, 1792], sizes = [16, 128], strides = [1, 1]} : vector<16x4096xf32> to vector<16x128xf32>
    %dot_general3A_163 = arith.constant dense<0.000000e+00> : vector<16x128xf32>
    %dot_general3A_164 = tpu.matmul %slice3A_162, %convert_element_type3A_64, %dot_general3A_163 {dimension_numbers = #tpu.dot_dimension_numbers<[1], [0], [0], [1], [0, 0, 1, 1], [], []>, transpose_lhs_hint = false} : vector<16x128xf32>, vector<128x128xf32>, vector<16x128xf32> -> vector<16x128xf32>
    %add3A_165 = vector.broadcast %add3A_161 : vector<16x1xf32> to vector<16x128xf32>
    %add3A_166 = arith.addf %dot_general3A_164, %add3A_165 : vector<16x128xf32>
    %slice3A_167 = vector.extract_strided_slice %dot_general3A_164 {offsets = [0, 127], sizes = [16, 1], strides = [1, 1]} : vector<16x128xf32> to vector<16x1xf32>
    %add3A_168 = arith.addf %add3A_161, %slice3A_167 : vector<16x1xf32>
    %slice3A_169 = vector.extract_strided_slice %convert_element_type3A_60 {offsets = [0, 1920], sizes = [16, 128], strides = [1, 1]} : vector<16x4096xf32> to vector<16x128xf32>
    %dot_general3A_170 = arith.constant dense<0.000000e+00> : vector<16x128xf32>
    %dot_general3A_171 = tpu.matmul %slice3A_169, %convert_element_type3A_64, %dot_general3A_170 {dimension_numbers = #tpu.dot_dimension_numbers<[1], [0], [0], [1], [0, 0, 1, 1], [], []>, transpose_lhs_hint = false} : vector<16x128xf32>, vector<128x128xf32>, vector<16x128xf32> -> vector<16x128xf32>
    %add3A_172 = vector.broadcast %add3A_168 : vector<16x1xf32> to vector<16x128xf32>
    %add3A_173 = arith.addf %dot_general3A_171, %add3A_172 : vector<16x128xf32>
    %slice3A_174 = vector.extract_strided_slice %dot_general3A_171 {offsets = [0, 127], sizes = [16, 1], strides = [1, 1]} : vector<16x128xf32> to vector<16x1xf32>
    %add3A_175 = arith.addf %add3A_168, %slice3A_174 : vector<16x1xf32>
    %slice3A_176 = vector.extract_strided_slice %convert_element_type3A_60 {offsets = [0, 2048], sizes = [16, 128], strides = [1, 1]} : vector<16x4096xf32> to vector<16x128xf32>
    %dot_general3A_177 = arith.constant dense<0.000000e+00> : vector<16x128xf32>
    %dot_general3A_178 = tpu.matmul %slice3A_176, %convert_element_type3A_64, %dot_general3A_177 {dimension_numbers = #tpu.dot_dimension_numbers<[1], [0], [0], [1], [0, 0, 1, 1], [], []>, transpose_lhs_hint = false} : vector<16x128xf32>, vector<128x128xf32>, vector<16x128xf32> -> vector<16x128xf32>
    %add3A_179 = vector.broadcast %add3A_175 : vector<16x1xf32> to vector<16x128xf32>
    %add3A_180 = arith.addf %dot_general3A_178, %add3A_179 : vector<16x128xf32>
    %slice3A_181 = vector.extract_strided_slice %dot_general3A_178 {offsets = [0, 127], sizes = [16, 1], strides = [1, 1]} : vector<16x128xf32> to vector<16x1xf32>
    %add3A_182 = arith.addf %add3A_175, %slice3A_181 : vector<16x1xf32>
    %slice3A_183 = vector.extract_strided_slice %convert_element_type3A_60 {offsets = [0, 2176], sizes = [16, 128], strides = [1, 1]} : vector<16x4096xf32> to vector<16x128xf32>
    %dot_general3A_184 = arith.constant dense<0.000000e+00> : vector<16x128xf32>
    %dot_general3A_185 = tpu.matmul %slice3A_183, %convert_element_type3A_64, %dot_general3A_184 {dimension_numbers = #tpu.dot_dimension_numbers<[1], [0], [0], [1], [0, 0, 1, 1], [], []>, transpose_lhs_hint = false} : vector<16x128xf32>, vector<128x128xf32>, vector<16x128xf32> -> vector<16x128xf32>
    %add3A_186 = vector.broadcast %add3A_182 : vector<16x1xf32> to vector<16x128xf32>
    %add3A_187 = arith.addf %dot_general3A_185, %add3A_186 : vector<16x128xf32>
    %slice3A_188 = vector.extract_strided_slice %dot_general3A_185 {offsets = [0, 127], sizes = [16, 1], strides = [1, 1]} : vector<16x128xf32> to vector<16x1xf32>
    %add3A_189 = arith.addf %add3A_182, %slice3A_188 : vector<16x1xf32>
    %slice3A_190 = vector.extract_strided_slice %convert_element_type3A_60 {offsets = [0, 2304], sizes = [16, 128], strides = [1, 1]} : vector<16x4096xf32> to vector<16x128xf32>
    %dot_general3A_191 = arith.constant dense<0.000000e+00> : vector<16x128xf32>
    %dot_general3A_192 = tpu.matmul %slice3A_190, %convert_element_type3A_64, %dot_general3A_191 {dimension_numbers = #tpu.dot_dimension_numbers<[1], [0], [0], [1], [0, 0, 1, 1], [], []>, transpose_lhs_hint = false} : vector<16x128xf32>, vector<128x128xf32>, vector<16x128xf32> -> vector<16x128xf32>
    %add3A_193 = vector.broadcast %add3A_189 : vector<16x1xf32> to vector<16x128xf32>
    %add3A_194 = arith.addf %dot_general3A_192, %add3A_193 : vector<16x128xf32>
    %slice3A_195 = vector.extract_strided_slice %dot_general3A_192 {offsets = [0, 127], sizes = [16, 1], strides = [1, 1]} : vector<16x128xf32> to vector<16x1xf32>
    %add3A_196 = arith.addf %add3A_189, %slice3A_195 : vector<16x1xf32>
    %slice3A_197 = vector.extract_strided_slice %convert_element_type3A_60 {offsets = [0, 2432], sizes = [16, 128], strides = [1, 1]} : vector<16x4096xf32> to vector<16x128xf32>
    %dot_general3A_198 = arith.constant dense<0.000000e+00> : vector<16x128xf32>
    %dot_general3A_199 = tpu.matmul %slice3A_197, %convert_element_type3A_64, %dot_general3A_198 {dimension_numbers = #tpu.dot_dimension_numbers<[1], [0], [0], [1], [0, 0, 1, 1], [], []>, transpose_lhs_hint = false} : vector<16x128xf32>, vector<128x128xf32>, vector<16x128xf32> -> vector<16x128xf32>
    %add3A_200 = vector.broadcast %add3A_196 : vector<16x1xf32> to vector<16x128xf32>
    %add3A_201 = arith.addf %dot_general3A_199, %add3A_200 : vector<16x128xf32>
    %slice3A_202 = vector.extract_strided_slice %dot_general3A_199 {offsets = [0, 127], sizes = [16, 1], strides = [1, 1]} : vector<16x128xf32> to vector<16x1xf32>
    %add3A_203 = arith.addf %add3A_196, %slice3A_202 : vector<16x1xf32>
    %slice3A_204 = vector.extract_strided_slice %convert_element_type3A_60 {offsets = [0, 2560], sizes = [16, 128], strides = [1, 1]} : vector<16x4096xf32> to vector<16x128xf32>
    %dot_general3A_205 = arith.constant dense<0.000000e+00> : vector<16x128xf32>
    %dot_general3A_206 = tpu.matmul %slice3A_204, %convert_element_type3A_64, %dot_general3A_205 {dimension_numbers = #tpu.dot_dimension_numbers<[1], [0], [0], [1], [0, 0, 1, 1], [], []>, transpose_lhs_hint = false} : vector<16x128xf32>, vector<128x128xf32>, vector<16x128xf32> -> vector<16x128xf32>
    %add3A_207 = vector.broadcast %add3A_203 : vector<16x1xf32> to vector<16x128xf32>
    %add3A_208 = arith.addf %dot_general3A_206, %add3A_207 : vector<16x128xf32>
    %slice3A_209 = vector.extract_strided_slice %dot_general3A_206 {offsets = [0, 127], sizes = [16, 1], strides = [1, 1]} : vector<16x128xf32> to vector<16x1xf32>
    %add3A_210 = arith.addf %add3A_203, %slice3A_209 : vector<16x1xf32>
    %slice3A_211 = vector.extract_strided_slice %convert_element_type3A_60 {offsets = [0, 2688], sizes = [16, 128], strides = [1, 1]} : vector<16x4096xf32> to vector<16x128xf32>
    %dot_general3A_212 = arith.constant dense<0.000000e+00> : vector<16x128xf32>
    %dot_general3A_213 = tpu.matmul %slice3A_211, %convert_element_type3A_64, %dot_general3A_212 {dimension_numbers = #tpu.dot_dimension_numbers<[1], [0], [0], [1], [0, 0, 1, 1], [], []>, transpose_lhs_hint = false} : vector<16x128xf32>, vector<128x128xf32>, vector<16x128xf32> -> vector<16x128xf32>
    %add3A_214 = vector.broadcast %add3A_210 : vector<16x1xf32> to vector<16x128xf32>
    %add3A_215 = arith.addf %dot_general3A_213, %add3A_214 : vector<16x128xf32>
    %slice3A_216 = vector.extract_strided_slice %dot_general3A_213 {offsets = [0, 127], sizes = [16, 1], strides = [1, 1]} : vector<16x128xf32> to vector<16x1xf32>
    %add3A_217 = arith.addf %add3A_210, %slice3A_216 : vector<16x1xf32>
    %slice3A_218 = vector.extract_strided_slice %convert_element_type3A_60 {offsets = [0, 2816], sizes = [16, 128], strides = [1, 1]} : vector<16x4096xf32> to vector<16x128xf32>
    %dot_general3A_219 = arith.constant dense<0.000000e+00> : vector<16x128xf32>
    %dot_general3A_220 = tpu.matmul %slice3A_218, %convert_element_type3A_64, %dot_general3A_219 {dimension_numbers = #tpu.dot_dimension_numbers<[1], [0], [0], [1], [0, 0, 1, 1], [], []>, transpose_lhs_hint = false} : vector<16x128xf32>, vector<128x128xf32>, vector<16x128xf32> -> vector<16x128xf32>
    %add3A_221 = vector.broadcast %add3A_217 : vector<16x1xf32> to vector<16x128xf32>
    %add3A_222 = arith.addf %dot_general3A_220, %add3A_221 : vector<16x128xf32>
    %slice3A_223 = vector.extract_strided_slice %dot_general3A_220 {offsets = [0, 127], sizes = [16, 1], strides = [1, 1]} : vector<16x128xf32> to vector<16x1xf32>
    %add3A_224 = arith.addf %add3A_217, %slice3A_223 : vector<16x1xf32>
    %slice3A_225 = vector.extract_strided_slice %convert_element_type3A_60 {offsets = [0, 2944], sizes = [16, 128], strides = [1, 1]} : vector<16x4096xf32> to vector<16x128xf32>
    %dot_general3A_226 = arith.constant dense<0.000000e+00> : vector<16x128xf32>
    %dot_general3A_227 = tpu.matmul %slice3A_225, %convert_element_type3A_64, %dot_general3A_226 {dimension_numbers = #tpu.dot_dimension_numbers<[1], [0], [0], [1], [0, 0, 1, 1], [], []>, transpose_lhs_hint = false} : vector<16x128xf32>, vector<128x128xf32>, vector<16x128xf32> -> vector<16x128xf32>
    %add3A_228 = vector.broadcast %add3A_224 : vector<16x1xf32> to vector<16x128xf32>
    %add3A_229 = arith.addf %dot_general3A_227, %add3A_228 : vector<16x128xf32>
    %slice3A_230 = vector.extract_strided_slice %dot_general3A_227 {offsets = [0, 127], sizes = [16, 1], strides = [1, 1]} : vector<16x128xf32> to vector<16x1xf32>
    %add3A_231 = arith.addf %add3A_224, %slice3A_230 : vector<16x1xf32>
    %slice3A_232 = vector.extract_strided_slice %convert_element_type3A_60 {offsets = [0, 3072], sizes = [16, 128], strides = [1, 1]} : vector<16x4096xf32> to vector<16x128xf32>
    %dot_general3A_233 = arith.constant dense<0.000000e+00> : vector<16x128xf32>
    %dot_general3A_234 = tpu.matmul %slice3A_232, %convert_element_type3A_64, %dot_general3A_233 {dimension_numbers = #tpu.dot_dimension_numbers<[1], [0], [0], [1], [0, 0, 1, 1], [], []>, transpose_lhs_hint = false} : vector<16x128xf32>, vector<128x128xf32>, vector<16x128xf32> -> vector<16x128xf32>
    %add3A_235 = vector.broadcast %add3A_231 : vector<16x1xf32> to vector<16x128xf32>
    %add3A_236 = arith.addf %dot_general3A_234, %add3A_235 : vector<16x128xf32>
    %slice3A_237 = vector.extract_strided_slice %dot_general3A_234 {offsets = [0, 127], sizes = [16, 1], strides = [1, 1]} : vector<16x128xf32> to vector<16x1xf32>
    %add3A_238 = arith.addf %add3A_231, %slice3A_237 : vector<16x1xf32>
    %slice3A_239 = vector.extract_strided_slice %convert_element_type3A_60 {offsets = [0, 3200], sizes = [16, 128], strides = [1, 1]} : vector<16x4096xf32> to vector<16x128xf32>
    %dot_general3A_240 = arith.constant dense<0.000000e+00> : vector<16x128xf32>
    %dot_general3A_241 = tpu.matmul %slice3A_239, %convert_element_type3A_64, %dot_general3A_240 {dimension_numbers = #tpu.dot_dimension_numbers<[1], [0], [0], [1], [0, 0, 1, 1], [], []>, transpose_lhs_hint = false} : vector<16x128xf32>, vector<128x128xf32>, vector<16x128xf32> -> vector<16x128xf32>
    %add3A_242 = vector.broadcast %add3A_238 : vector<16x1xf32> to vector<16x128xf32>
    %add3A_243 = arith.addf %dot_general3A_241, %add3A_242 : vector<16x128xf32>
    %slice3A_244 = vector.extract_strided_slice %dot_general3A_241 {offsets = [0, 127], sizes = [16, 1], strides = [1, 1]} : vector<16x128xf32> to vector<16x1xf32>
    %add3A_245 = arith.addf %add3A_238, %slice3A_244 : vector<16x1xf32>
    %slice3A_246 = vector.extract_strided_slice %convert_element_type3A_60 {offsets = [0, 3328], sizes = [16, 128], strides = [1, 1]} : vector<16x4096xf32> to vector<16x128xf32>
    %dot_general3A_247 = arith.constant dense<0.000000e+00> : vector<16x128xf32>
    %dot_general3A_248 = tpu.matmul %slice3A_246, %convert_element_type3A_64, %dot_general3A_247 {dimension_numbers = #tpu.dot_dimension_numbers<[1], [0], [0], [1], [0, 0, 1, 1], [], []>, transpose_lhs_hint = false} : vector<16x128xf32>, vector<128x128xf32>, vector<16x128xf32> -> vector<16x128xf32>
    %add3A_249 = vector.broadcast %add3A_245 : vector<16x1xf32> to vector<16x128xf32>
    %add3A_250 = arith.addf %dot_general3A_248, %add3A_249 : vector<16x128xf32>
    %slice3A_251 = vector.extract_strided_slice %dot_general3A_248 {offsets = [0, 127], sizes = [16, 1], strides = [1, 1]} : vector<16x128xf32> to vector<16x1xf32>
    %add3A_252 = arith.addf %add3A_245, %slice3A_251 : vector<16x1xf32>
    %slice3A_253 = vector.extract_strided_slice %convert_element_type3A_60 {offsets = [0, 3456], sizes = [16, 128], strides = [1, 1]} : vector<16x4096xf32> to vector<16x128xf32>
    %dot_general3A_254 = arith.constant dense<0.000000e+00> : vector<16x128xf32>
    %dot_general3A_255 = tpu.matmul %slice3A_253, %convert_element_type3A_64, %dot_general3A_254 {dimension_numbers = #tpu.dot_dimension_numbers<[1], [0], [0], [1], [0, 0, 1, 1], [], []>, transpose_lhs_hint = false} : vector<16x128xf32>, vector<128x128xf32>, vector<16x128xf32> -> vector<16x128xf32>
    %add3A_256 = vector.broadcast %add3A_252 : vector<16x1xf32> to vector<16x128xf32>
    %add3A_257 = arith.addf %dot_general3A_255, %add3A_256 : vector<16x128xf32>
    %slice3A_258 = vector.extract_strided_slice %dot_general3A_255 {offsets = [0, 127], sizes = [16, 1], strides = [1, 1]} : vector<16x128xf32> to vector<16x1xf32>
    %add3A_259 = arith.addf %add3A_252, %slice3A_258 : vector<16x1xf32>
    %slice3A_260 = vector.extract_strided_slice %convert_element_type3A_60 {offsets = [0, 3584], sizes = [16, 128], strides = [1, 1]} : vector<16x4096xf32> to vector<16x128xf32>
    %dot_general3A_261 = arith.constant dense<0.000000e+00> : vector<16x128xf32>
    %dot_general3A_262 = tpu.matmul %slice3A_260, %convert_element_type3A_64, %dot_general3A_261 {dimension_numbers = #tpu.dot_dimension_numbers<[1], [0], [0], [1], [0, 0, 1, 1], [], []>, transpose_lhs_hint = false} : vector<16x128xf32>, vector<128x128xf32>, vector<16x128xf32> -> vector<16x128xf32>
    %add3A_263 = vector.broadcast %add3A_259 : vector<16x1xf32> to vector<16x128xf32>
    %add3A_264 = arith.addf %dot_general3A_262, %add3A_263 : vector<16x128xf32>
    %slice3A_265 = vector.extract_strided_slice %dot_general3A_262 {offsets = [0, 127], sizes = [16, 1], strides = [1, 1]} : vector<16x128xf32> to vector<16x1xf32>
    %add3A_266 = arith.addf %add3A_259, %slice3A_265 : vector<16x1xf32>
    %slice3A_267 = vector.extract_strided_slice %convert_element_type3A_60 {offsets = [0, 3712], sizes = [16, 128], strides = [1, 1]} : vector<16x4096xf32> to vector<16x128xf32>
    %dot_general3A_268 = arith.constant dense<0.000000e+00> : vector<16x128xf32>
    %dot_general3A_269 = tpu.matmul %slice3A_267, %convert_element_type3A_64, %dot_general3A_268 {dimension_numbers = #tpu.dot_dimension_numbers<[1], [0], [0], [1], [0, 0, 1, 1], [], []>, transpose_lhs_hint = false} : vector<16x128xf32>, vector<128x128xf32>, vector<16x128xf32> -> vector<16x128xf32>
    %add3A_270 = vector.broadcast %add3A_266 : vector<16x1xf32> to vector<16x128xf32>
    %add3A_271 = arith.addf %dot_general3A_269, %add3A_270 : vector<16x128xf32>
    %slice3A_272 = vector.extract_strided_slice %dot_general3A_269 {offsets = [0, 127], sizes = [16, 1], strides = [1, 1]} : vector<16x128xf32> to vector<16x1xf32>
    %add3A_273 = arith.addf %add3A_266, %slice3A_272 : vector<16x1xf32>
    %slice3A_274 = vector.extract_strided_slice %convert_element_type3A_60 {offsets = [0, 3840], sizes = [16, 128], strides = [1, 1]} : vector<16x4096xf32> to vector<16x128xf32>
    %dot_general3A_275 = arith.constant dense<0.000000e+00> : vector<16x128xf32>
    %dot_general3A_276 = tpu.matmul %slice3A_274, %convert_element_type3A_64, %dot_general3A_275 {dimension_numbers = #tpu.dot_dimension_numbers<[1], [0], [0], [1], [0, 0, 1, 1], [], []>, transpose_lhs_hint = false} : vector<16x128xf32>, vector<128x128xf32>, vector<16x128xf32> -> vector<16x128xf32>
    %add3A_277 = vector.broadcast %add3A_273 : vector<16x1xf32> to vector<16x128xf32>
    %add3A_278 = arith.addf %dot_general3A_276, %add3A_277 : vector<16x128xf32>
    %slice3A_279 = vector.extract_strided_slice %dot_general3A_276 {offsets = [0, 127], sizes = [16, 1], strides = [1, 1]} : vector<16x128xf32> to vector<16x1xf32>
    %add3A_280 = arith.addf %add3A_273, %slice3A_279 : vector<16x1xf32>
    %slice3A_281 = vector.extract_strided_slice %convert_element_type3A_60 {offsets = [0, 3968], sizes = [16, 128], strides = [1, 1]} : vector<16x4096xf32> to vector<16x128xf32>
    %dot_general3A_282 = arith.constant dense<0.000000e+00> : vector<16x128xf32>
    %dot_general3A_283 = tpu.matmul %slice3A_281, %convert_element_type3A_64, %dot_general3A_282 {dimension_numbers = #tpu.dot_dimension_numbers<[1], [0], [0], [1], [0, 0, 1, 1], [], []>, transpose_lhs_hint = false} : vector<16x128xf32>, vector<128x128xf32>, vector<16x128xf32> -> vector<16x128xf32>
    %add3A_284 = vector.broadcast %add3A_280 : vector<16x1xf32> to vector<16x128xf32>
    %add3A_285 = arith.addf %dot_general3A_283, %add3A_284 : vector<16x128xf32>
    %concatenate3A = tpu.concatenate %add3A_68, %add3A_75, %add3A_82, %add3A_89, %add3A_96, %add3A_103, %add3A_110, %add3A_117, %add3A_124, %add3A_131, %add3A_138, %add3A_145, %add3A_152, %add3A_159, %add3A_166, %add3A_173, %add3A_180, %add3A_187, %add3A_194, %add3A_201, %add3A_208, %add3A_215, %add3A_222, %add3A_229, %add3A_236, %add3A_243, %add3A_250, %add3A_257, %add3A_264, %add3A_271, %add3A_278, %add3A_285 in 1 : vector<16x128xf32>, vector<16x128xf32>, vector<16x128xf32>, vector<16x128xf32>, vector<16x128xf32>, vector<16x128xf32>, vector<16x128xf32>, vector<16x128xf32>, vector<16x128xf32>, vector<16x128xf32>, vector<16x128xf32>, vector<16x128xf32>, vector<16x128xf32>, vector<16x128xf32>, vector<16x128xf32>, vector<16x128xf32>, vector<16x128xf32>, vector<16x128xf32>, vector<16x128xf32>, vector<16x128xf32>, vector<16x128xf32>, vector<16x128xf32>, vector<16x128xf32>, vector<16x128xf32>, vector<16x128xf32>, vector<16x128xf32>, vector<16x128xf32>, vector<16x128xf32>, vector<16x128xf32>, vector<16x128xf32>, vector<16x128xf32>, vector<16x128xf32> -> vector<16x4096xf32>
    %convert_element_type3A_286 = arith.fptosi %concatenate3A : vector<16x4096xf32> to vector<16x4096xi32>
    %add3A_287 = arith.constant 8 : i32
    %add3A_288 = vector.broadcast %add3A_287 : i32 to vector<16x4096xi32>
    %add3A_289 = arith.addi %convert_element_type3A_286, %add3A_288 : vector<16x4096xi32>
    %mul3A = arith.constant 16 : i32
    %mul3A_290 = vector.broadcast %mul3A : i32 to vector<16x4096xi32>
    %mul3A_291 = arith.muli %add3A_289, %mul3A_290 : vector<16x4096xi32>
    %add3A_292 = arith.constant 8 : i32
    %add3A_293 = vector.broadcast %add3A_292 : i32 to vector<16x4096xi32>
    %add3A_294 = arith.addi %add3A_293, %select_n3A_50 : vector<16x4096xi32>
    %sub3A = arith.constant 1 : i32
    %sub3A_295 = vector.broadcast %sub3A : i32 to vector<16x4096xi32>
    %sub3A_296 = arith.subi %add3A_294, %sub3A_295 : vector<16x4096xi32>
    %jit3A_297 = arith.constant 0 : i32
    %broadcast_in_dim3A_298 = vector.broadcast %jit3A_297 : i32 to vector<16x4096xi32>
    %select_n3A_299 = arith.select %and3A, %sub3A_296, %broadcast_in_dim3A_298 : vector<16x4096xi1>, vector<16x4096xi32>
    %add3A_300 = arith.addi %mul3A_291, %select_n3A_299 : vector<16x4096xi32>
    %swap3A = arith.constant 0 : index
    %swap3A_301 = arith.constant 0 : index
    %swap3A_302 = vector.load %arg1[%swap3A, %swap3A_301] : memref<16x4096xi32, #tpu.memory_space<vmem>>, vector<16x4096xi32>
    tpu.vector_store %arg1[%swap3A, %swap3A_301], %add3A_300 {strides = array<i32>} : memref<16x4096xi32, #tpu.memory_space<vmem>>, vector<16x4096xi32>,
    return
  }
}

module attributes {stable_mosaic.version = 14 : i64} {
  func.func @_tc_finalize(%arg0: memref<16x4096xf32, #tpu.memory_space<vmem>>, %arg1: memref<1xf32, #tpu.memory_space<smem>>, %arg2: memref<1xf32, #tpu.memory_space<smem>>, %arg3: memref<128x640xf32, #tpu.memory_space<vmem>>, %arg4: memref<16x160x128xf32, #tpu.memory_space<vmem>>) attributes {dimension_semantics = [], scalar_prefetch = 0 : i64, scratch_operands = 0 : i64, tpu.core_type = #tpu.core_type<tc>} {
    %get3A = arith.constant 0 : index
    %get3A_0 = arith.constant 0 : index
    %get3A_1 = vector.load %arg0[%get3A, %get3A_0] : memref<16x4096xf32, #tpu.memory_space<vmem>>, vector<16x4096xf32>
    %reduce_sum3A = vector.shape_cast %get3A_1 : vector<16x4096xf32> to vector<1x16x4096xf32>
    %reduce_sum3A_2 = arith.constant dense<0.000000e+00> : vector<1xf32>
    %reduce_sum3A_3 = vector.multi_reduction <add>, %reduce_sum3A, %reduce_sum3A_2 [1, 2] : vector<1x16x4096xf32> to vector<1xf32>
    %reduce_sum3A_4 = vector.shape_cast %reduce_sum3A_3 : vector<1xf32> to vector<1x1x1xf32>
    %reduce_sum3A_5 = vector.extract %reduce_sum3A_4[0, 0, 0] : f32 from vector<1x1x1xf32>
    %div3A = arith.constant 6.553600e+04 : f32
    %div3A_6 = arith.divf %reduce_sum3A_5, %div3A : f32
    %mul3A = arith.mulf %get3A_1, %get3A_1 : vector<16x4096xf32>
    %reduce_sum3A_7 = vector.shape_cast %mul3A : vector<16x4096xf32> to vector<1x16x4096xf32>
    %reduce_sum3A_8 = arith.constant dense<0.000000e+00> : vector<1xf32>
    %reduce_sum3A_9 = vector.multi_reduction <add>, %reduce_sum3A_7, %reduce_sum3A_8 [1, 2] : vector<1x16x4096xf32> to vector<1xf32>
    %reduce_sum3A_10 = vector.shape_cast %reduce_sum3A_9 : vector<1xf32> to vector<1x1x1xf32>
    %reduce_sum3A_11 = vector.extract %reduce_sum3A_10[0, 0, 0] : f32 from vector<1x1x1xf32>
    %div3A_12 = arith.constant 6.553600e+04 : f32
    %div3A_13 = arith.divf %reduce_sum3A_11, %div3A_12 : f32
    %mul3A_14 = arith.mulf %div3A_6, %div3A_6 : f32
    %sub3A = arith.subf %div3A_13, %mul3A_14 : f32
    %get3A_15 = arith.constant 0 : index
    %get3A_16 = memref.load %arg1[%get3A_15] : memref<1xf32, #tpu.memory_space<smem>>
    %add3A = arith.constant 9.99999974E-6 : f32
    %add3A_17 = arith.addf %sub3A, %add3A : f32
    %rsqrt3A = math.rsqrt %add3A_17 : f32
    %mul3A_18 = arith.mulf %get3A_16, %rsqrt3A : f32
    %get3A_19 = arith.constant 0 : index
    %get3A_20 = memref.load %arg2[%get3A_19] : memref<1xf32, #tpu.memory_space<smem>>
    %mul3A_21 = arith.mulf %div3A_6, %mul3A_18 : f32
    %sub3A_22 = arith.subf %get3A_20, %mul3A_21 : f32
    %get3A_23 = arith.constant 0 : index
    %get3A_24 = arith.constant 0 : index
    %get3A_25 = vector.load %arg3[%get3A_23, %get3A_24] : memref<128x640xf32, #tpu.memory_space<vmem>>, vector<128x640xf32>
    %get3A_26 = arith.constant 0 : index
    %get3A_27 = arith.constant 0 : index
    %get3A_28 = vector.load %arg0[%get3A_26, %get3A_27] : memref<16x4096xf32, #tpu.memory_space<vmem>>, vector<16x128xf32>
    %mul3A_29 = vector.broadcast %mul3A_18 : f32 to vector<16x128xf32>
    %mul3A_30 = arith.mulf %get3A_28, %mul3A_29 : vector<16x128xf32>
    %add3A_31 = vector.broadcast %sub3A_22 : f32 to vector<16x128xf32>
    %add3A_32 = arith.addf %mul3A_30, %add3A_31 : vector<16x128xf32>
    %dot_general3A = arith.constant dense<0.000000e+00> : vector<16x640xf32>
    %dot_general3A_33 = tpu.matmul %add3A_32, %get3A_25, %dot_general3A {dimension_numbers = #tpu.dot_dimension_numbers<[1], [0], [0], [1], [0, 0, 1, 1], [], []>, transpose_lhs_hint = false} : vector<16x128xf32>, vector<128x640xf32>, vector<16x640xf32> -> vector<16x640xf32>
    %slice3A = vector.extract_strided_slice %dot_general3A_33 {offsets = [0, 0], sizes = [16, 128], strides = [1, 1]} : vector<16x640xf32> to vector<16x128xf32>
    %swap3A = arith.constant 0 : index
    %swap3A_34 = arith.constant 0 : index
    %swap3A_35 = arith.constant 0 : index
    %swap3A_36 = vector.load %arg4[%swap3A, %swap3A_34, %swap3A_35] : memref<16x160x128xf32, #tpu.memory_space<vmem>>, vector<16x1x128xf32>
    %swap3A_37 = vector.shape_cast %swap3A_36 : vector<16x1x128xf32> to vector<16x128xf32>
    %swap3A_38 = vector.shape_cast %slice3A : vector<16x128xf32> to vector<16x1x128xf32>
    tpu.vector_store %arg4[%swap3A, %swap3A_34, %swap3A_35], %swap3A_38 {strides = array<i32>} : memref<16x160x128xf32, #tpu.memory_space<vmem>>, vector<16x1x128xf32>,
    %slice3A_39 = vector.extract_strided_slice %dot_general3A_33 {offsets = [0, 128], sizes = [16, 128], strides = [1, 1]} : vector<16x640xf32> to vector<16x128xf32>
    %swap3A_40 = arith.constant 0 : index
    %swap3A_41 = arith.constant 1 : index
    %swap3A_42 = arith.constant 0 : index
    %swap3A_43 = vector.load %arg4[%swap3A_40, %swap3A_41, %swap3A_42] : memref<16x160x128xf32, #tpu.memory_space<vmem>>, vector<16x1x128xf32>
    %swap3A_44 = vector.shape_cast %swap3A_43 : vector<16x1x128xf32> to vector<16x128xf32>
    %swap3A_45 = vector.shape_cast %slice3A_39 : vector<16x128xf32> to vector<16x1x128xf32>
    tpu.vector_store %arg4[%swap3A_40, %swap3A_41, %swap3A_42], %swap3A_45 {strides = array<i32>} : memref<16x160x128xf32, #tpu.memory_space<vmem>>, vector<16x1x128xf32>,
    %slice3A_46 = vector.extract_strided_slice %dot_general3A_33 {offsets = [0, 256], sizes = [16, 128], strides = [1, 1]} : vector<16x640xf32> to vector<16x128xf32>
    %swap3A_47 = arith.constant 0 : index
    %swap3A_48 = arith.constant 2 : index
    %swap3A_49 = arith.constant 0 : index
    %swap3A_50 = vector.load %arg4[%swap3A_47, %swap3A_48, %swap3A_49] : memref<16x160x128xf32, #tpu.memory_space<vmem>>, vector<16x1x128xf32>
    %swap3A_51 = vector.shape_cast %swap3A_50 : vector<16x1x128xf32> to vector<16x128xf32>
    %swap3A_52 = vector.shape_cast %slice3A_46 : vector<16x128xf32> to vector<16x1x128xf32>
    tpu.vector_store %arg4[%swap3A_47, %swap3A_48, %swap3A_49], %swap3A_52 {strides = array<i32>} : memref<16x160x128xf32, #tpu.memory_space<vmem>>, vector<16x1x128xf32>,
    %slice3A_53 = vector.extract_strided_slice %dot_general3A_33 {offsets = [0, 384], sizes = [16, 128], strides = [1, 1]} : vector<16x640xf32> to vector<16x128xf32>
    %swap3A_54 = arith.constant 0 : index
    %swap3A_55 = arith.constant 3 : index
    %swap3A_56 = arith.constant 0 : index
    %swap3A_57 = vector.load %arg4[%swap3A_54, %swap3A_55, %swap3A_56] : memref<16x160x128xf32, #tpu.memory_space<vmem>>, vector<16x1x128xf32>
    %swap3A_58 = vector.shape_cast %swap3A_57 : vector<16x1x128xf32> to vector<16x128xf32>
    %swap3A_59 = vector.shape_cast %slice3A_53 : vector<16x128xf32> to vector<16x1x128xf32>
    tpu.vector_store %arg4[%swap3A_54, %swap3A_55, %swap3A_56], %swap3A_59 {strides = array<i32>} : memref<16x160x128xf32, #tpu.memory_space<vmem>>, vector<16x1x128xf32>,
    %slice3A_60 = vector.extract_strided_slice %dot_general3A_33 {offsets = [0, 512], sizes = [16, 128], strides = [1, 1]} : vector<16x640xf32> to vector<16x128xf32>
    %swap3A_61 = arith.constant 0 : index
    %swap3A_62 = arith.constant 4 : index
    %swap3A_63 = arith.constant 0 : index
    %swap3A_64 = vector.load %arg4[%swap3A_61, %swap3A_62, %swap3A_63] : memref<16x160x128xf32, #tpu.memory_space<vmem>>, vector<16x1x128xf32>
    %swap3A_65 = vector.shape_cast %swap3A_64 : vector<16x1x128xf32> to vector<16x128xf32>
    %swap3A_66 = vector.shape_cast %slice3A_60 : vector<16x128xf32> to vector<16x1x128xf32>
    tpu.vector_store %arg4[%swap3A_61, %swap3A_62, %swap3A_63], %swap3A_66 {strides = array<i32>} : memref<16x160x128xf32, #tpu.memory_space<vmem>>, vector<16x1x128xf32>,
    %get3A_67 = arith.constant 0 : index
    %get3A_68 = arith.constant 128 : index
    %get3A_69 = vector.load %arg0[%get3A_67, %get3A_68] : memref<16x4096xf32, #tpu.memory_space<vmem>>, vector<16x128xf32>
    %mul3A_70 = vector.broadcast %mul3A_18 : f32 to vector<16x128xf32>
    %mul3A_71 = arith.mulf %get3A_69, %mul3A_70 : vector<16x128xf32>
    %add3A_72 = vector.broadcast %sub3A_22 : f32 to vector<16x128xf32>
    %add3A_73 = arith.addf %mul3A_71, %add3A_72 : vector<16x128xf32>
    %dot_general3A_74 = arith.constant dense<0.000000e+00> : vector<16x640xf32>
    %dot_general3A_75 = tpu.matmul %add3A_73, %get3A_25, %dot_general3A_74 {dimension_numbers = #tpu.dot_dimension_numbers<[1], [0], [0], [1], [0, 0, 1, 1], [], []>, transpose_lhs_hint = false} : vector<16x128xf32>, vector<128x640xf32>, vector<16x640xf32> -> vector<16x640xf32>
    %slice3A_76 = vector.extract_strided_slice %dot_general3A_75 {offsets = [0, 0], sizes = [16, 128], strides = [1, 1]} : vector<16x640xf32> to vector<16x128xf32>
    %swap3A_77 = arith.constant 0 : index
    %swap3A_78 = arith.constant 5 : index
    %swap3A_79 = arith.constant 0 : index
    %swap3A_80 = vector.load %arg4[%swap3A_77, %swap3A_78, %swap3A_79] : memref<16x160x128xf32, #tpu.memory_space<vmem>>, vector<16x1x128xf32>
    %swap3A_81 = vector.shape_cast %swap3A_80 : vector<16x1x128xf32> to vector<16x128xf32>
    %swap3A_82 = vector.shape_cast %slice3A_76 : vector<16x128xf32> to vector<16x1x128xf32>
    tpu.vector_store %arg4[%swap3A_77, %swap3A_78, %swap3A_79], %swap3A_82 {strides = array<i32>} : memref<16x160x128xf32, #tpu.memory_space<vmem>>, vector<16x1x128xf32>,
    %slice3A_83 = vector.extract_strided_slice %dot_general3A_75 {offsets = [0, 128], sizes = [16, 128], strides = [1, 1]} : vector<16x640xf32> to vector<16x128xf32>
    %swap3A_84 = arith.constant 0 : index
    %swap3A_85 = arith.constant 6 : index
    %swap3A_86 = arith.constant 0 : index
    %swap3A_87 = vector.load %arg4[%swap3A_84, %swap3A_85, %swap3A_86] : memref<16x160x128xf32, #tpu.memory_space<vmem>>, vector<16x1x128xf32>
    %swap3A_88 = vector.shape_cast %swap3A_87 : vector<16x1x128xf32> to vector<16x128xf32>
    %swap3A_89 = vector.shape_cast %slice3A_83 : vector<16x128xf32> to vector<16x1x128xf32>
    tpu.vector_store %arg4[%swap3A_84, %swap3A_85, %swap3A_86], %swap3A_89 {strides = array<i32>} : memref<16x160x128xf32, #tpu.memory_space<vmem>>, vector<16x1x128xf32>,
    %slice3A_90 = vector.extract_strided_slice %dot_general3A_75 {offsets = [0, 256], sizes = [16, 128], strides = [1, 1]} : vector<16x640xf32> to vector<16x128xf32>
    %swap3A_91 = arith.constant 0 : index
    %swap3A_92 = arith.constant 7 : index
    %swap3A_93 = arith.constant 0 : index
    %swap3A_94 = vector.load %arg4[%swap3A_91, %swap3A_92, %swap3A_93] : memref<16x160x128xf32, #tpu.memory_space<vmem>>, vector<16x1x128xf32>
    %swap3A_95 = vector.shape_cast %swap3A_94 : vector<16x1x128xf32> to vector<16x128xf32>
    %swap3A_96 = vector.shape_cast %slice3A_90 : vector<16x128xf32> to vector<16x1x128xf32>
    tpu.vector_store %arg4[%swap3A_91, %swap3A_92, %swap3A_93], %swap3A_96 {strides = array<i32>} : memref<16x160x128xf32, #tpu.memory_space<vmem>>, vector<16x1x128xf32>,
    %slice3A_97 = vector.extract_strided_slice %dot_general3A_75 {offsets = [0, 384], sizes = [16, 128], strides = [1, 1]} : vector<16x640xf32> to vector<16x128xf32>
    %swap3A_98 = arith.constant 0 : index
    %swap3A_99 = arith.constant 8 : index
    %swap3A_100 = arith.constant 0 : index
    %swap3A_101 = vector.load %arg4[%swap3A_98, %swap3A_99, %swap3A_100] : memref<16x160x128xf32, #tpu.memory_space<vmem>>, vector<16x1x128xf32>
    %swap3A_102 = vector.shape_cast %swap3A_101 : vector<16x1x128xf32> to vector<16x128xf32>
    %swap3A_103 = vector.shape_cast %slice3A_97 : vector<16x128xf32> to vector<16x1x128xf32>
    tpu.vector_store %arg4[%swap3A_98, %swap3A_99, %swap3A_100], %swap3A_103 {strides = array<i32>} : memref<16x160x128xf32, #tpu.memory_space<vmem>>, vector<16x1x128xf32>,
    %slice3A_104 = vector.extract_strided_slice %dot_general3A_75 {offsets = [0, 512], sizes = [16, 128], strides = [1, 1]} : vector<16x640xf32> to vector<16x128xf32>
    %swap3A_105 = arith.constant 0 : index
    %swap3A_106 = arith.constant 9 : index
    %swap3A_107 = arith.constant 0 : index
    %swap3A_108 = vector.load %arg4[%swap3A_105, %swap3A_106, %swap3A_107] : memref<16x160x128xf32, #tpu.memory_space<vmem>>, vector<16x1x128xf32>
    %swap3A_109 = vector.shape_cast %swap3A_108 : vector<16x1x128xf32> to vector<16x128xf32>
    %swap3A_110 = vector.shape_cast %slice3A_104 : vector<16x128xf32> to vector<16x1x128xf32>
    tpu.vector_store %arg4[%swap3A_105, %swap3A_106, %swap3A_107], %swap3A_110 {strides = array<i32>} : memref<16x160x128xf32, #tpu.memory_space<vmem>>, vector<16x1x128xf32>,
    %get3A_111 = arith.constant 0 : index
    %get3A_112 = arith.constant 256 : index
    %get3A_113 = vector.load %arg0[%get3A_111, %get3A_112] : memref<16x4096xf32, #tpu.memory_space<vmem>>, vector<16x128xf32>
    %mul3A_114 = vector.broadcast %mul3A_18 : f32 to vector<16x128xf32>
    %mul3A_115 = arith.mulf %get3A_113, %mul3A_114 : vector<16x128xf32>
    %add3A_116 = vector.broadcast %sub3A_22 : f32 to vector<16x128xf32>
    %add3A_117 = arith.addf %mul3A_115, %add3A_116 : vector<16x128xf32>
    %dot_general3A_118 = arith.constant dense<0.000000e+00> : vector<16x640xf32>
    %dot_general3A_119 = tpu.matmul %add3A_117, %get3A_25, %dot_general3A_118 {dimension_numbers = #tpu.dot_dimension_numbers<[1], [0], [0], [1], [0, 0, 1, 1], [], []>, transpose_lhs_hint = false} : vector<16x128xf32>, vector<128x640xf32>, vector<16x640xf32> -> vector<16x640xf32>
    %slice3A_120 = vector.extract_strided_slice %dot_general3A_119 {offsets = [0, 0], sizes = [16, 128], strides = [1, 1]} : vector<16x640xf32> to vector<16x128xf32>
    %swap3A_121 = arith.constant 0 : index
    %swap3A_122 = arith.constant 10 : index
    %swap3A_123 = arith.constant 0 : index
    %swap3A_124 = vector.load %arg4[%swap3A_121, %swap3A_122, %swap3A_123] : memref<16x160x128xf32, #tpu.memory_space<vmem>>, vector<16x1x128xf32>
    %swap3A_125 = vector.shape_cast %swap3A_124 : vector<16x1x128xf32> to vector<16x128xf32>
    %swap3A_126 = vector.shape_cast %slice3A_120 : vector<16x128xf32> to vector<16x1x128xf32>
    tpu.vector_store %arg4[%swap3A_121, %swap3A_122, %swap3A_123], %swap3A_126 {strides = array<i32>} : memref<16x160x128xf32, #tpu.memory_space<vmem>>, vector<16x1x128xf32>,
    %slice3A_127 = vector.extract_strided_slice %dot_general3A_119 {offsets = [0, 128], sizes = [16, 128], strides = [1, 1]} : vector<16x640xf32> to vector<16x128xf32>
    %swap3A_128 = arith.constant 0 : index
    %swap3A_129 = arith.constant 11 : index
    %swap3A_130 = arith.constant 0 : index
    %swap3A_131 = vector.load %arg4[%swap3A_128, %swap3A_129, %swap3A_130] : memref<16x160x128xf32, #tpu.memory_space<vmem>>, vector<16x1x128xf32>
    %swap3A_132 = vector.shape_cast %swap3A_131 : vector<16x1x128xf32> to vector<16x128xf32>
    %swap3A_133 = vector.shape_cast %slice3A_127 : vector<16x128xf32> to vector<16x1x128xf32>
    tpu.vector_store %arg4[%swap3A_128, %swap3A_129, %swap3A_130], %swap3A_133 {strides = array<i32>} : memref<16x160x128xf32, #tpu.memory_space<vmem>>, vector<16x1x128xf32>,
    %slice3A_134 = vector.extract_strided_slice %dot_general3A_119 {offsets = [0, 256], sizes = [16, 128], strides = [1, 1]} : vector<16x640xf32> to vector<16x128xf32>
    %swap3A_135 = arith.constant 0 : index
    %swap3A_136 = arith.constant 12 : index
    %swap3A_137 = arith.constant 0 : index
    %swap3A_138 = vector.load %arg4[%swap3A_135, %swap3A_136, %swap3A_137] : memref<16x160x128xf32, #tpu.memory_space<vmem>>, vector<16x1x128xf32>
    %swap3A_139 = vector.shape_cast %swap3A_138 : vector<16x1x128xf32> to vector<16x128xf32>
    %swap3A_140 = vector.shape_cast %slice3A_134 : vector<16x128xf32> to vector<16x1x128xf32>
    tpu.vector_store %arg4[%swap3A_135, %swap3A_136, %swap3A_137], %swap3A_140 {strides = array<i32>} : memref<16x160x128xf32, #tpu.memory_space<vmem>>, vector<16x1x128xf32>,
    %slice3A_141 = vector.extract_strided_slice %dot_general3A_119 {offsets = [0, 384], sizes = [16, 128], strides = [1, 1]} : vector<16x640xf32> to vector<16x128xf32>
    %swap3A_142 = arith.constant 0 : index
    %swap3A_143 = arith.constant 13 : index
    %swap3A_144 = arith.constant 0 : index
    %swap3A_145 = vector.load %arg4[%swap3A_142, %swap3A_143, %swap3A_144] : memref<16x160x128xf32, #tpu.memory_space<vmem>>, vector<16x1x128xf32>
    %swap3A_146 = vector.shape_cast %swap3A_145 : vector<16x1x128xf32> to vector<16x128xf32>
    %swap3A_147 = vector.shape_cast %slice3A_141 : vector<16x128xf32> to vector<16x1x128xf32>
    tpu.vector_store %arg4[%swap3A_142, %swap3A_143, %swap3A_144], %swap3A_147 {strides = array<i32>} : memref<16x160x128xf32, #tpu.memory_space<vmem>>, vector<16x1x128xf32>,
    %slice3A_148 = vector.extract_strided_slice %dot_general3A_119 {offsets = [0, 512], sizes = [16, 128], strides = [1, 1]} : vector<16x640xf32> to vector<16x128xf32>
    %swap3A_149 = arith.constant 0 : index
    %swap3A_150 = arith.constant 14 : index
    %swap3A_151 = arith.constant 0 : index
    %swap3A_152 = vector.load %arg4[%swap3A_149, %swap3A_150, %swap3A_151] : memref<16x160x128xf32, #tpu.memory_space<vmem>>, vector<16x1x128xf32>
    %swap3A_153 = vector.shape_cast %swap3A_152 : vector<16x1x128xf32> to vector<16x128xf32>
    %swap3A_154 = vector.shape_cast %slice3A_148 : vector<16x128xf32> to vector<16x1x128xf32>
    tpu.vector_store %arg4[%swap3A_149, %swap3A_150, %swap3A_151], %swap3A_154 {strides = array<i32>} : memref<16x160x128xf32, #tpu.memory_space<vmem>>, vector<16x1x128xf32>,
    %get3A_155 = arith.constant 0 : index
    %get3A_156 = arith.constant 384 : index
    %get3A_157 = vector.load %arg0[%get3A_155, %get3A_156] : memref<16x4096xf32, #tpu.memory_space<vmem>>, vector<16x128xf32>
    %mul3A_158 = vector.broadcast %mul3A_18 : f32 to vector<16x128xf32>
    %mul3A_159 = arith.mulf %get3A_157, %mul3A_158 : vector<16x128xf32>
    %add3A_160 = vector.broadcast %sub3A_22 : f32 to vector<16x128xf32>
    %add3A_161 = arith.addf %mul3A_159, %add3A_160 : vector<16x128xf32>
    %dot_general3A_162 = arith.constant dense<0.000000e+00> : vector<16x640xf32>
    %dot_general3A_163 = tpu.matmul %add3A_161, %get3A_25, %dot_general3A_162 {dimension_numbers = #tpu.dot_dimension_numbers<[1], [0], [0], [1], [0, 0, 1, 1], [], []>, transpose_lhs_hint = false} : vector<16x128xf32>, vector<128x640xf32>, vector<16x640xf32> -> vector<16x640xf32>
    %slice3A_164 = vector.extract_strided_slice %dot_general3A_163 {offsets = [0, 0], sizes = [16, 128], strides = [1, 1]} : vector<16x640xf32> to vector<16x128xf32>
    %swap3A_165 = arith.constant 0 : index
    %swap3A_166 = arith.constant 15 : index
    %swap3A_167 = arith.constant 0 : index
    %swap3A_168 = vector.load %arg4[%swap3A_165, %swap3A_166, %swap3A_167] : memref<16x160x128xf32, #tpu.memory_space<vmem>>, vector<16x1x128xf32>
    %swap3A_169 = vector.shape_cast %swap3A_168 : vector<16x1x128xf32> to vector<16x128xf32>
    %swap3A_170 = vector.shape_cast %slice3A_164 : vector<16x128xf32> to vector<16x1x128xf32>
    tpu.vector_store %arg4[%swap3A_165, %swap3A_166, %swap3A_167], %swap3A_170 {strides = array<i32>} : memref<16x160x128xf32, #tpu.memory_space<vmem>>, vector<16x1x128xf32>,
    %slice3A_171 = vector.extract_strided_slice %dot_general3A_163 {offsets = [0, 128], sizes = [16, 128], strides = [1, 1]} : vector<16x640xf32> to vector<16x128xf32>
    %swap3A_172 = arith.constant 0 : index
    %swap3A_173 = arith.constant 16 : index
    %swap3A_174 = arith.constant 0 : index
    %swap3A_175 = vector.load %arg4[%swap3A_172, %swap3A_173, %swap3A_174] : memref<16x160x128xf32, #tpu.memory_space<vmem>>, vector<16x1x128xf32>
    %swap3A_176 = vector.shape_cast %swap3A_175 : vector<16x1x128xf32> to vector<16x128xf32>
    %swap3A_177 = vector.shape_cast %slice3A_171 : vector<16x128xf32> to vector<16x1x128xf32>
    tpu.vector_store %arg4[%swap3A_172, %swap3A_173, %swap3A_174], %swap3A_177 {strides = array<i32>} : memref<16x160x128xf32, #tpu.memory_space<vmem>>, vector<16x1x128xf32>,
    %slice3A_178 = vector.extract_strided_slice %dot_general3A_163 {offsets = [0, 256], sizes = [16, 128], strides = [1, 1]} : vector<16x640xf32> to vector<16x128xf32>
    %swap3A_179 = arith.constant 0 : index
    %swap3A_180 = arith.constant 17 : index
    %swap3A_181 = arith.constant 0 : index
    %swap3A_182 = vector.load %arg4[%swap3A_179, %swap3A_180, %swap3A_181] : memref<16x160x128xf32, #tpu.memory_space<vmem>>, vector<16x1x128xf32>
    %swap3A_183 = vector.shape_cast %swap3A_182 : vector<16x1x128xf32> to vector<16x128xf32>
    %swap3A_184 = vector.shape_cast %slice3A_178 : vector<16x128xf32> to vector<16x1x128xf32>
    tpu.vector_store %arg4[%swap3A_179, %swap3A_180, %swap3A_181], %swap3A_184 {strides = array<i32>} : memref<16x160x128xf32, #tpu.memory_space<vmem>>, vector<16x1x128xf32>,
    %slice3A_185 = vector.extract_strided_slice %dot_general3A_163 {offsets = [0, 384], sizes = [16, 128], strides = [1, 1]} : vector<16x640xf32> to vector<16x128xf32>
    %swap3A_186 = arith.constant 0 : index
    %swap3A_187 = arith.constant 18 : index
    %swap3A_188 = arith.constant 0 : index
    %swap3A_189 = vector.load %arg4[%swap3A_186, %swap3A_187, %swap3A_188] : memref<16x160x128xf32, #tpu.memory_space<vmem>>, vector<16x1x128xf32>
    %swap3A_190 = vector.shape_cast %swap3A_189 : vector<16x1x128xf32> to vector<16x128xf32>
    %swap3A_191 = vector.shape_cast %slice3A_185 : vector<16x128xf32> to vector<16x1x128xf32>
    tpu.vector_store %arg4[%swap3A_186, %swap3A_187, %swap3A_188], %swap3A_191 {strides = array<i32>} : memref<16x160x128xf32, #tpu.memory_space<vmem>>, vector<16x1x128xf32>,
    %slice3A_192 = vector.extract_strided_slice %dot_general3A_163 {offsets = [0, 512], sizes = [16, 128], strides = [1, 1]} : vector<16x640xf32> to vector<16x128xf32>
    %swap3A_193 = arith.constant 0 : index
    %swap3A_194 = arith.constant 19 : index
    %swap3A_195 = arith.constant 0 : index
    %swap3A_196 = vector.load %arg4[%swap3A_193, %swap3A_194, %swap3A_195] : memref<16x160x128xf32, #tpu.memory_space<vmem>>, vector<16x1x128xf32>
    %swap3A_197 = vector.shape_cast %swap3A_196 : vector<16x1x128xf32> to vector<16x128xf32>
    %swap3A_198 = vector.shape_cast %slice3A_192 : vector<16x128xf32> to vector<16x1x128xf32>
    tpu.vector_store %arg4[%swap3A_193, %swap3A_194, %swap3A_195], %swap3A_198 {strides = array<i32>} : memref<16x160x128xf32, #tpu.memory_space<vmem>>, vector<16x1x128xf32>,
    %get3A_199 = arith.constant 0 : index
    %get3A_200 = arith.constant 512 : index
    %get3A_201 = vector.load %arg0[%get3A_199, %get3A_200] : memref<16x4096xf32, #tpu.memory_space<vmem>>, vector<16x128xf32>
    %mul3A_202 = vector.broadcast %mul3A_18 : f32 to vector<16x128xf32>
    %mul3A_203 = arith.mulf %get3A_201, %mul3A_202 : vector<16x128xf32>
    %add3A_204 = vector.broadcast %sub3A_22 : f32 to vector<16x128xf32>
    %add3A_205 = arith.addf %mul3A_203, %add3A_204 : vector<16x128xf32>
    %dot_general3A_206 = arith.constant dense<0.000000e+00> : vector<16x640xf32>
    %dot_general3A_207 = tpu.matmul %add3A_205, %get3A_25, %dot_general3A_206 {dimension_numbers = #tpu.dot_dimension_numbers<[1], [0], [0], [1], [0, 0, 1, 1], [], []>, transpose_lhs_hint = false} : vector<16x128xf32>, vector<128x640xf32>, vector<16x640xf32> -> vector<16x640xf32>
    %slice3A_208 = vector.extract_strided_slice %dot_general3A_207 {offsets = [0, 0], sizes = [16, 128], strides = [1, 1]} : vector<16x640xf32> to vector<16x128xf32>
    %swap3A_209 = arith.constant 0 : index
    %swap3A_210 = arith.constant 20 : index
    %swap3A_211 = arith.constant 0 : index
    %swap3A_212 = vector.load %arg4[%swap3A_209, %swap3A_210, %swap3A_211] : memref<16x160x128xf32, #tpu.memory_space<vmem>>, vector<16x1x128xf32>
    %swap3A_213 = vector.shape_cast %swap3A_212 : vector<16x1x128xf32> to vector<16x128xf32>
    %swap3A_214 = vector.shape_cast %slice3A_208 : vector<16x128xf32> to vector<16x1x128xf32>
    tpu.vector_store %arg4[%swap3A_209, %swap3A_210, %swap3A_211], %swap3A_214 {strides = array<i32>} : memref<16x160x128xf32, #tpu.memory_space<vmem>>, vector<16x1x128xf32>,
    %slice3A_215 = vector.extract_strided_slice %dot_general3A_207 {offsets = [0, 128], sizes = [16, 128], strides = [1, 1]} : vector<16x640xf32> to vector<16x128xf32>
    %swap3A_216 = arith.constant 0 : index
    %swap3A_217 = arith.constant 21 : index
    %swap3A_218 = arith.constant 0 : index
    %swap3A_219 = vector.load %arg4[%swap3A_216, %swap3A_217, %swap3A_218] : memref<16x160x128xf32, #tpu.memory_space<vmem>>, vector<16x1x128xf32>
    %swap3A_220 = vector.shape_cast %swap3A_219 : vector<16x1x128xf32> to vector<16x128xf32>
    %swap3A_221 = vector.shape_cast %slice3A_215 : vector<16x128xf32> to vector<16x1x128xf32>
    tpu.vector_store %arg4[%swap3A_216, %swap3A_217, %swap3A_218], %swap3A_221 {strides = array<i32>} : memref<16x160x128xf32, #tpu.memory_space<vmem>>, vector<16x1x128xf32>,
    %slice3A_222 = vector.extract_strided_slice %dot_general3A_207 {offsets = [0, 256], sizes = [16, 128], strides = [1, 1]} : vector<16x640xf32> to vector<16x128xf32>
    %swap3A_223 = arith.constant 0 : index
    %swap3A_224 = arith.constant 22 : index
    %swap3A_225 = arith.constant 0 : index
    %swap3A_226 = vector.load %arg4[%swap3A_223, %swap3A_224, %swap3A_225] : memref<16x160x128xf32, #tpu.memory_space<vmem>>, vector<16x1x128xf32>
    %swap3A_227 = vector.shape_cast %swap3A_226 : vector<16x1x128xf32> to vector<16x128xf32>
    %swap3A_228 = vector.shape_cast %slice3A_222 : vector<16x128xf32> to vector<16x1x128xf32>
    tpu.vector_store %arg4[%swap3A_223, %swap3A_224, %swap3A_225], %swap3A_228 {strides = array<i32>} : memref<16x160x128xf32, #tpu.memory_space<vmem>>, vector<16x1x128xf32>,
    %slice3A_229 = vector.extract_strided_slice %dot_general3A_207 {offsets = [0, 384], sizes = [16, 128], strides = [1, 1]} : vector<16x640xf32> to vector<16x128xf32>
    %swap3A_230 = arith.constant 0 : index
    %swap3A_231 = arith.constant 23 : index
    %swap3A_232 = arith.constant 0 : index
    %swap3A_233 = vector.load %arg4[%swap3A_230, %swap3A_231, %swap3A_232] : memref<16x160x128xf32, #tpu.memory_space<vmem>>, vector<16x1x128xf32>
    %swap3A_234 = vector.shape_cast %swap3A_233 : vector<16x1x128xf32> to vector<16x128xf32>
    %swap3A_235 = vector.shape_cast %slice3A_229 : vector<16x128xf32> to vector<16x1x128xf32>
    tpu.vector_store %arg4[%swap3A_230, %swap3A_231, %swap3A_232], %swap3A_235 {strides = array<i32>} : memref<16x160x128xf32, #tpu.memory_space<vmem>>, vector<16x1x128xf32>,
    %slice3A_236 = vector.extract_strided_slice %dot_general3A_207 {offsets = [0, 512], sizes = [16, 128], strides = [1, 1]} : vector<16x640xf32> to vector<16x128xf32>
    %swap3A_237 = arith.constant 0 : index
    %swap3A_238 = arith.constant 24 : index
    %swap3A_239 = arith.constant 0 : index
    %swap3A_240 = vector.load %arg4[%swap3A_237, %swap3A_238, %swap3A_239] : memref<16x160x128xf32, #tpu.memory_space<vmem>>, vector<16x1x128xf32>
    %swap3A_241 = vector.shape_cast %swap3A_240 : vector<16x1x128xf32> to vector<16x128xf32>
    %swap3A_242 = vector.shape_cast %slice3A_236 : vector<16x128xf32> to vector<16x1x128xf32>
    tpu.vector_store %arg4[%swap3A_237, %swap3A_238, %swap3A_239], %swap3A_242 {strides = array<i32>} : memref<16x160x128xf32, #tpu.memory_space<vmem>>, vector<16x1x128xf32>,
    %get3A_243 = arith.constant 0 : index
    %get3A_244 = arith.constant 640 : index
    %get3A_245 = vector.load %arg0[%get3A_243, %get3A_244] : memref<16x4096xf32, #tpu.memory_space<vmem>>, vector<16x128xf32>
    %mul3A_246 = vector.broadcast %mul3A_18 : f32 to vector<16x128xf32>
    %mul3A_247 = arith.mulf %get3A_245, %mul3A_246 : vector<16x128xf32>
    %add3A_248 = vector.broadcast %sub3A_22 : f32 to vector<16x128xf32>
    %add3A_249 = arith.addf %mul3A_247, %add3A_248 : vector<16x128xf32>
    %dot_general3A_250 = arith.constant dense<0.000000e+00> : vector<16x640xf32>
    %dot_general3A_251 = tpu.matmul %add3A_249, %get3A_25, %dot_general3A_250 {dimension_numbers = #tpu.dot_dimension_numbers<[1], [0], [0], [1], [0, 0, 1, 1], [], []>, transpose_lhs_hint = false} : vector<16x128xf32>, vector<128x640xf32>, vector<16x640xf32> -> vector<16x640xf32>
    %slice3A_252 = vector.extract_strided_slice %dot_general3A_251 {offsets = [0, 0], sizes = [16, 128], strides = [1, 1]} : vector<16x640xf32> to vector<16x128xf32>
    %swap3A_253 = arith.constant 0 : index
    %swap3A_254 = arith.constant 25 : index
    %swap3A_255 = arith.constant 0 : index
    %swap3A_256 = vector.load %arg4[%swap3A_253, %swap3A_254, %swap3A_255] : memref<16x160x128xf32, #tpu.memory_space<vmem>>, vector<16x1x128xf32>
    %swap3A_257 = vector.shape_cast %swap3A_256 : vector<16x1x128xf32> to vector<16x128xf32>
    %swap3A_258 = vector.shape_cast %slice3A_252 : vector<16x128xf32> to vector<16x1x128xf32>
    tpu.vector_store %arg4[%swap3A_253, %swap3A_254, %swap3A_255], %swap3A_258 {strides = array<i32>} : memref<16x160x128xf32, #tpu.memory_space<vmem>>, vector<16x1x128xf32>,
    %slice3A_259 = vector.extract_strided_slice %dot_general3A_251 {offsets = [0, 128], sizes = [16, 128], strides = [1, 1]} : vector<16x640xf32> to vector<16x128xf32>
    %swap3A_260 = arith.constant 0 : index
    %swap3A_261 = arith.constant 26 : index
    %swap3A_262 = arith.constant 0 : index
    %swap3A_263 = vector.load %arg4[%swap3A_260, %swap3A_261, %swap3A_262] : memref<16x160x128xf32, #tpu.memory_space<vmem>>, vector<16x1x128xf32>
    %swap3A_264 = vector.shape_cast %swap3A_263 : vector<16x1x128xf32> to vector<16x128xf32>
    %swap3A_265 = vector.shape_cast %slice3A_259 : vector<16x128xf32> to vector<16x1x128xf32>
    tpu.vector_store %arg4[%swap3A_260, %swap3A_261, %swap3A_262], %swap3A_265 {strides = array<i32>} : memref<16x160x128xf32, #tpu.memory_space<vmem>>, vector<16x1x128xf32>,
    %slice3A_266 = vector.extract_strided_slice %dot_general3A_251 {offsets = [0, 256], sizes = [16, 128], strides = [1, 1]} : vector<16x640xf32> to vector<16x128xf32>
    %swap3A_267 = arith.constant 0 : index
    %swap3A_268 = arith.constant 27 : index
    %swap3A_269 = arith.constant 0 : index
    %swap3A_270 = vector.load %arg4[%swap3A_267, %swap3A_268, %swap3A_269] : memref<16x160x128xf32, #tpu.memory_space<vmem>>, vector<16x1x128xf32>
    %swap3A_271 = vector.shape_cast %swap3A_270 : vector<16x1x128xf32> to vector<16x128xf32>
    %swap3A_272 = vector.shape_cast %slice3A_266 : vector<16x128xf32> to vector<16x1x128xf32>
    tpu.vector_store %arg4[%swap3A_267, %swap3A_268, %swap3A_269], %swap3A_272 {strides = array<i32>} : memref<16x160x128xf32, #tpu.memory_space<vmem>>, vector<16x1x128xf32>,
    %slice3A_273 = vector.extract_strided_slice %dot_general3A_251 {offsets = [0, 384], sizes = [16, 128], strides = [1, 1]} : vector<16x640xf32> to vector<16x128xf32>
    %swap3A_274 = arith.constant 0 : index
    %swap3A_275 = arith.constant 28 : index
    %swap3A_276 = arith.constant 0 : index
    %swap3A_277 = vector.load %arg4[%swap3A_274, %swap3A_275, %swap3A_276] : memref<16x160x128xf32, #tpu.memory_space<vmem>>, vector<16x1x128xf32>
    %swap3A_278 = vector.shape_cast %swap3A_277 : vector<16x1x128xf32> to vector<16x128xf32>
    %swap3A_279 = vector.shape_cast %slice3A_273 : vector<16x128xf32> to vector<16x1x128xf32>
    tpu.vector_store %arg4[%swap3A_274, %swap3A_275, %swap3A_276], %swap3A_279 {strides = array<i32>} : memref<16x160x128xf32, #tpu.memory_space<vmem>>, vector<16x1x128xf32>,
    %slice3A_280 = vector.extract_strided_slice %dot_general3A_251 {offsets = [0, 512], sizes = [16, 128], strides = [1, 1]} : vector<16x640xf32> to vector<16x128xf32>
    %swap3A_281 = arith.constant 0 : index
    %swap3A_282 = arith.constant 29 : index
    %swap3A_283 = arith.constant 0 : index
    %swap3A_284 = vector.load %arg4[%swap3A_281, %swap3A_282, %swap3A_283] : memref<16x160x128xf32, #tpu.memory_space<vmem>>, vector<16x1x128xf32>
    %swap3A_285 = vector.shape_cast %swap3A_284 : vector<16x1x128xf32> to vector<16x128xf32>
    %swap3A_286 = vector.shape_cast %slice3A_280 : vector<16x128xf32> to vector<16x1x128xf32>
    tpu.vector_store %arg4[%swap3A_281, %swap3A_282, %swap3A_283], %swap3A_286 {strides = array<i32>} : memref<16x160x128xf32, #tpu.memory_space<vmem>>, vector<16x1x128xf32>,
    %get3A_287 = arith.constant 0 : index
    %get3A_288 = arith.constant 768 : index
    %get3A_289 = vector.load %arg0[%get3A_287, %get3A_288] : memref<16x4096xf32, #tpu.memory_space<vmem>>, vector<16x128xf32>
    %mul3A_290 = vector.broadcast %mul3A_18 : f32 to vector<16x128xf32>
    %mul3A_291 = arith.mulf %get3A_289, %mul3A_290 : vector<16x128xf32>
    %add3A_292 = vector.broadcast %sub3A_22 : f32 to vector<16x128xf32>
    %add3A_293 = arith.addf %mul3A_291, %add3A_292 : vector<16x128xf32>
    %dot_general3A_294 = arith.constant dense<0.000000e+00> : vector<16x640xf32>
    %dot_general3A_295 = tpu.matmul %add3A_293, %get3A_25, %dot_general3A_294 {dimension_numbers = #tpu.dot_dimension_numbers<[1], [0], [0], [1], [0, 0, 1, 1], [], []>, transpose_lhs_hint = false} : vector<16x128xf32>, vector<128x640xf32>, vector<16x640xf32> -> vector<16x640xf32>
    %slice3A_296 = vector.extract_strided_slice %dot_general3A_295 {offsets = [0, 0], sizes = [16, 128], strides = [1, 1]} : vector<16x640xf32> to vector<16x128xf32>
    %swap3A_297 = arith.constant 0 : index
    %swap3A_298 = arith.constant 30 : index
    %swap3A_299 = arith.constant 0 : index
    %swap3A_300 = vector.load %arg4[%swap3A_297, %swap3A_298, %swap3A_299] : memref<16x160x128xf32, #tpu.memory_space<vmem>>, vector<16x1x128xf32>
    %swap3A_301 = vector.shape_cast %swap3A_300 : vector<16x1x128xf32> to vector<16x128xf32>
    %swap3A_302 = vector.shape_cast %slice3A_296 : vector<16x128xf32> to vector<16x1x128xf32>
    tpu.vector_store %arg4[%swap3A_297, %swap3A_298, %swap3A_299], %swap3A_302 {strides = array<i32>} : memref<16x160x128xf32, #tpu.memory_space<vmem>>, vector<16x1x128xf32>,
    %slice3A_303 = vector.extract_strided_slice %dot_general3A_295 {offsets = [0, 128], sizes = [16, 128], strides = [1, 1]} : vector<16x640xf32> to vector<16x128xf32>
    %swap3A_304 = arith.constant 0 : index
    %swap3A_305 = arith.constant 31 : index
    %swap3A_306 = arith.constant 0 : index
    %swap3A_307 = vector.load %arg4[%swap3A_304, %swap3A_305, %swap3A_306] : memref<16x160x128xf32, #tpu.memory_space<vmem>>, vector<16x1x128xf32>
    %swap3A_308 = vector.shape_cast %swap3A_307 : vector<16x1x128xf32> to vector<16x128xf32>
    %swap3A_309 = vector.shape_cast %slice3A_303 : vector<16x128xf32> to vector<16x1x128xf32>
    tpu.vector_store %arg4[%swap3A_304, %swap3A_305, %swap3A_306], %swap3A_309 {strides = array<i32>} : memref<16x160x128xf32, #tpu.memory_space<vmem>>, vector<16x1x128xf32>,
    %slice3A_310 = vector.extract_strided_slice %dot_general3A_295 {offsets = [0, 256], sizes = [16, 128], strides = [1, 1]} : vector<16x640xf32> to vector<16x128xf32>
    %swap3A_311 = arith.constant 0 : index
    %swap3A_312 = arith.constant 32 : index
    %swap3A_313 = arith.constant 0 : index
    %swap3A_314 = vector.load %arg4[%swap3A_311, %swap3A_312, %swap3A_313] : memref<16x160x128xf32, #tpu.memory_space<vmem>>, vector<16x1x128xf32>
    %swap3A_315 = vector.shape_cast %swap3A_314 : vector<16x1x128xf32> to vector<16x128xf32>
    %swap3A_316 = vector.shape_cast %slice3A_310 : vector<16x128xf32> to vector<16x1x128xf32>
    tpu.vector_store %arg4[%swap3A_311, %swap3A_312, %swap3A_313], %swap3A_316 {strides = array<i32>} : memref<16x160x128xf32, #tpu.memory_space<vmem>>, vector<16x1x128xf32>,
    %slice3A_317 = vector.extract_strided_slice %dot_general3A_295 {offsets = [0, 384], sizes = [16, 128], strides = [1, 1]} : vector<16x640xf32> to vector<16x128xf32>
    %swap3A_318 = arith.constant 0 : index
    %swap3A_319 = arith.constant 33 : index
    %swap3A_320 = arith.constant 0 : index
    %swap3A_321 = vector.load %arg4[%swap3A_318, %swap3A_319, %swap3A_320] : memref<16x160x128xf32, #tpu.memory_space<vmem>>, vector<16x1x128xf32>
    %swap3A_322 = vector.shape_cast %swap3A_321 : vector<16x1x128xf32> to vector<16x128xf32>
    %swap3A_323 = vector.shape_cast %slice3A_317 : vector<16x128xf32> to vector<16x1x128xf32>
    tpu.vector_store %arg4[%swap3A_318, %swap3A_319, %swap3A_320], %swap3A_323 {strides = array<i32>} : memref<16x160x128xf32, #tpu.memory_space<vmem>>, vector<16x1x128xf32>,
    %slice3A_324 = vector.extract_strided_slice %dot_general3A_295 {offsets = [0, 512], sizes = [16, 128], strides = [1, 1]} : vector<16x640xf32> to vector<16x128xf32>
    %swap3A_325 = arith.constant 0 : index
    %swap3A_326 = arith.constant 34 : index
    %swap3A_327 = arith.constant 0 : index
    %swap3A_328 = vector.load %arg4[%swap3A_325, %swap3A_326, %swap3A_327] : memref<16x160x128xf32, #tpu.memory_space<vmem>>, vector<16x1x128xf32>
    %swap3A_329 = vector.shape_cast %swap3A_328 : vector<16x1x128xf32> to vector<16x128xf32>
    %swap3A_330 = vector.shape_cast %slice3A_324 : vector<16x128xf32> to vector<16x1x128xf32>
    tpu.vector_store %arg4[%swap3A_325, %swap3A_326, %swap3A_327], %swap3A_330 {strides = array<i32>} : memref<16x160x128xf32, #tpu.memory_space<vmem>>, vector<16x1x128xf32>,
    %get3A_331 = arith.constant 0 : index
    %get3A_332 = arith.constant 896 : index
    %get3A_333 = vector.load %arg0[%get3A_331, %get3A_332] : memref<16x4096xf32, #tpu.memory_space<vmem>>, vector<16x128xf32>
    %mul3A_334 = vector.broadcast %mul3A_18 : f32 to vector<16x128xf32>
    %mul3A_335 = arith.mulf %get3A_333, %mul3A_334 : vector<16x128xf32>
    %add3A_336 = vector.broadcast %sub3A_22 : f32 to vector<16x128xf32>
    %add3A_337 = arith.addf %mul3A_335, %add3A_336 : vector<16x128xf32>
    %dot_general3A_338 = arith.constant dense<0.000000e+00> : vector<16x640xf32>
    %dot_general3A_339 = tpu.matmul %add3A_337, %get3A_25, %dot_general3A_338 {dimension_numbers = #tpu.dot_dimension_numbers<[1], [0], [0], [1], [0, 0, 1, 1], [], []>, transpose_lhs_hint = false} : vector<16x128xf32>, vector<128x640xf32>, vector<16x640xf32> -> vector<16x640xf32>
    %slice3A_340 = vector.extract_strided_slice %dot_general3A_339 {offsets = [0, 0], sizes = [16, 128], strides = [1, 1]} : vector<16x640xf32> to vector<16x128xf32>
    %swap3A_341 = arith.constant 0 : index
    %swap3A_342 = arith.constant 35 : index
    %swap3A_343 = arith.constant 0 : index
    %swap3A_344 = vector.load %arg4[%swap3A_341, %swap3A_342, %swap3A_343] : memref<16x160x128xf32, #tpu.memory_space<vmem>>, vector<16x1x128xf32>
    %swap3A_345 = vector.shape_cast %swap3A_344 : vector<16x1x128xf32> to vector<16x128xf32>
    %swap3A_346 = vector.shape_cast %slice3A_340 : vector<16x128xf32> to vector<16x1x128xf32>
    tpu.vector_store %arg4[%swap3A_341, %swap3A_342, %swap3A_343], %swap3A_346 {strides = array<i32>} : memref<16x160x128xf32, #tpu.memory_space<vmem>>, vector<16x1x128xf32>,
    %slice3A_347 = vector.extract_strided_slice %dot_general3A_339 {offsets = [0, 128], sizes = [16, 128], strides = [1, 1]} : vector<16x640xf32> to vector<16x128xf32>
    %swap3A_348 = arith.constant 0 : index
    %swap3A_349 = arith.constant 36 : index
    %swap3A_350 = arith.constant 0 : index
    %swap3A_351 = vector.load %arg4[%swap3A_348, %swap3A_349, %swap3A_350] : memref<16x160x128xf32, #tpu.memory_space<vmem>>, vector<16x1x128xf32>
    %swap3A_352 = vector.shape_cast %swap3A_351 : vector<16x1x128xf32> to vector<16x128xf32>
    %swap3A_353 = vector.shape_cast %slice3A_347 : vector<16x128xf32> to vector<16x1x128xf32>
    tpu.vector_store %arg4[%swap3A_348, %swap3A_349, %swap3A_350], %swap3A_353 {strides = array<i32>} : memref<16x160x128xf32, #tpu.memory_space<vmem>>, vector<16x1x128xf32>,
    %slice3A_354 = vector.extract_strided_slice %dot_general3A_339 {offsets = [0, 256], sizes = [16, 128], strides = [1, 1]} : vector<16x640xf32> to vector<16x128xf32>
    %swap3A_355 = arith.constant 0 : index
    %swap3A_356 = arith.constant 37 : index
    %swap3A_357 = arith.constant 0 : index
    %swap3A_358 = vector.load %arg4[%swap3A_355, %swap3A_356, %swap3A_357] : memref<16x160x128xf32, #tpu.memory_space<vmem>>, vector<16x1x128xf32>
    %swap3A_359 = vector.shape_cast %swap3A_358 : vector<16x1x128xf32> to vector<16x128xf32>
    %swap3A_360 = vector.shape_cast %slice3A_354 : vector<16x128xf32> to vector<16x1x128xf32>
    tpu.vector_store %arg4[%swap3A_355, %swap3A_356, %swap3A_357], %swap3A_360 {strides = array<i32>} : memref<16x160x128xf32, #tpu.memory_space<vmem>>, vector<16x1x128xf32>,
    %slice3A_361 = vector.extract_strided_slice %dot_general3A_339 {offsets = [0, 384], sizes = [16, 128], strides = [1, 1]} : vector<16x640xf32> to vector<16x128xf32>
    %swap3A_362 = arith.constant 0 : index
    %swap3A_363 = arith.constant 38 : index
    %swap3A_364 = arith.constant 0 : index
    %swap3A_365 = vector.load %arg4[%swap3A_362, %swap3A_363, %swap3A_364] : memref<16x160x128xf32, #tpu.memory_space<vmem>>, vector<16x1x128xf32>
    %swap3A_366 = vector.shape_cast %swap3A_365 : vector<16x1x128xf32> to vector<16x128xf32>
    %swap3A_367 = vector.shape_cast %slice3A_361 : vector<16x128xf32> to vector<16x1x128xf32>
    tpu.vector_store %arg4[%swap3A_362, %swap3A_363, %swap3A_364], %swap3A_367 {strides = array<i32>} : memref<16x160x128xf32, #tpu.memory_space<vmem>>, vector<16x1x128xf32>,
    %slice3A_368 = vector.extract_strided_slice %dot_general3A_339 {offsets = [0, 512], sizes = [16, 128], strides = [1, 1]} : vector<16x640xf32> to vector<16x128xf32>
    %swap3A_369 = arith.constant 0 : index
    %swap3A_370 = arith.constant 39 : index
    %swap3A_371 = arith.constant 0 : index
    %swap3A_372 = vector.load %arg4[%swap3A_369, %swap3A_370, %swap3A_371] : memref<16x160x128xf32, #tpu.memory_space<vmem>>, vector<16x1x128xf32>
    %swap3A_373 = vector.shape_cast %swap3A_372 : vector<16x1x128xf32> to vector<16x128xf32>
    %swap3A_374 = vector.shape_cast %slice3A_368 : vector<16x128xf32> to vector<16x1x128xf32>
    tpu.vector_store %arg4[%swap3A_369, %swap3A_370, %swap3A_371], %swap3A_374 {strides = array<i32>} : memref<16x160x128xf32, #tpu.memory_space<vmem>>, vector<16x1x128xf32>,
    %get3A_375 = arith.constant 0 : index
    %get3A_376 = arith.constant 1024 : index
    %get3A_377 = vector.load %arg0[%get3A_375, %get3A_376] : memref<16x4096xf32, #tpu.memory_space<vmem>>, vector<16x128xf32>
    %mul3A_378 = vector.broadcast %mul3A_18 : f32 to vector<16x128xf32>
    %mul3A_379 = arith.mulf %get3A_377, %mul3A_378 : vector<16x128xf32>
    %add3A_380 = vector.broadcast %sub3A_22 : f32 to vector<16x128xf32>
    %add3A_381 = arith.addf %mul3A_379, %add3A_380 : vector<16x128xf32>
    %dot_general3A_382 = arith.constant dense<0.000000e+00> : vector<16x640xf32>
    %dot_general3A_383 = tpu.matmul %add3A_381, %get3A_25, %dot_general3A_382 {dimension_numbers = #tpu.dot_dimension_numbers<[1], [0], [0], [1], [0, 0, 1, 1], [], []>, transpose_lhs_hint = false} : vector<16x128xf32>, vector<128x640xf32>, vector<16x640xf32> -> vector<16x640xf32>
    %slice3A_384 = vector.extract_strided_slice %dot_general3A_383 {offsets = [0, 0], sizes = [16, 128], strides = [1, 1]} : vector<16x640xf32> to vector<16x128xf32>
    %swap3A_385 = arith.constant 0 : index
    %swap3A_386 = arith.constant 40 : index
    %swap3A_387 = arith.constant 0 : index
    %swap3A_388 = vector.load %arg4[%swap3A_385, %swap3A_386, %swap3A_387] : memref<16x160x128xf32, #tpu.memory_space<vmem>>, vector<16x1x128xf32>
    %swap3A_389 = vector.shape_cast %swap3A_388 : vector<16x1x128xf32> to vector<16x128xf32>
    %swap3A_390 = vector.shape_cast %slice3A_384 : vector<16x128xf32> to vector<16x1x128xf32>
    tpu.vector_store %arg4[%swap3A_385, %swap3A_386, %swap3A_387], %swap3A_390 {strides = array<i32>} : memref<16x160x128xf32, #tpu.memory_space<vmem>>, vector<16x1x128xf32>,
    %slice3A_391 = vector.extract_strided_slice %dot_general3A_383 {offsets = [0, 128], sizes = [16, 128], strides = [1, 1]} : vector<16x640xf32> to vector<16x128xf32>
    %swap3A_392 = arith.constant 0 : index
    %swap3A_393 = arith.constant 41 : index
    %swap3A_394 = arith.constant 0 : index
    %swap3A_395 = vector.load %arg4[%swap3A_392, %swap3A_393, %swap3A_394] : memref<16x160x128xf32, #tpu.memory_space<vmem>>, vector<16x1x128xf32>
    %swap3A_396 = vector.shape_cast %swap3A_395 : vector<16x1x128xf32> to vector<16x128xf32>
    %swap3A_397 = vector.shape_cast %slice3A_391 : vector<16x128xf32> to vector<16x1x128xf32>
    tpu.vector_store %arg4[%swap3A_392, %swap3A_393, %swap3A_394], %swap3A_397 {strides = array<i32>} : memref<16x160x128xf32, #tpu.memory_space<vmem>>, vector<16x1x128xf32>,
    %slice3A_398 = vector.extract_strided_slice %dot_general3A_383 {offsets = [0, 256], sizes = [16, 128], strides = [1, 1]} : vector<16x640xf32> to vector<16x128xf32>
    %swap3A_399 = arith.constant 0 : index
    %swap3A_400 = arith.constant 42 : index
    %swap3A_401 = arith.constant 0 : index
    %swap3A_402 = vector.load %arg4[%swap3A_399, %swap3A_400, %swap3A_401] : memref<16x160x128xf32, #tpu.memory_space<vmem>>, vector<16x1x128xf32>
    %swap3A_403 = vector.shape_cast %swap3A_402 : vector<16x1x128xf32> to vector<16x128xf32>
    %swap3A_404 = vector.shape_cast %slice3A_398 : vector<16x128xf32> to vector<16x1x128xf32>
    tpu.vector_store %arg4[%swap3A_399, %swap3A_400, %swap3A_401], %swap3A_404 {strides = array<i32>} : memref<16x160x128xf32, #tpu.memory_space<vmem>>, vector<16x1x128xf32>,
    %slice3A_405 = vector.extract_strided_slice %dot_general3A_383 {offsets = [0, 384], sizes = [16, 128], strides = [1, 1]} : vector<16x640xf32> to vector<16x128xf32>
    %swap3A_406 = arith.constant 0 : index
    %swap3A_407 = arith.constant 43 : index
    %swap3A_408 = arith.constant 0 : index
    %swap3A_409 = vector.load %arg4[%swap3A_406, %swap3A_407, %swap3A_408] : memref<16x160x128xf32, #tpu.memory_space<vmem>>, vector<16x1x128xf32>
    %swap3A_410 = vector.shape_cast %swap3A_409 : vector<16x1x128xf32> to vector<16x128xf32>
    %swap3A_411 = vector.shape_cast %slice3A_405 : vector<16x128xf32> to vector<16x1x128xf32>
    tpu.vector_store %arg4[%swap3A_406, %swap3A_407, %swap3A_408], %swap3A_411 {strides = array<i32>} : memref<16x160x128xf32, #tpu.memory_space<vmem>>, vector<16x1x128xf32>,
    %slice3A_412 = vector.extract_strided_slice %dot_general3A_383 {offsets = [0, 512], sizes = [16, 128], strides = [1, 1]} : vector<16x640xf32> to vector<16x128xf32>
    %swap3A_413 = arith.constant 0 : index
    %swap3A_414 = arith.constant 44 : index
    %swap3A_415 = arith.constant 0 : index
    %swap3A_416 = vector.load %arg4[%swap3A_413, %swap3A_414, %swap3A_415] : memref<16x160x128xf32, #tpu.memory_space<vmem>>, vector<16x1x128xf32>
    %swap3A_417 = vector.shape_cast %swap3A_416 : vector<16x1x128xf32> to vector<16x128xf32>
    %swap3A_418 = vector.shape_cast %slice3A_412 : vector<16x128xf32> to vector<16x1x128xf32>
    tpu.vector_store %arg4[%swap3A_413, %swap3A_414, %swap3A_415], %swap3A_418 {strides = array<i32>} : memref<16x160x128xf32, #tpu.memory_space<vmem>>, vector<16x1x128xf32>,
    %get3A_419 = arith.constant 0 : index
    %get3A_420 = arith.constant 1152 : index
    %get3A_421 = vector.load %arg0[%get3A_419, %get3A_420] : memref<16x4096xf32, #tpu.memory_space<vmem>>, vector<16x128xf32>
    %mul3A_422 = vector.broadcast %mul3A_18 : f32 to vector<16x128xf32>
    %mul3A_423 = arith.mulf %get3A_421, %mul3A_422 : vector<16x128xf32>
    %add3A_424 = vector.broadcast %sub3A_22 : f32 to vector<16x128xf32>
    %add3A_425 = arith.addf %mul3A_423, %add3A_424 : vector<16x128xf32>
    %dot_general3A_426 = arith.constant dense<0.000000e+00> : vector<16x640xf32>
    %dot_general3A_427 = tpu.matmul %add3A_425, %get3A_25, %dot_general3A_426 {dimension_numbers = #tpu.dot_dimension_numbers<[1], [0], [0], [1], [0, 0, 1, 1], [], []>, transpose_lhs_hint = false} : vector<16x128xf32>, vector<128x640xf32>, vector<16x640xf32> -> vector<16x640xf32>
    %slice3A_428 = vector.extract_strided_slice %dot_general3A_427 {offsets = [0, 0], sizes = [16, 128], strides = [1, 1]} : vector<16x640xf32> to vector<16x128xf32>
    %swap3A_429 = arith.constant 0 : index
    %swap3A_430 = arith.constant 45 : index
    %swap3A_431 = arith.constant 0 : index
    %swap3A_432 = vector.load %arg4[%swap3A_429, %swap3A_430, %swap3A_431] : memref<16x160x128xf32, #tpu.memory_space<vmem>>, vector<16x1x128xf32>
    %swap3A_433 = vector.shape_cast %swap3A_432 : vector<16x1x128xf32> to vector<16x128xf32>
    %swap3A_434 = vector.shape_cast %slice3A_428 : vector<16x128xf32> to vector<16x1x128xf32>
    tpu.vector_store %arg4[%swap3A_429, %swap3A_430, %swap3A_431], %swap3A_434 {strides = array<i32>} : memref<16x160x128xf32, #tpu.memory_space<vmem>>, vector<16x1x128xf32>,
    %slice3A_435 = vector.extract_strided_slice %dot_general3A_427 {offsets = [0, 128], sizes = [16, 128], strides = [1, 1]} : vector<16x640xf32> to vector<16x128xf32>
    %swap3A_436 = arith.constant 0 : index
    %swap3A_437 = arith.constant 46 : index
    %swap3A_438 = arith.constant 0 : index
    %swap3A_439 = vector.load %arg4[%swap3A_436, %swap3A_437, %swap3A_438] : memref<16x160x128xf32, #tpu.memory_space<vmem>>, vector<16x1x128xf32>
    %swap3A_440 = vector.shape_cast %swap3A_439 : vector<16x1x128xf32> to vector<16x128xf32>
    %swap3A_441 = vector.shape_cast %slice3A_435 : vector<16x128xf32> to vector<16x1x128xf32>
    tpu.vector_store %arg4[%swap3A_436, %swap3A_437, %swap3A_438], %swap3A_441 {strides = array<i32>} : memref<16x160x128xf32, #tpu.memory_space<vmem>>, vector<16x1x128xf32>,
    %slice3A_442 = vector.extract_strided_slice %dot_general3A_427 {offsets = [0, 256], sizes = [16, 128], strides = [1, 1]} : vector<16x640xf32> to vector<16x128xf32>
    %swap3A_443 = arith.constant 0 : index
    %swap3A_444 = arith.constant 47 : index
    %swap3A_445 = arith.constant 0 : index
    %swap3A_446 = vector.load %arg4[%swap3A_443, %swap3A_444, %swap3A_445] : memref<16x160x128xf32, #tpu.memory_space<vmem>>, vector<16x1x128xf32>
    %swap3A_447 = vector.shape_cast %swap3A_446 : vector<16x1x128xf32> to vector<16x128xf32>
    %swap3A_448 = vector.shape_cast %slice3A_442 : vector<16x128xf32> to vector<16x1x128xf32>
    tpu.vector_store %arg4[%swap3A_443, %swap3A_444, %swap3A_445], %swap3A_448 {strides = array<i32>} : memref<16x160x128xf32, #tpu.memory_space<vmem>>, vector<16x1x128xf32>,
    %slice3A_449 = vector.extract_strided_slice %dot_general3A_427 {offsets = [0, 384], sizes = [16, 128], strides = [1, 1]} : vector<16x640xf32> to vector<16x128xf32>
    %swap3A_450 = arith.constant 0 : index
    %swap3A_451 = arith.constant 48 : index
    %swap3A_452 = arith.constant 0 : index
    %swap3A_453 = vector.load %arg4[%swap3A_450, %swap3A_451, %swap3A_452] : memref<16x160x128xf32, #tpu.memory_space<vmem>>, vector<16x1x128xf32>
    %swap3A_454 = vector.shape_cast %swap3A_453 : vector<16x1x128xf32> to vector<16x128xf32>
    %swap3A_455 = vector.shape_cast %slice3A_449 : vector<16x128xf32> to vector<16x1x128xf32>
    tpu.vector_store %arg4[%swap3A_450, %swap3A_451, %swap3A_452], %swap3A_455 {strides = array<i32>} : memref<16x160x128xf32, #tpu.memory_space<vmem>>, vector<16x1x128xf32>,
    %slice3A_456 = vector.extract_strided_slice %dot_general3A_427 {offsets = [0, 512], sizes = [16, 128], strides = [1, 1]} : vector<16x640xf32> to vector<16x128xf32>
    %swap3A_457 = arith.constant 0 : index
    %swap3A_458 = arith.constant 49 : index
    %swap3A_459 = arith.constant 0 : index
    %swap3A_460 = vector.load %arg4[%swap3A_457, %swap3A_458, %swap3A_459] : memref<16x160x128xf32, #tpu.memory_space<vmem>>, vector<16x1x128xf32>
    %swap3A_461 = vector.shape_cast %swap3A_460 : vector<16x1x128xf32> to vector<16x128xf32>
    %swap3A_462 = vector.shape_cast %slice3A_456 : vector<16x128xf32> to vector<16x1x128xf32>
    tpu.vector_store %arg4[%swap3A_457, %swap3A_458, %swap3A_459], %swap3A_462 {strides = array<i32>} : memref<16x160x128xf32, #tpu.memory_space<vmem>>, vector<16x1x128xf32>,
    %get3A_463 = arith.constant 0 : index
    %get3A_464 = arith.constant 1280 : index
    %get3A_465 = vector.load %arg0[%get3A_463, %get3A_464] : memref<16x4096xf32, #tpu.memory_space<vmem>>, vector<16x128xf32>
    %mul3A_466 = vector.broadcast %mul3A_18 : f32 to vector<16x128xf32>
    %mul3A_467 = arith.mulf %get3A_465, %mul3A_466 : vector<16x128xf32>
    %add3A_468 = vector.broadcast %sub3A_22 : f32 to vector<16x128xf32>
    %add3A_469 = arith.addf %mul3A_467, %add3A_468 : vector<16x128xf32>
    %dot_general3A_470 = arith.constant dense<0.000000e+00> : vector<16x640xf32>
    %dot_general3A_471 = tpu.matmul %add3A_469, %get3A_25, %dot_general3A_470 {dimension_numbers = #tpu.dot_dimension_numbers<[1], [0], [0], [1], [0, 0, 1, 1], [], []>, transpose_lhs_hint = false} : vector<16x128xf32>, vector<128x640xf32>, vector<16x640xf32> -> vector<16x640xf32>
    %slice3A_472 = vector.extract_strided_slice %dot_general3A_471 {offsets = [0, 0], sizes = [16, 128], strides = [1, 1]} : vector<16x640xf32> to vector<16x128xf32>
    %swap3A_473 = arith.constant 0 : index
    %swap3A_474 = arith.constant 50 : index
    %swap3A_475 = arith.constant 0 : index
    %swap3A_476 = vector.load %arg4[%swap3A_473, %swap3A_474, %swap3A_475] : memref<16x160x128xf32, #tpu.memory_space<vmem>>, vector<16x1x128xf32>
    %swap3A_477 = vector.shape_cast %swap3A_476 : vector<16x1x128xf32> to vector<16x128xf32>
    %swap3A_478 = vector.shape_cast %slice3A_472 : vector<16x128xf32> to vector<16x1x128xf32>
    tpu.vector_store %arg4[%swap3A_473, %swap3A_474, %swap3A_475], %swap3A_478 {strides = array<i32>} : memref<16x160x128xf32, #tpu.memory_space<vmem>>, vector<16x1x128xf32>,
    %slice3A_479 = vector.extract_strided_slice %dot_general3A_471 {offsets = [0, 128], sizes = [16, 128], strides = [1, 1]} : vector<16x640xf32> to vector<16x128xf32>
    %swap3A_480 = arith.constant 0 : index
    %swap3A_481 = arith.constant 51 : index
    %swap3A_482 = arith.constant 0 : index
    %swap3A_483 = vector.load %arg4[%swap3A_480, %swap3A_481, %swap3A_482] : memref<16x160x128xf32, #tpu.memory_space<vmem>>, vector<16x1x128xf32>
    %swap3A_484 = vector.shape_cast %swap3A_483 : vector<16x1x128xf32> to vector<16x128xf32>
    %swap3A_485 = vector.shape_cast %slice3A_479 : vector<16x128xf32> to vector<16x1x128xf32>
    tpu.vector_store %arg4[%swap3A_480, %swap3A_481, %swap3A_482], %swap3A_485 {strides = array<i32>} : memref<16x160x128xf32, #tpu.memory_space<vmem>>, vector<16x1x128xf32>,
    %slice3A_486 = vector.extract_strided_slice %dot_general3A_471 {offsets = [0, 256], sizes = [16, 128], strides = [1, 1]} : vector<16x640xf32> to vector<16x128xf32>
    %swap3A_487 = arith.constant 0 : index
    %swap3A_488 = arith.constant 52 : index
    %swap3A_489 = arith.constant 0 : index
    %swap3A_490 = vector.load %arg4[%swap3A_487, %swap3A_488, %swap3A_489] : memref<16x160x128xf32, #tpu.memory_space<vmem>>, vector<16x1x128xf32>
    %swap3A_491 = vector.shape_cast %swap3A_490 : vector<16x1x128xf32> to vector<16x128xf32>
    %swap3A_492 = vector.shape_cast %slice3A_486 : vector<16x128xf32> to vector<16x1x128xf32>
    tpu.vector_store %arg4[%swap3A_487, %swap3A_488, %swap3A_489], %swap3A_492 {strides = array<i32>} : memref<16x160x128xf32, #tpu.memory_space<vmem>>, vector<16x1x128xf32>,
    %slice3A_493 = vector.extract_strided_slice %dot_general3A_471 {offsets = [0, 384], sizes = [16, 128], strides = [1, 1]} : vector<16x640xf32> to vector<16x128xf32>
    %swap3A_494 = arith.constant 0 : index
    %swap3A_495 = arith.constant 53 : index
    %swap3A_496 = arith.constant 0 : index
    %swap3A_497 = vector.load %arg4[%swap3A_494, %swap3A_495, %swap3A_496] : memref<16x160x128xf32, #tpu.memory_space<vmem>>, vector<16x1x128xf32>
    %swap3A_498 = vector.shape_cast %swap3A_497 : vector<16x1x128xf32> to vector<16x128xf32>
    %swap3A_499 = vector.shape_cast %slice3A_493 : vector<16x128xf32> to vector<16x1x128xf32>
    tpu.vector_store %arg4[%swap3A_494, %swap3A_495, %swap3A_496], %swap3A_499 {strides = array<i32>} : memref<16x160x128xf32, #tpu.memory_space<vmem>>, vector<16x1x128xf32>,
    %slice3A_500 = vector.extract_strided_slice %dot_general3A_471 {offsets = [0, 512], sizes = [16, 128], strides = [1, 1]} : vector<16x640xf32> to vector<16x128xf32>
    %swap3A_501 = arith.constant 0 : index
    %swap3A_502 = arith.constant 54 : index
    %swap3A_503 = arith.constant 0 : index
    %swap3A_504 = vector.load %arg4[%swap3A_501, %swap3A_502, %swap3A_503] : memref<16x160x128xf32, #tpu.memory_space<vmem>>, vector<16x1x128xf32>
    %swap3A_505 = vector.shape_cast %swap3A_504 : vector<16x1x128xf32> to vector<16x128xf32>
    %swap3A_506 = vector.shape_cast %slice3A_500 : vector<16x128xf32> to vector<16x1x128xf32>
    tpu.vector_store %arg4[%swap3A_501, %swap3A_502, %swap3A_503], %swap3A_506 {strides = array<i32>} : memref<16x160x128xf32, #tpu.memory_space<vmem>>, vector<16x1x128xf32>,
    %get3A_507 = arith.constant 0 : index
    %get3A_508 = arith.constant 1408 : index
    %get3A_509 = vector.load %arg0[%get3A_507, %get3A_508] : memref<16x4096xf32, #tpu.memory_space<vmem>>, vector<16x128xf32>
    %mul3A_510 = vector.broadcast %mul3A_18 : f32 to vector<16x128xf32>
    %mul3A_511 = arith.mulf %get3A_509, %mul3A_510 : vector<16x128xf32>
    %add3A_512 = vector.broadcast %sub3A_22 : f32 to vector<16x128xf32>
    %add3A_513 = arith.addf %mul3A_511, %add3A_512 : vector<16x128xf32>
    %dot_general3A_514 = arith.constant dense<0.000000e+00> : vector<16x640xf32>
    %dot_general3A_515 = tpu.matmul %add3A_513, %get3A_25, %dot_general3A_514 {dimension_numbers = #tpu.dot_dimension_numbers<[1], [0], [0], [1], [0, 0, 1, 1], [], []>, transpose_lhs_hint = false} : vector<16x128xf32>, vector<128x640xf32>, vector<16x640xf32> -> vector<16x640xf32>
    %slice3A_516 = vector.extract_strided_slice %dot_general3A_515 {offsets = [0, 0], sizes = [16, 128], strides = [1, 1]} : vector<16x640xf32> to vector<16x128xf32>
    %swap3A_517 = arith.constant 0 : index
    %swap3A_518 = arith.constant 55 : index
    %swap3A_519 = arith.constant 0 : index
    %swap3A_520 = vector.load %arg4[%swap3A_517, %swap3A_518, %swap3A_519] : memref<16x160x128xf32, #tpu.memory_space<vmem>>, vector<16x1x128xf32>
    %swap3A_521 = vector.shape_cast %swap3A_520 : vector<16x1x128xf32> to vector<16x128xf32>
    %swap3A_522 = vector.shape_cast %slice3A_516 : vector<16x128xf32> to vector<16x1x128xf32>
    tpu.vector_store %arg4[%swap3A_517, %swap3A_518, %swap3A_519], %swap3A_522 {strides = array<i32>} : memref<16x160x128xf32, #tpu.memory_space<vmem>>, vector<16x1x128xf32>,
    %slice3A_523 = vector.extract_strided_slice %dot_general3A_515 {offsets = [0, 128], sizes = [16, 128], strides = [1, 1]} : vector<16x640xf32> to vector<16x128xf32>
    %swap3A_524 = arith.constant 0 : index
    %swap3A_525 = arith.constant 56 : index
    %swap3A_526 = arith.constant 0 : index
    %swap3A_527 = vector.load %arg4[%swap3A_524, %swap3A_525, %swap3A_526] : memref<16x160x128xf32, #tpu.memory_space<vmem>>, vector<16x1x128xf32>
    %swap3A_528 = vector.shape_cast %swap3A_527 : vector<16x1x128xf32> to vector<16x128xf32>
    %swap3A_529 = vector.shape_cast %slice3A_523 : vector<16x128xf32> to vector<16x1x128xf32>
    tpu.vector_store %arg4[%swap3A_524, %swap3A_525, %swap3A_526], %swap3A_529 {strides = array<i32>} : memref<16x160x128xf32, #tpu.memory_space<vmem>>, vector<16x1x128xf32>,
    %slice3A_530 = vector.extract_strided_slice %dot_general3A_515 {offsets = [0, 256], sizes = [16, 128], strides = [1, 1]} : vector<16x640xf32> to vector<16x128xf32>
    %swap3A_531 = arith.constant 0 : index
    %swap3A_532 = arith.constant 57 : index
    %swap3A_533 = arith.constant 0 : index
    %swap3A_534 = vector.load %arg4[%swap3A_531, %swap3A_532, %swap3A_533] : memref<16x160x128xf32, #tpu.memory_space<vmem>>, vector<16x1x128xf32>
    %swap3A_535 = vector.shape_cast %swap3A_534 : vector<16x1x128xf32> to vector<16x128xf32>
    %swap3A_536 = vector.shape_cast %slice3A_530 : vector<16x128xf32> to vector<16x1x128xf32>
    tpu.vector_store %arg4[%swap3A_531, %swap3A_532, %swap3A_533], %swap3A_536 {strides = array<i32>} : memref<16x160x128xf32, #tpu.memory_space<vmem>>, vector<16x1x128xf32>,
    %slice3A_537 = vector.extract_strided_slice %dot_general3A_515 {offsets = [0, 384], sizes = [16, 128], strides = [1, 1]} : vector<16x640xf32> to vector<16x128xf32>
    %swap3A_538 = arith.constant 0 : index
    %swap3A_539 = arith.constant 58 : index
    %swap3A_540 = arith.constant 0 : index
    %swap3A_541 = vector.load %arg4[%swap3A_538, %swap3A_539, %swap3A_540] : memref<16x160x128xf32, #tpu.memory_space<vmem>>, vector<16x1x128xf32>
    %swap3A_542 = vector.shape_cast %swap3A_541 : vector<16x1x128xf32> to vector<16x128xf32>
    %swap3A_543 = vector.shape_cast %slice3A_537 : vector<16x128xf32> to vector<16x1x128xf32>
    tpu.vector_store %arg4[%swap3A_538, %swap3A_539, %swap3A_540], %swap3A_543 {strides = array<i32>} : memref<16x160x128xf32, #tpu.memory_space<vmem>>, vector<16x1x128xf32>,
    %slice3A_544 = vector.extract_strided_slice %dot_general3A_515 {offsets = [0, 512], sizes = [16, 128], strides = [1, 1]} : vector<16x640xf32> to vector<16x128xf32>
    %swap3A_545 = arith.constant 0 : index
    %swap3A_546 = arith.constant 59 : index
    %swap3A_547 = arith.constant 0 : index
    %swap3A_548 = vector.load %arg4[%swap3A_545, %swap3A_546, %swap3A_547] : memref<16x160x128xf32, #tpu.memory_space<vmem>>, vector<16x1x128xf32>
    %swap3A_549 = vector.shape_cast %swap3A_548 : vector<16x1x128xf32> to vector<16x128xf32>
    %swap3A_550 = vector.shape_cast %slice3A_544 : vector<16x128xf32> to vector<16x1x128xf32>
    tpu.vector_store %arg4[%swap3A_545, %swap3A_546, %swap3A_547], %swap3A_550 {strides = array<i32>} : memref<16x160x128xf32, #tpu.memory_space<vmem>>, vector<16x1x128xf32>,
    %get3A_551 = arith.constant 0 : index
    %get3A_552 = arith.constant 1536 : index
    %get3A_553 = vector.load %arg0[%get3A_551, %get3A_552] : memref<16x4096xf32, #tpu.memory_space<vmem>>, vector<16x128xf32>
    %mul3A_554 = vector.broadcast %mul3A_18 : f32 to vector<16x128xf32>
    %mul3A_555 = arith.mulf %get3A_553, %mul3A_554 : vector<16x128xf32>
    %add3A_556 = vector.broadcast %sub3A_22 : f32 to vector<16x128xf32>
    %add3A_557 = arith.addf %mul3A_555, %add3A_556 : vector<16x128xf32>
    %dot_general3A_558 = arith.constant dense<0.000000e+00> : vector<16x640xf32>
    %dot_general3A_559 = tpu.matmul %add3A_557, %get3A_25, %dot_general3A_558 {dimension_numbers = #tpu.dot_dimension_numbers<[1], [0], [0], [1], [0, 0, 1, 1], [], []>, transpose_lhs_hint = false} : vector<16x128xf32>, vector<128x640xf32>, vector<16x640xf32> -> vector<16x640xf32>
    %slice3A_560 = vector.extract_strided_slice %dot_general3A_559 {offsets = [0, 0], sizes = [16, 128], strides = [1, 1]} : vector<16x640xf32> to vector<16x128xf32>
    %swap3A_561 = arith.constant 0 : index
    %swap3A_562 = arith.constant 60 : index
    %swap3A_563 = arith.constant 0 : index
    %swap3A_564 = vector.load %arg4[%swap3A_561, %swap3A_562, %swap3A_563] : memref<16x160x128xf32, #tpu.memory_space<vmem>>, vector<16x1x128xf32>
    %swap3A_565 = vector.shape_cast %swap3A_564 : vector<16x1x128xf32> to vector<16x128xf32>
    %swap3A_566 = vector.shape_cast %slice3A_560 : vector<16x128xf32> to vector<16x1x128xf32>
    tpu.vector_store %arg4[%swap3A_561, %swap3A_562, %swap3A_563], %swap3A_566 {strides = array<i32>} : memref<16x160x128xf32, #tpu.memory_space<vmem>>, vector<16x1x128xf32>,
    %slice3A_567 = vector.extract_strided_slice %dot_general3A_559 {offsets = [0, 128], sizes = [16, 128], strides = [1, 1]} : vector<16x640xf32> to vector<16x128xf32>
    %swap3A_568 = arith.constant 0 : index
    %swap3A_569 = arith.constant 61 : index
    %swap3A_570 = arith.constant 0 : index
    %swap3A_571 = vector.load %arg4[%swap3A_568, %swap3A_569, %swap3A_570] : memref<16x160x128xf32, #tpu.memory_space<vmem>>, vector<16x1x128xf32>
    %swap3A_572 = vector.shape_cast %swap3A_571 : vector<16x1x128xf32> to vector<16x128xf32>
    %swap3A_573 = vector.shape_cast %slice3A_567 : vector<16x128xf32> to vector<16x1x128xf32>
    tpu.vector_store %arg4[%swap3A_568, %swap3A_569, %swap3A_570], %swap3A_573 {strides = array<i32>} : memref<16x160x128xf32, #tpu.memory_space<vmem>>, vector<16x1x128xf32>,
    %slice3A_574 = vector.extract_strided_slice %dot_general3A_559 {offsets = [0, 256], sizes = [16, 128], strides = [1, 1]} : vector<16x640xf32> to vector<16x128xf32>
    %swap3A_575 = arith.constant 0 : index
    %swap3A_576 = arith.constant 62 : index
    %swap3A_577 = arith.constant 0 : index
    %swap3A_578 = vector.load %arg4[%swap3A_575, %swap3A_576, %swap3A_577] : memref<16x160x128xf32, #tpu.memory_space<vmem>>, vector<16x1x128xf32>
    %swap3A_579 = vector.shape_cast %swap3A_578 : vector<16x1x128xf32> to vector<16x128xf32>
    %swap3A_580 = vector.shape_cast %slice3A_574 : vector<16x128xf32> to vector<16x1x128xf32>
    tpu.vector_store %arg4[%swap3A_575, %swap3A_576, %swap3A_577], %swap3A_580 {strides = array<i32>} : memref<16x160x128xf32, #tpu.memory_space<vmem>>, vector<16x1x128xf32>,
    %slice3A_581 = vector.extract_strided_slice %dot_general3A_559 {offsets = [0, 384], sizes = [16, 128], strides = [1, 1]} : vector<16x640xf32> to vector<16x128xf32>
    %swap3A_582 = arith.constant 0 : index
    %swap3A_583 = arith.constant 63 : index
    %swap3A_584 = arith.constant 0 : index
    %swap3A_585 = vector.load %arg4[%swap3A_582, %swap3A_583, %swap3A_584] : memref<16x160x128xf32, #tpu.memory_space<vmem>>, vector<16x1x128xf32>
    %swap3A_586 = vector.shape_cast %swap3A_585 : vector<16x1x128xf32> to vector<16x128xf32>
    %swap3A_587 = vector.shape_cast %slice3A_581 : vector<16x128xf32> to vector<16x1x128xf32>
    tpu.vector_store %arg4[%swap3A_582, %swap3A_583, %swap3A_584], %swap3A_587 {strides = array<i32>} : memref<16x160x128xf32, #tpu.memory_space<vmem>>, vector<16x1x128xf32>,
    %slice3A_588 = vector.extract_strided_slice %dot_general3A_559 {offsets = [0, 512], sizes = [16, 128], strides = [1, 1]} : vector<16x640xf32> to vector<16x128xf32>
    %swap3A_589 = arith.constant 0 : index
    %swap3A_590 = arith.constant 64 : index
    %swap3A_591 = arith.constant 0 : index
    %swap3A_592 = vector.load %arg4[%swap3A_589, %swap3A_590, %swap3A_591] : memref<16x160x128xf32, #tpu.memory_space<vmem>>, vector<16x1x128xf32>
    %swap3A_593 = vector.shape_cast %swap3A_592 : vector<16x1x128xf32> to vector<16x128xf32>
    %swap3A_594 = vector.shape_cast %slice3A_588 : vector<16x128xf32> to vector<16x1x128xf32>
    tpu.vector_store %arg4[%swap3A_589, %swap3A_590, %swap3A_591], %swap3A_594 {strides = array<i32>} : memref<16x160x128xf32, #tpu.memory_space<vmem>>, vector<16x1x128xf32>,
    %get3A_595 = arith.constant 0 : index
    %get3A_596 = arith.constant 1664 : index
    %get3A_597 = vector.load %arg0[%get3A_595, %get3A_596] : memref<16x4096xf32, #tpu.memory_space<vmem>>, vector<16x128xf32>
    %mul3A_598 = vector.broadcast %mul3A_18 : f32 to vector<16x128xf32>
    %mul3A_599 = arith.mulf %get3A_597, %mul3A_598 : vector<16x128xf32>
    %add3A_600 = vector.broadcast %sub3A_22 : f32 to vector<16x128xf32>
    %add3A_601 = arith.addf %mul3A_599, %add3A_600 : vector<16x128xf32>
    %dot_general3A_602 = arith.constant dense<0.000000e+00> : vector<16x640xf32>
    %dot_general3A_603 = tpu.matmul %add3A_601, %get3A_25, %dot_general3A_602 {dimension_numbers = #tpu.dot_dimension_numbers<[1], [0], [0], [1], [0, 0, 1, 1], [], []>, transpose_lhs_hint = false} : vector<16x128xf32>, vector<128x640xf32>, vector<16x640xf32> -> vector<16x640xf32>
    %slice3A_604 = vector.extract_strided_slice %dot_general3A_603 {offsets = [0, 0], sizes = [16, 128], strides = [1, 1]} : vector<16x640xf32> to vector<16x128xf32>
    %swap3A_605 = arith.constant 0 : index
    %swap3A_606 = arith.constant 65 : index
    %swap3A_607 = arith.constant 0 : index
    %swap3A_608 = vector.load %arg4[%swap3A_605, %swap3A_606, %swap3A_607] : memref<16x160x128xf32, #tpu.memory_space<vmem>>, vector<16x1x128xf32>
    %swap3A_609 = vector.shape_cast %swap3A_608 : vector<16x1x128xf32> to vector<16x128xf32>
    %swap3A_610 = vector.shape_cast %slice3A_604 : vector<16x128xf32> to vector<16x1x128xf32>
    tpu.vector_store %arg4[%swap3A_605, %swap3A_606, %swap3A_607], %swap3A_610 {strides = array<i32>} : memref<16x160x128xf32, #tpu.memory_space<vmem>>, vector<16x1x128xf32>,
    %slice3A_611 = vector.extract_strided_slice %dot_general3A_603 {offsets = [0, 128], sizes = [16, 128], strides = [1, 1]} : vector<16x640xf32> to vector<16x128xf32>
    %swap3A_612 = arith.constant 0 : index
    %swap3A_613 = arith.constant 66 : index
    %swap3A_614 = arith.constant 0 : index
    %swap3A_615 = vector.load %arg4[%swap3A_612, %swap3A_613, %swap3A_614] : memref<16x160x128xf32, #tpu.memory_space<vmem>>, vector<16x1x128xf32>
    %swap3A_616 = vector.shape_cast %swap3A_615 : vector<16x1x128xf32> to vector<16x128xf32>
    %swap3A_617 = vector.shape_cast %slice3A_611 : vector<16x128xf32> to vector<16x1x128xf32>
    tpu.vector_store %arg4[%swap3A_612, %swap3A_613, %swap3A_614], %swap3A_617 {strides = array<i32>} : memref<16x160x128xf32, #tpu.memory_space<vmem>>, vector<16x1x128xf32>,
    %slice3A_618 = vector.extract_strided_slice %dot_general3A_603 {offsets = [0, 256], sizes = [16, 128], strides = [1, 1]} : vector<16x640xf32> to vector<16x128xf32>
    %swap3A_619 = arith.constant 0 : index
    %swap3A_620 = arith.constant 67 : index
    %swap3A_621 = arith.constant 0 : index
    %swap3A_622 = vector.load %arg4[%swap3A_619, %swap3A_620, %swap3A_621] : memref<16x160x128xf32, #tpu.memory_space<vmem>>, vector<16x1x128xf32>
    %swap3A_623 = vector.shape_cast %swap3A_622 : vector<16x1x128xf32> to vector<16x128xf32>
    %swap3A_624 = vector.shape_cast %slice3A_618 : vector<16x128xf32> to vector<16x1x128xf32>
    tpu.vector_store %arg4[%swap3A_619, %swap3A_620, %swap3A_621], %swap3A_624 {strides = array<i32>} : memref<16x160x128xf32, #tpu.memory_space<vmem>>, vector<16x1x128xf32>,
    %slice3A_625 = vector.extract_strided_slice %dot_general3A_603 {offsets = [0, 384], sizes = [16, 128], strides = [1, 1]} : vector<16x640xf32> to vector<16x128xf32>
    %swap3A_626 = arith.constant 0 : index
    %swap3A_627 = arith.constant 68 : index
    %swap3A_628 = arith.constant 0 : index
    %swap3A_629 = vector.load %arg4[%swap3A_626, %swap3A_627, %swap3A_628] : memref<16x160x128xf32, #tpu.memory_space<vmem>>, vector<16x1x128xf32>
    %swap3A_630 = vector.shape_cast %swap3A_629 : vector<16x1x128xf32> to vector<16x128xf32>
    %swap3A_631 = vector.shape_cast %slice3A_625 : vector<16x128xf32> to vector<16x1x128xf32>
    tpu.vector_store %arg4[%swap3A_626, %swap3A_627, %swap3A_628], %swap3A_631 {strides = array<i32>} : memref<16x160x128xf32, #tpu.memory_space<vmem>>, vector<16x1x128xf32>,
    %slice3A_632 = vector.extract_strided_slice %dot_general3A_603 {offsets = [0, 512], sizes = [16, 128], strides = [1, 1]} : vector<16x640xf32> to vector<16x128xf32>
    %swap3A_633 = arith.constant 0 : index
    %swap3A_634 = arith.constant 69 : index
    %swap3A_635 = arith.constant 0 : index
    %swap3A_636 = vector.load %arg4[%swap3A_633, %swap3A_634, %swap3A_635] : memref<16x160x128xf32, #tpu.memory_space<vmem>>, vector<16x1x128xf32>
    %swap3A_637 = vector.shape_cast %swap3A_636 : vector<16x1x128xf32> to vector<16x128xf32>
    %swap3A_638 = vector.shape_cast %slice3A_632 : vector<16x128xf32> to vector<16x1x128xf32>
    tpu.vector_store %arg4[%swap3A_633, %swap3A_634, %swap3A_635], %swap3A_638 {strides = array<i32>} : memref<16x160x128xf32, #tpu.memory_space<vmem>>, vector<16x1x128xf32>,
    %get3A_639 = arith.constant 0 : index
    %get3A_640 = arith.constant 1792 : index
    %get3A_641 = vector.load %arg0[%get3A_639, %get3A_640] : memref<16x4096xf32, #tpu.memory_space<vmem>>, vector<16x128xf32>
    %mul3A_642 = vector.broadcast %mul3A_18 : f32 to vector<16x128xf32>
    %mul3A_643 = arith.mulf %get3A_641, %mul3A_642 : vector<16x128xf32>
    %add3A_644 = vector.broadcast %sub3A_22 : f32 to vector<16x128xf32>
    %add3A_645 = arith.addf %mul3A_643, %add3A_644 : vector<16x128xf32>
    %dot_general3A_646 = arith.constant dense<0.000000e+00> : vector<16x640xf32>
    %dot_general3A_647 = tpu.matmul %add3A_645, %get3A_25, %dot_general3A_646 {dimension_numbers = #tpu.dot_dimension_numbers<[1], [0], [0], [1], [0, 0, 1, 1], [], []>, transpose_lhs_hint = false} : vector<16x128xf32>, vector<128x640xf32>, vector<16x640xf32> -> vector<16x640xf32>
    %slice3A_648 = vector.extract_strided_slice %dot_general3A_647 {offsets = [0, 0], sizes = [16, 128], strides = [1, 1]} : vector<16x640xf32> to vector<16x128xf32>
    %swap3A_649 = arith.constant 0 : index
    %swap3A_650 = arith.constant 70 : index
    %swap3A_651 = arith.constant 0 : index
    %swap3A_652 = vector.load %arg4[%swap3A_649, %swap3A_650, %swap3A_651] : memref<16x160x128xf32, #tpu.memory_space<vmem>>, vector<16x1x128xf32>
    %swap3A_653 = vector.shape_cast %swap3A_652 : vector<16x1x128xf32> to vector<16x128xf32>
    %swap3A_654 = vector.shape_cast %slice3A_648 : vector<16x128xf32> to vector<16x1x128xf32>
    tpu.vector_store %arg4[%swap3A_649, %swap3A_650, %swap3A_651], %swap3A_654 {strides = array<i32>} : memref<16x160x128xf32, #tpu.memory_space<vmem>>, vector<16x1x128xf32>,
    %slice3A_655 = vector.extract_strided_slice %dot_general3A_647 {offsets = [0, 128], sizes = [16, 128], strides = [1, 1]} : vector<16x640xf32> to vector<16x128xf32>
    %swap3A_656 = arith.constant 0 : index
    %swap3A_657 = arith.constant 71 : index
    %swap3A_658 = arith.constant 0 : index
    %swap3A_659 = vector.load %arg4[%swap3A_656, %swap3A_657, %swap3A_658] : memref<16x160x128xf32, #tpu.memory_space<vmem>>, vector<16x1x128xf32>
    %swap3A_660 = vector.shape_cast %swap3A_659 : vector<16x1x128xf32> to vector<16x128xf32>
    %swap3A_661 = vector.shape_cast %slice3A_655 : vector<16x128xf32> to vector<16x1x128xf32>
    tpu.vector_store %arg4[%swap3A_656, %swap3A_657, %swap3A_658], %swap3A_661 {strides = array<i32>} : memref<16x160x128xf32, #tpu.memory_space<vmem>>, vector<16x1x128xf32>,
    %slice3A_662 = vector.extract_strided_slice %dot_general3A_647 {offsets = [0, 256], sizes = [16, 128], strides = [1, 1]} : vector<16x640xf32> to vector<16x128xf32>
    %swap3A_663 = arith.constant 0 : index
    %swap3A_664 = arith.constant 72 : index
    %swap3A_665 = arith.constant 0 : index
    %swap3A_666 = vector.load %arg4[%swap3A_663, %swap3A_664, %swap3A_665] : memref<16x160x128xf32, #tpu.memory_space<vmem>>, vector<16x1x128xf32>
    %swap3A_667 = vector.shape_cast %swap3A_666 : vector<16x1x128xf32> to vector<16x128xf32>
    %swap3A_668 = vector.shape_cast %slice3A_662 : vector<16x128xf32> to vector<16x1x128xf32>
    tpu.vector_store %arg4[%swap3A_663, %swap3A_664, %swap3A_665], %swap3A_668 {strides = array<i32>} : memref<16x160x128xf32, #tpu.memory_space<vmem>>, vector<16x1x128xf32>,
    %slice3A_669 = vector.extract_strided_slice %dot_general3A_647 {offsets = [0, 384], sizes = [16, 128], strides = [1, 1]} : vector<16x640xf32> to vector<16x128xf32>
    %swap3A_670 = arith.constant 0 : index
    %swap3A_671 = arith.constant 73 : index
    %swap3A_672 = arith.constant 0 : index
    %swap3A_673 = vector.load %arg4[%swap3A_670, %swap3A_671, %swap3A_672] : memref<16x160x128xf32, #tpu.memory_space<vmem>>, vector<16x1x128xf32>
    %swap3A_674 = vector.shape_cast %swap3A_673 : vector<16x1x128xf32> to vector<16x128xf32>
    %swap3A_675 = vector.shape_cast %slice3A_669 : vector<16x128xf32> to vector<16x1x128xf32>
    tpu.vector_store %arg4[%swap3A_670, %swap3A_671, %swap3A_672], %swap3A_675 {strides = array<i32>} : memref<16x160x128xf32, #tpu.memory_space<vmem>>, vector<16x1x128xf32>,
    %slice3A_676 = vector.extract_strided_slice %dot_general3A_647 {offsets = [0, 512], sizes = [16, 128], strides = [1, 1]} : vector<16x640xf32> to vector<16x128xf32>
    %swap3A_677 = arith.constant 0 : index
    %swap3A_678 = arith.constant 74 : index
    %swap3A_679 = arith.constant 0 : index
    %swap3A_680 = vector.load %arg4[%swap3A_677, %swap3A_678, %swap3A_679] : memref<16x160x128xf32, #tpu.memory_space<vmem>>, vector<16x1x128xf32>
    %swap3A_681 = vector.shape_cast %swap3A_680 : vector<16x1x128xf32> to vector<16x128xf32>
    %swap3A_682 = vector.shape_cast %slice3A_676 : vector<16x128xf32> to vector<16x1x128xf32>
    tpu.vector_store %arg4[%swap3A_677, %swap3A_678, %swap3A_679], %swap3A_682 {strides = array<i32>} : memref<16x160x128xf32, #tpu.memory_space<vmem>>, vector<16x1x128xf32>,
    %get3A_683 = arith.constant 0 : index
    %get3A_684 = arith.constant 1920 : index
    %get3A_685 = vector.load %arg0[%get3A_683, %get3A_684] : memref<16x4096xf32, #tpu.memory_space<vmem>>, vector<16x128xf32>
    %mul3A_686 = vector.broadcast %mul3A_18 : f32 to vector<16x128xf32>
    %mul3A_687 = arith.mulf %get3A_685, %mul3A_686 : vector<16x128xf32>
    %add3A_688 = vector.broadcast %sub3A_22 : f32 to vector<16x128xf32>
    %add3A_689 = arith.addf %mul3A_687, %add3A_688 : vector<16x128xf32>
    %dot_general3A_690 = arith.constant dense<0.000000e+00> : vector<16x640xf32>
    %dot_general3A_691 = tpu.matmul %add3A_689, %get3A_25, %dot_general3A_690 {dimension_numbers = #tpu.dot_dimension_numbers<[1], [0], [0], [1], [0, 0, 1, 1], [], []>, transpose_lhs_hint = false} : vector<16x128xf32>, vector<128x640xf32>, vector<16x640xf32> -> vector<16x640xf32>
    %slice3A_692 = vector.extract_strided_slice %dot_general3A_691 {offsets = [0, 0], sizes = [16, 128], strides = [1, 1]} : vector<16x640xf32> to vector<16x128xf32>
    %swap3A_693 = arith.constant 0 : index
    %swap3A_694 = arith.constant 75 : index
    %swap3A_695 = arith.constant 0 : index
    %swap3A_696 = vector.load %arg4[%swap3A_693, %swap3A_694, %swap3A_695] : memref<16x160x128xf32, #tpu.memory_space<vmem>>, vector<16x1x128xf32>
    %swap3A_697 = vector.shape_cast %swap3A_696 : vector<16x1x128xf32> to vector<16x128xf32>
    %swap3A_698 = vector.shape_cast %slice3A_692 : vector<16x128xf32> to vector<16x1x128xf32>
    tpu.vector_store %arg4[%swap3A_693, %swap3A_694, %swap3A_695], %swap3A_698 {strides = array<i32>} : memref<16x160x128xf32, #tpu.memory_space<vmem>>, vector<16x1x128xf32>,
    %slice3A_699 = vector.extract_strided_slice %dot_general3A_691 {offsets = [0, 128], sizes = [16, 128], strides = [1, 1]} : vector<16x640xf32> to vector<16x128xf32>
    %swap3A_700 = arith.constant 0 : index
    %swap3A_701 = arith.constant 76 : index
    %swap3A_702 = arith.constant 0 : index
    %swap3A_703 = vector.load %arg4[%swap3A_700, %swap3A_701, %swap3A_702] : memref<16x160x128xf32, #tpu.memory_space<vmem>>, vector<16x1x128xf32>
    %swap3A_704 = vector.shape_cast %swap3A_703 : vector<16x1x128xf32> to vector<16x128xf32>
    %swap3A_705 = vector.shape_cast %slice3A_699 : vector<16x128xf32> to vector<16x1x128xf32>
    tpu.vector_store %arg4[%swap3A_700, %swap3A_701, %swap3A_702], %swap3A_705 {strides = array<i32>} : memref<16x160x128xf32, #tpu.memory_space<vmem>>, vector<16x1x128xf32>,
    %slice3A_706 = vector.extract_strided_slice %dot_general3A_691 {offsets = [0, 256], sizes = [16, 128], strides = [1, 1]} : vector<16x640xf32> to vector<16x128xf32>
    %swap3A_707 = arith.constant 0 : index
    %swap3A_708 = arith.constant 77 : index
    %swap3A_709 = arith.constant 0 : index
    %swap3A_710 = vector.load %arg4[%swap3A_707, %swap3A_708, %swap3A_709] : memref<16x160x128xf32, #tpu.memory_space<vmem>>, vector<16x1x128xf32>
    %swap3A_711 = vector.shape_cast %swap3A_710 : vector<16x1x128xf32> to vector<16x128xf32>
    %swap3A_712 = vector.shape_cast %slice3A_706 : vector<16x128xf32> to vector<16x1x128xf32>
    tpu.vector_store %arg4[%swap3A_707, %swap3A_708, %swap3A_709], %swap3A_712 {strides = array<i32>} : memref<16x160x128xf32, #tpu.memory_space<vmem>>, vector<16x1x128xf32>,
    %slice3A_713 = vector.extract_strided_slice %dot_general3A_691 {offsets = [0, 384], sizes = [16, 128], strides = [1, 1]} : vector<16x640xf32> to vector<16x128xf32>
    %swap3A_714 = arith.constant 0 : index
    %swap3A_715 = arith.constant 78 : index
    %swap3A_716 = arith.constant 0 : index
    %swap3A_717 = vector.load %arg4[%swap3A_714, %swap3A_715, %swap3A_716] : memref<16x160x128xf32, #tpu.memory_space<vmem>>, vector<16x1x128xf32>
    %swap3A_718 = vector.shape_cast %swap3A_717 : vector<16x1x128xf32> to vector<16x128xf32>
    %swap3A_719 = vector.shape_cast %slice3A_713 : vector<16x128xf32> to vector<16x1x128xf32>
    tpu.vector_store %arg4[%swap3A_714, %swap3A_715, %swap3A_716], %swap3A_719 {strides = array<i32>} : memref<16x160x128xf32, #tpu.memory_space<vmem>>, vector<16x1x128xf32>,
    %slice3A_720 = vector.extract_strided_slice %dot_general3A_691 {offsets = [0, 512], sizes = [16, 128], strides = [1, 1]} : vector<16x640xf32> to vector<16x128xf32>
    %swap3A_721 = arith.constant 0 : index
    %swap3A_722 = arith.constant 79 : index
    %swap3A_723 = arith.constant 0 : index
    %swap3A_724 = vector.load %arg4[%swap3A_721, %swap3A_722, %swap3A_723] : memref<16x160x128xf32, #tpu.memory_space<vmem>>, vector<16x1x128xf32>
    %swap3A_725 = vector.shape_cast %swap3A_724 : vector<16x1x128xf32> to vector<16x128xf32>
    %swap3A_726 = vector.shape_cast %slice3A_720 : vector<16x128xf32> to vector<16x1x128xf32>
    tpu.vector_store %arg4[%swap3A_721, %swap3A_722, %swap3A_723], %swap3A_726 {strides = array<i32>} : memref<16x160x128xf32, #tpu.memory_space<vmem>>, vector<16x1x128xf32>,
    %get3A_727 = arith.constant 0 : index
    %get3A_728 = arith.constant 2048 : index
    %get3A_729 = vector.load %arg0[%get3A_727, %get3A_728] : memref<16x4096xf32, #tpu.memory_space<vmem>>, vector<16x128xf32>
    %mul3A_730 = vector.broadcast %mul3A_18 : f32 to vector<16x128xf32>
    %mul3A_731 = arith.mulf %get3A_729, %mul3A_730 : vector<16x128xf32>
    %add3A_732 = vector.broadcast %sub3A_22 : f32 to vector<16x128xf32>
    %add3A_733 = arith.addf %mul3A_731, %add3A_732 : vector<16x128xf32>
    %dot_general3A_734 = arith.constant dense<0.000000e+00> : vector<16x640xf32>
    %dot_general3A_735 = tpu.matmul %add3A_733, %get3A_25, %dot_general3A_734 {dimension_numbers = #tpu.dot_dimension_numbers<[1], [0], [0], [1], [0, 0, 1, 1], [], []>, transpose_lhs_hint = false} : vector<16x128xf32>, vector<128x640xf32>, vector<16x640xf32> -> vector<16x640xf32>
    %slice3A_736 = vector.extract_strided_slice %dot_general3A_735 {offsets = [0, 0], sizes = [16, 128], strides = [1, 1]} : vector<16x640xf32> to vector<16x128xf32>
    %swap3A_737 = arith.constant 0 : index
    %swap3A_738 = arith.constant 80 : index
    %swap3A_739 = arith.constant 0 : index
    %swap3A_740 = vector.load %arg4[%swap3A_737, %swap3A_738, %swap3A_739] : memref<16x160x128xf32, #tpu.memory_space<vmem>>, vector<16x1x128xf32>
    %swap3A_741 = vector.shape_cast %swap3A_740 : vector<16x1x128xf32> to vector<16x128xf32>
    %swap3A_742 = vector.shape_cast %slice3A_736 : vector<16x128xf32> to vector<16x1x128xf32>
    tpu.vector_store %arg4[%swap3A_737, %swap3A_738, %swap3A_739], %swap3A_742 {strides = array<i32>} : memref<16x160x128xf32, #tpu.memory_space<vmem>>, vector<16x1x128xf32>,
    %slice3A_743 = vector.extract_strided_slice %dot_general3A_735 {offsets = [0, 128], sizes = [16, 128], strides = [1, 1]} : vector<16x640xf32> to vector<16x128xf32>
    %swap3A_744 = arith.constant 0 : index
    %swap3A_745 = arith.constant 81 : index
    %swap3A_746 = arith.constant 0 : index
    %swap3A_747 = vector.load %arg4[%swap3A_744, %swap3A_745, %swap3A_746] : memref<16x160x128xf32, #tpu.memory_space<vmem>>, vector<16x1x128xf32>
    %swap3A_748 = vector.shape_cast %swap3A_747 : vector<16x1x128xf32> to vector<16x128xf32>
    %swap3A_749 = vector.shape_cast %slice3A_743 : vector<16x128xf32> to vector<16x1x128xf32>
    tpu.vector_store %arg4[%swap3A_744, %swap3A_745, %swap3A_746], %swap3A_749 {strides = array<i32>} : memref<16x160x128xf32, #tpu.memory_space<vmem>>, vector<16x1x128xf32>,
    %slice3A_750 = vector.extract_strided_slice %dot_general3A_735 {offsets = [0, 256], sizes = [16, 128], strides = [1, 1]} : vector<16x640xf32> to vector<16x128xf32>
    %swap3A_751 = arith.constant 0 : index
    %swap3A_752 = arith.constant 82 : index
    %swap3A_753 = arith.constant 0 : index
    %swap3A_754 = vector.load %arg4[%swap3A_751, %swap3A_752, %swap3A_753] : memref<16x160x128xf32, #tpu.memory_space<vmem>>, vector<16x1x128xf32>
    %swap3A_755 = vector.shape_cast %swap3A_754 : vector<16x1x128xf32> to vector<16x128xf32>
    %swap3A_756 = vector.shape_cast %slice3A_750 : vector<16x128xf32> to vector<16x1x128xf32>
    tpu.vector_store %arg4[%swap3A_751, %swap3A_752, %swap3A_753], %swap3A_756 {strides = array<i32>} : memref<16x160x128xf32, #tpu.memory_space<vmem>>, vector<16x1x128xf32>,
    %slice3A_757 = vector.extract_strided_slice %dot_general3A_735 {offsets = [0, 384], sizes = [16, 128], strides = [1, 1]} : vector<16x640xf32> to vector<16x128xf32>
    %swap3A_758 = arith.constant 0 : index
    %swap3A_759 = arith.constant 83 : index
    %swap3A_760 = arith.constant 0 : index
    %swap3A_761 = vector.load %arg4[%swap3A_758, %swap3A_759, %swap3A_760] : memref<16x160x128xf32, #tpu.memory_space<vmem>>, vector<16x1x128xf32>
    %swap3A_762 = vector.shape_cast %swap3A_761 : vector<16x1x128xf32> to vector<16x128xf32>
    %swap3A_763 = vector.shape_cast %slice3A_757 : vector<16x128xf32> to vector<16x1x128xf32>
    tpu.vector_store %arg4[%swap3A_758, %swap3A_759, %swap3A_760], %swap3A_763 {strides = array<i32>} : memref<16x160x128xf32, #tpu.memory_space<vmem>>, vector<16x1x128xf32>,
    %slice3A_764 = vector.extract_strided_slice %dot_general3A_735 {offsets = [0, 512], sizes = [16, 128], strides = [1, 1]} : vector<16x640xf32> to vector<16x128xf32>
    %swap3A_765 = arith.constant 0 : index
    %swap3A_766 = arith.constant 84 : index
    %swap3A_767 = arith.constant 0 : index
    %swap3A_768 = vector.load %arg4[%swap3A_765, %swap3A_766, %swap3A_767] : memref<16x160x128xf32, #tpu.memory_space<vmem>>, vector<16x1x128xf32>
    %swap3A_769 = vector.shape_cast %swap3A_768 : vector<16x1x128xf32> to vector<16x128xf32>
    %swap3A_770 = vector.shape_cast %slice3A_764 : vector<16x128xf32> to vector<16x1x128xf32>
    tpu.vector_store %arg4[%swap3A_765, %swap3A_766, %swap3A_767], %swap3A_770 {strides = array<i32>} : memref<16x160x128xf32, #tpu.memory_space<vmem>>, vector<16x1x128xf32>,
    %get3A_771 = arith.constant 0 : index
    %get3A_772 = arith.constant 2176 : index
    %get3A_773 = vector.load %arg0[%get3A_771, %get3A_772] : memref<16x4096xf32, #tpu.memory_space<vmem>>, vector<16x128xf32>
    %mul3A_774 = vector.broadcast %mul3A_18 : f32 to vector<16x128xf32>
    %mul3A_775 = arith.mulf %get3A_773, %mul3A_774 : vector<16x128xf32>
    %add3A_776 = vector.broadcast %sub3A_22 : f32 to vector<16x128xf32>
    %add3A_777 = arith.addf %mul3A_775, %add3A_776 : vector<16x128xf32>
    %dot_general3A_778 = arith.constant dense<0.000000e+00> : vector<16x640xf32>
    %dot_general3A_779 = tpu.matmul %add3A_777, %get3A_25, %dot_general3A_778 {dimension_numbers = #tpu.dot_dimension_numbers<[1], [0], [0], [1], [0, 0, 1, 1], [], []>, transpose_lhs_hint = false} : vector<16x128xf32>, vector<128x640xf32>, vector<16x640xf32> -> vector<16x640xf32>
    %slice3A_780 = vector.extract_strided_slice %dot_general3A_779 {offsets = [0, 0], sizes = [16, 128], strides = [1, 1]} : vector<16x640xf32> to vector<16x128xf32>
    %swap3A_781 = arith.constant 0 : index
    %swap3A_782 = arith.constant 85 : index
    %swap3A_783 = arith.constant 0 : index
    %swap3A_784 = vector.load %arg4[%swap3A_781, %swap3A_782, %swap3A_783] : memref<16x160x128xf32, #tpu.memory_space<vmem>>, vector<16x1x128xf32>
    %swap3A_785 = vector.shape_cast %swap3A_784 : vector<16x1x128xf32> to vector<16x128xf32>
    %swap3A_786 = vector.shape_cast %slice3A_780 : vector<16x128xf32> to vector<16x1x128xf32>
    tpu.vector_store %arg4[%swap3A_781, %swap3A_782, %swap3A_783], %swap3A_786 {strides = array<i32>} : memref<16x160x128xf32, #tpu.memory_space<vmem>>, vector<16x1x128xf32>,
    %slice3A_787 = vector.extract_strided_slice %dot_general3A_779 {offsets = [0, 128], sizes = [16, 128], strides = [1, 1]} : vector<16x640xf32> to vector<16x128xf32>
    %swap3A_788 = arith.constant 0 : index
    %swap3A_789 = arith.constant 86 : index
    %swap3A_790 = arith.constant 0 : index
    %swap3A_791 = vector.load %arg4[%swap3A_788, %swap3A_789, %swap3A_790] : memref<16x160x128xf32, #tpu.memory_space<vmem>>, vector<16x1x128xf32>
    %swap3A_792 = vector.shape_cast %swap3A_791 : vector<16x1x128xf32> to vector<16x128xf32>
    %swap3A_793 = vector.shape_cast %slice3A_787 : vector<16x128xf32> to vector<16x1x128xf32>
    tpu.vector_store %arg4[%swap3A_788, %swap3A_789, %swap3A_790], %swap3A_793 {strides = array<i32>} : memref<16x160x128xf32, #tpu.memory_space<vmem>>, vector<16x1x128xf32>,
    %slice3A_794 = vector.extract_strided_slice %dot_general3A_779 {offsets = [0, 256], sizes = [16, 128], strides = [1, 1]} : vector<16x640xf32> to vector<16x128xf32>
    %swap3A_795 = arith.constant 0 : index
    %swap3A_796 = arith.constant 87 : index
    %swap3A_797 = arith.constant 0 : index
    %swap3A_798 = vector.load %arg4[%swap3A_795, %swap3A_796, %swap3A_797] : memref<16x160x128xf32, #tpu.memory_space<vmem>>, vector<16x1x128xf32>
    %swap3A_799 = vector.shape_cast %swap3A_798 : vector<16x1x128xf32> to vector<16x128xf32>
    %swap3A_800 = vector.shape_cast %slice3A_794 : vector<16x128xf32> to vector<16x1x128xf32>
    tpu.vector_store %arg4[%swap3A_795, %swap3A_796, %swap3A_797], %swap3A_800 {strides = array<i32>} : memref<16x160x128xf32, #tpu.memory_space<vmem>>, vector<16x1x128xf32>,
    %slice3A_801 = vector.extract_strided_slice %dot_general3A_779 {offsets = [0, 384], sizes = [16, 128], strides = [1, 1]} : vector<16x640xf32> to vector<16x128xf32>
    %swap3A_802 = arith.constant 0 : index
    %swap3A_803 = arith.constant 88 : index
    %swap3A_804 = arith.constant 0 : index
    %swap3A_805 = vector.load %arg4[%swap3A_802, %swap3A_803, %swap3A_804] : memref<16x160x128xf32, #tpu.memory_space<vmem>>, vector<16x1x128xf32>
    %swap3A_806 = vector.shape_cast %swap3A_805 : vector<16x1x128xf32> to vector<16x128xf32>
    %swap3A_807 = vector.shape_cast %slice3A_801 : vector<16x128xf32> to vector<16x1x128xf32>
    tpu.vector_store %arg4[%swap3A_802, %swap3A_803, %swap3A_804], %swap3A_807 {strides = array<i32>} : memref<16x160x128xf32, #tpu.memory_space<vmem>>, vector<16x1x128xf32>,
    %slice3A_808 = vector.extract_strided_slice %dot_general3A_779 {offsets = [0, 512], sizes = [16, 128], strides = [1, 1]} : vector<16x640xf32> to vector<16x128xf32>
    %swap3A_809 = arith.constant 0 : index
    %swap3A_810 = arith.constant 89 : index
    %swap3A_811 = arith.constant 0 : index
    %swap3A_812 = vector.load %arg4[%swap3A_809, %swap3A_810, %swap3A_811] : memref<16x160x128xf32, #tpu.memory_space<vmem>>, vector<16x1x128xf32>
    %swap3A_813 = vector.shape_cast %swap3A_812 : vector<16x1x128xf32> to vector<16x128xf32>
    %swap3A_814 = vector.shape_cast %slice3A_808 : vector<16x128xf32> to vector<16x1x128xf32>
    tpu.vector_store %arg4[%swap3A_809, %swap3A_810, %swap3A_811], %swap3A_814 {strides = array<i32>} : memref<16x160x128xf32, #tpu.memory_space<vmem>>, vector<16x1x128xf32>,
    %get3A_815 = arith.constant 0 : index
    %get3A_816 = arith.constant 2304 : index
    %get3A_817 = vector.load %arg0[%get3A_815, %get3A_816] : memref<16x4096xf32, #tpu.memory_space<vmem>>, vector<16x128xf32>
    %mul3A_818 = vector.broadcast %mul3A_18 : f32 to vector<16x128xf32>
    %mul3A_819 = arith.mulf %get3A_817, %mul3A_818 : vector<16x128xf32>
    %add3A_820 = vector.broadcast %sub3A_22 : f32 to vector<16x128xf32>
    %add3A_821 = arith.addf %mul3A_819, %add3A_820 : vector<16x128xf32>
    %dot_general3A_822 = arith.constant dense<0.000000e+00> : vector<16x640xf32>
    %dot_general3A_823 = tpu.matmul %add3A_821, %get3A_25, %dot_general3A_822 {dimension_numbers = #tpu.dot_dimension_numbers<[1], [0], [0], [1], [0, 0, 1, 1], [], []>, transpose_lhs_hint = false} : vector<16x128xf32>, vector<128x640xf32>, vector<16x640xf32> -> vector<16x640xf32>
    %slice3A_824 = vector.extract_strided_slice %dot_general3A_823 {offsets = [0, 0], sizes = [16, 128], strides = [1, 1]} : vector<16x640xf32> to vector<16x128xf32>
    %swap3A_825 = arith.constant 0 : index
    %swap3A_826 = arith.constant 90 : index
    %swap3A_827 = arith.constant 0 : index
    %swap3A_828 = vector.load %arg4[%swap3A_825, %swap3A_826, %swap3A_827] : memref<16x160x128xf32, #tpu.memory_space<vmem>>, vector<16x1x128xf32>
    %swap3A_829 = vector.shape_cast %swap3A_828 : vector<16x1x128xf32> to vector<16x128xf32>
    %swap3A_830 = vector.shape_cast %slice3A_824 : vector<16x128xf32> to vector<16x1x128xf32>
    tpu.vector_store %arg4[%swap3A_825, %swap3A_826, %swap3A_827], %swap3A_830 {strides = array<i32>} : memref<16x160x128xf32, #tpu.memory_space<vmem>>, vector<16x1x128xf32>,
    %slice3A_831 = vector.extract_strided_slice %dot_general3A_823 {offsets = [0, 128], sizes = [16, 128], strides = [1, 1]} : vector<16x640xf32> to vector<16x128xf32>
    %swap3A_832 = arith.constant 0 : index
    %swap3A_833 = arith.constant 91 : index
    %swap3A_834 = arith.constant 0 : index
    %swap3A_835 = vector.load %arg4[%swap3A_832, %swap3A_833, %swap3A_834] : memref<16x160x128xf32, #tpu.memory_space<vmem>>, vector<16x1x128xf32>
    %swap3A_836 = vector.shape_cast %swap3A_835 : vector<16x1x128xf32> to vector<16x128xf32>
    %swap3A_837 = vector.shape_cast %slice3A_831 : vector<16x128xf32> to vector<16x1x128xf32>
    tpu.vector_store %arg4[%swap3A_832, %swap3A_833, %swap3A_834], %swap3A_837 {strides = array<i32>} : memref<16x160x128xf32, #tpu.memory_space<vmem>>, vector<16x1x128xf32>,
    %slice3A_838 = vector.extract_strided_slice %dot_general3A_823 {offsets = [0, 256], sizes = [16, 128], strides = [1, 1]} : vector<16x640xf32> to vector<16x128xf32>
    %swap3A_839 = arith.constant 0 : index
    %swap3A_840 = arith.constant 92 : index
    %swap3A_841 = arith.constant 0 : index
    %swap3A_842 = vector.load %arg4[%swap3A_839, %swap3A_840, %swap3A_841] : memref<16x160x128xf32, #tpu.memory_space<vmem>>, vector<16x1x128xf32>
    %swap3A_843 = vector.shape_cast %swap3A_842 : vector<16x1x128xf32> to vector<16x128xf32>
    %swap3A_844 = vector.shape_cast %slice3A_838 : vector<16x128xf32> to vector<16x1x128xf32>
    tpu.vector_store %arg4[%swap3A_839, %swap3A_840, %swap3A_841], %swap3A_844 {strides = array<i32>} : memref<16x160x128xf32, #tpu.memory_space<vmem>>, vector<16x1x128xf32>,
    %slice3A_845 = vector.extract_strided_slice %dot_general3A_823 {offsets = [0, 384], sizes = [16, 128], strides = [1, 1]} : vector<16x640xf32> to vector<16x128xf32>
    %swap3A_846 = arith.constant 0 : index
    %swap3A_847 = arith.constant 93 : index
    %swap3A_848 = arith.constant 0 : index
    %swap3A_849 = vector.load %arg4[%swap3A_846, %swap3A_847, %swap3A_848] : memref<16x160x128xf32, #tpu.memory_space<vmem>>, vector<16x1x128xf32>
    %swap3A_850 = vector.shape_cast %swap3A_849 : vector<16x1x128xf32> to vector<16x128xf32>
    %swap3A_851 = vector.shape_cast %slice3A_845 : vector<16x128xf32> to vector<16x1x128xf32>
    tpu.vector_store %arg4[%swap3A_846, %swap3A_847, %swap3A_848], %swap3A_851 {strides = array<i32>} : memref<16x160x128xf32, #tpu.memory_space<vmem>>, vector<16x1x128xf32>,
    %slice3A_852 = vector.extract_strided_slice %dot_general3A_823 {offsets = [0, 512], sizes = [16, 128], strides = [1, 1]} : vector<16x640xf32> to vector<16x128xf32>
    %swap3A_853 = arith.constant 0 : index
    %swap3A_854 = arith.constant 94 : index
    %swap3A_855 = arith.constant 0 : index
    %swap3A_856 = vector.load %arg4[%swap3A_853, %swap3A_854, %swap3A_855] : memref<16x160x128xf32, #tpu.memory_space<vmem>>, vector<16x1x128xf32>
    %swap3A_857 = vector.shape_cast %swap3A_856 : vector<16x1x128xf32> to vector<16x128xf32>
    %swap3A_858 = vector.shape_cast %slice3A_852 : vector<16x128xf32> to vector<16x1x128xf32>
    tpu.vector_store %arg4[%swap3A_853, %swap3A_854, %swap3A_855], %swap3A_858 {strides = array<i32>} : memref<16x160x128xf32, #tpu.memory_space<vmem>>, vector<16x1x128xf32>,
    %get3A_859 = arith.constant 0 : index
    %get3A_860 = arith.constant 2432 : index
    %get3A_861 = vector.load %arg0[%get3A_859, %get3A_860] : memref<16x4096xf32, #tpu.memory_space<vmem>>, vector<16x128xf32>
    %mul3A_862 = vector.broadcast %mul3A_18 : f32 to vector<16x128xf32>
    %mul3A_863 = arith.mulf %get3A_861, %mul3A_862 : vector<16x128xf32>
    %add3A_864 = vector.broadcast %sub3A_22 : f32 to vector<16x128xf32>
    %add3A_865 = arith.addf %mul3A_863, %add3A_864 : vector<16x128xf32>
    %dot_general3A_866 = arith.constant dense<0.000000e+00> : vector<16x640xf32>
    %dot_general3A_867 = tpu.matmul %add3A_865, %get3A_25, %dot_general3A_866 {dimension_numbers = #tpu.dot_dimension_numbers<[1], [0], [0], [1], [0, 0, 1, 1], [], []>, transpose_lhs_hint = false} : vector<16x128xf32>, vector<128x640xf32>, vector<16x640xf32> -> vector<16x640xf32>
    %slice3A_868 = vector.extract_strided_slice %dot_general3A_867 {offsets = [0, 0], sizes = [16, 128], strides = [1, 1]} : vector<16x640xf32> to vector<16x128xf32>
    %swap3A_869 = arith.constant 0 : index
    %swap3A_870 = arith.constant 95 : index
    %swap3A_871 = arith.constant 0 : index
    %swap3A_872 = vector.load %arg4[%swap3A_869, %swap3A_870, %swap3A_871] : memref<16x160x128xf32, #tpu.memory_space<vmem>>, vector<16x1x128xf32>
    %swap3A_873 = vector.shape_cast %swap3A_872 : vector<16x1x128xf32> to vector<16x128xf32>
    %swap3A_874 = vector.shape_cast %slice3A_868 : vector<16x128xf32> to vector<16x1x128xf32>
    tpu.vector_store %arg4[%swap3A_869, %swap3A_870, %swap3A_871], %swap3A_874 {strides = array<i32>} : memref<16x160x128xf32, #tpu.memory_space<vmem>>, vector<16x1x128xf32>,
    %slice3A_875 = vector.extract_strided_slice %dot_general3A_867 {offsets = [0, 128], sizes = [16, 128], strides = [1, 1]} : vector<16x640xf32> to vector<16x128xf32>
    %swap3A_876 = arith.constant 0 : index
    %swap3A_877 = arith.constant 96 : index
    %swap3A_878 = arith.constant 0 : index
    %swap3A_879 = vector.load %arg4[%swap3A_876, %swap3A_877, %swap3A_878] : memref<16x160x128xf32, #tpu.memory_space<vmem>>, vector<16x1x128xf32>
    %swap3A_880 = vector.shape_cast %swap3A_879 : vector<16x1x128xf32> to vector<16x128xf32>
    %swap3A_881 = vector.shape_cast %slice3A_875 : vector<16x128xf32> to vector<16x1x128xf32>
    tpu.vector_store %arg4[%swap3A_876, %swap3A_877, %swap3A_878], %swap3A_881 {strides = array<i32>} : memref<16x160x128xf32, #tpu.memory_space<vmem>>, vector<16x1x128xf32>,
    %slice3A_882 = vector.extract_strided_slice %dot_general3A_867 {offsets = [0, 256], sizes = [16, 128], strides = [1, 1]} : vector<16x640xf32> to vector<16x128xf32>
    %swap3A_883 = arith.constant 0 : index
    %swap3A_884 = arith.constant 97 : index
    %swap3A_885 = arith.constant 0 : index
    %swap3A_886 = vector.load %arg4[%swap3A_883, %swap3A_884, %swap3A_885] : memref<16x160x128xf32, #tpu.memory_space<vmem>>, vector<16x1x128xf32>
    %swap3A_887 = vector.shape_cast %swap3A_886 : vector<16x1x128xf32> to vector<16x128xf32>
    %swap3A_888 = vector.shape_cast %slice3A_882 : vector<16x128xf32> to vector<16x1x128xf32>
    tpu.vector_store %arg4[%swap3A_883, %swap3A_884, %swap3A_885], %swap3A_888 {strides = array<i32>} : memref<16x160x128xf32, #tpu.memory_space<vmem>>, vector<16x1x128xf32>,
    %slice3A_889 = vector.extract_strided_slice %dot_general3A_867 {offsets = [0, 384], sizes = [16, 128], strides = [1, 1]} : vector<16x640xf32> to vector<16x128xf32>
    %swap3A_890 = arith.constant 0 : index
    %swap3A_891 = arith.constant 98 : index
    %swap3A_892 = arith.constant 0 : index
    %swap3A_893 = vector.load %arg4[%swap3A_890, %swap3A_891, %swap3A_892] : memref<16x160x128xf32, #tpu.memory_space<vmem>>, vector<16x1x128xf32>
    %swap3A_894 = vector.shape_cast %swap3A_893 : vector<16x1x128xf32> to vector<16x128xf32>
    %swap3A_895 = vector.shape_cast %slice3A_889 : vector<16x128xf32> to vector<16x1x128xf32>
    tpu.vector_store %arg4[%swap3A_890, %swap3A_891, %swap3A_892], %swap3A_895 {strides = array<i32>} : memref<16x160x128xf32, #tpu.memory_space<vmem>>, vector<16x1x128xf32>,
    %slice3A_896 = vector.extract_strided_slice %dot_general3A_867 {offsets = [0, 512], sizes = [16, 128], strides = [1, 1]} : vector<16x640xf32> to vector<16x128xf32>
    %swap3A_897 = arith.constant 0 : index
    %swap3A_898 = arith.constant 99 : index
    %swap3A_899 = arith.constant 0 : index
    %swap3A_900 = vector.load %arg4[%swap3A_897, %swap3A_898, %swap3A_899] : memref<16x160x128xf32, #tpu.memory_space<vmem>>, vector<16x1x128xf32>
    %swap3A_901 = vector.shape_cast %swap3A_900 : vector<16x1x128xf32> to vector<16x128xf32>
    %swap3A_902 = vector.shape_cast %slice3A_896 : vector<16x128xf32> to vector<16x1x128xf32>
    tpu.vector_store %arg4[%swap3A_897, %swap3A_898, %swap3A_899], %swap3A_902 {strides = array<i32>} : memref<16x160x128xf32, #tpu.memory_space<vmem>>, vector<16x1x128xf32>,
    %get3A_903 = arith.constant 0 : index
    %get3A_904 = arith.constant 2560 : index
    %get3A_905 = vector.load %arg0[%get3A_903, %get3A_904] : memref<16x4096xf32, #tpu.memory_space<vmem>>, vector<16x128xf32>
    %mul3A_906 = vector.broadcast %mul3A_18 : f32 to vector<16x128xf32>
    %mul3A_907 = arith.mulf %get3A_905, %mul3A_906 : vector<16x128xf32>
    %add3A_908 = vector.broadcast %sub3A_22 : f32 to vector<16x128xf32>
    %add3A_909 = arith.addf %mul3A_907, %add3A_908 : vector<16x128xf32>
    %dot_general3A_910 = arith.constant dense<0.000000e+00> : vector<16x640xf32>
    %dot_general3A_911 = tpu.matmul %add3A_909, %get3A_25, %dot_general3A_910 {dimension_numbers = #tpu.dot_dimension_numbers<[1], [0], [0], [1], [0, 0, 1, 1], [], []>, transpose_lhs_hint = false} : vector<16x128xf32>, vector<128x640xf32>, vector<16x640xf32> -> vector<16x640xf32>
    %slice3A_912 = vector.extract_strided_slice %dot_general3A_911 {offsets = [0, 0], sizes = [16, 128], strides = [1, 1]} : vector<16x640xf32> to vector<16x128xf32>
    %swap3A_913 = arith.constant 0 : index
    %swap3A_914 = arith.constant 100 : index
    %swap3A_915 = arith.constant 0 : index
    %swap3A_916 = vector.load %arg4[%swap3A_913, %swap3A_914, %swap3A_915] : memref<16x160x128xf32, #tpu.memory_space<vmem>>, vector<16x1x128xf32>
    %swap3A_917 = vector.shape_cast %swap3A_916 : vector<16x1x128xf32> to vector<16x128xf32>
    %swap3A_918 = vector.shape_cast %slice3A_912 : vector<16x128xf32> to vector<16x1x128xf32>
    tpu.vector_store %arg4[%swap3A_913, %swap3A_914, %swap3A_915], %swap3A_918 {strides = array<i32>} : memref<16x160x128xf32, #tpu.memory_space<vmem>>, vector<16x1x128xf32>,
    %slice3A_919 = vector.extract_strided_slice %dot_general3A_911 {offsets = [0, 128], sizes = [16, 128], strides = [1, 1]} : vector<16x640xf32> to vector<16x128xf32>
    %swap3A_920 = arith.constant 0 : index
    %swap3A_921 = arith.constant 101 : index
    %swap3A_922 = arith.constant 0 : index
    %swap3A_923 = vector.load %arg4[%swap3A_920, %swap3A_921, %swap3A_922] : memref<16x160x128xf32, #tpu.memory_space<vmem>>, vector<16x1x128xf32>
    %swap3A_924 = vector.shape_cast %swap3A_923 : vector<16x1x128xf32> to vector<16x128xf32>
    %swap3A_925 = vector.shape_cast %slice3A_919 : vector<16x128xf32> to vector<16x1x128xf32>
    tpu.vector_store %arg4[%swap3A_920, %swap3A_921, %swap3A_922], %swap3A_925 {strides = array<i32>} : memref<16x160x128xf32, #tpu.memory_space<vmem>>, vector<16x1x128xf32>,
    %slice3A_926 = vector.extract_strided_slice %dot_general3A_911 {offsets = [0, 256], sizes = [16, 128], strides = [1, 1]} : vector<16x640xf32> to vector<16x128xf32>
    %swap3A_927 = arith.constant 0 : index
    %swap3A_928 = arith.constant 102 : index
    %swap3A_929 = arith.constant 0 : index
    %swap3A_930 = vector.load %arg4[%swap3A_927, %swap3A_928, %swap3A_929] : memref<16x160x128xf32, #tpu.memory_space<vmem>>, vector<16x1x128xf32>
    %swap3A_931 = vector.shape_cast %swap3A_930 : vector<16x1x128xf32> to vector<16x128xf32>
    %swap3A_932 = vector.shape_cast %slice3A_926 : vector<16x128xf32> to vector<16x1x128xf32>
    tpu.vector_store %arg4[%swap3A_927, %swap3A_928, %swap3A_929], %swap3A_932 {strides = array<i32>} : memref<16x160x128xf32, #tpu.memory_space<vmem>>, vector<16x1x128xf32>,
    %slice3A_933 = vector.extract_strided_slice %dot_general3A_911 {offsets = [0, 384], sizes = [16, 128], strides = [1, 1]} : vector<16x640xf32> to vector<16x128xf32>
    %swap3A_934 = arith.constant 0 : index
    %swap3A_935 = arith.constant 103 : index
    %swap3A_936 = arith.constant 0 : index
    %swap3A_937 = vector.load %arg4[%swap3A_934, %swap3A_935, %swap3A_936] : memref<16x160x128xf32, #tpu.memory_space<vmem>>, vector<16x1x128xf32>
    %swap3A_938 = vector.shape_cast %swap3A_937 : vector<16x1x128xf32> to vector<16x128xf32>
    %swap3A_939 = vector.shape_cast %slice3A_933 : vector<16x128xf32> to vector<16x1x128xf32>
    tpu.vector_store %arg4[%swap3A_934, %swap3A_935, %swap3A_936], %swap3A_939 {strides = array<i32>} : memref<16x160x128xf32, #tpu.memory_space<vmem>>, vector<16x1x128xf32>,
    %slice3A_940 = vector.extract_strided_slice %dot_general3A_911 {offsets = [0, 512], sizes = [16, 128], strides = [1, 1]} : vector<16x640xf32> to vector<16x128xf32>
    %swap3A_941 = arith.constant 0 : index
    %swap3A_942 = arith.constant 104 : index
    %swap3A_943 = arith.constant 0 : index
    %swap3A_944 = vector.load %arg4[%swap3A_941, %swap3A_942, %swap3A_943] : memref<16x160x128xf32, #tpu.memory_space<vmem>>, vector<16x1x128xf32>
    %swap3A_945 = vector.shape_cast %swap3A_944 : vector<16x1x128xf32> to vector<16x128xf32>
    %swap3A_946 = vector.shape_cast %slice3A_940 : vector<16x128xf32> to vector<16x1x128xf32>
    tpu.vector_store %arg4[%swap3A_941, %swap3A_942, %swap3A_943], %swap3A_946 {strides = array<i32>} : memref<16x160x128xf32, #tpu.memory_space<vmem>>, vector<16x1x128xf32>,
    %get3A_947 = arith.constant 0 : index
    %get3A_948 = arith.constant 2688 : index
    %get3A_949 = vector.load %arg0[%get3A_947, %get3A_948] : memref<16x4096xf32, #tpu.memory_space<vmem>>, vector<16x128xf32>
    %mul3A_950 = vector.broadcast %mul3A_18 : f32 to vector<16x128xf32>
    %mul3A_951 = arith.mulf %get3A_949, %mul3A_950 : vector<16x128xf32>
    %add3A_952 = vector.broadcast %sub3A_22 : f32 to vector<16x128xf32>
    %add3A_953 = arith.addf %mul3A_951, %add3A_952 : vector<16x128xf32>
    %dot_general3A_954 = arith.constant dense<0.000000e+00> : vector<16x640xf32>
    %dot_general3A_955 = tpu.matmul %add3A_953, %get3A_25, %dot_general3A_954 {dimension_numbers = #tpu.dot_dimension_numbers<[1], [0], [0], [1], [0, 0, 1, 1], [], []>, transpose_lhs_hint = false} : vector<16x128xf32>, vector<128x640xf32>, vector<16x640xf32> -> vector<16x640xf32>
    %slice3A_956 = vector.extract_strided_slice %dot_general3A_955 {offsets = [0, 0], sizes = [16, 128], strides = [1, 1]} : vector<16x640xf32> to vector<16x128xf32>
    %swap3A_957 = arith.constant 0 : index
    %swap3A_958 = arith.constant 105 : index
    %swap3A_959 = arith.constant 0 : index
    %swap3A_960 = vector.load %arg4[%swap3A_957, %swap3A_958, %swap3A_959] : memref<16x160x128xf32, #tpu.memory_space<vmem>>, vector<16x1x128xf32>
    %swap3A_961 = vector.shape_cast %swap3A_960 : vector<16x1x128xf32> to vector<16x128xf32>
    %swap3A_962 = vector.shape_cast %slice3A_956 : vector<16x128xf32> to vector<16x1x128xf32>
    tpu.vector_store %arg4[%swap3A_957, %swap3A_958, %swap3A_959], %swap3A_962 {strides = array<i32>} : memref<16x160x128xf32, #tpu.memory_space<vmem>>, vector<16x1x128xf32>,
    %slice3A_963 = vector.extract_strided_slice %dot_general3A_955 {offsets = [0, 128], sizes = [16, 128], strides = [1, 1]} : vector<16x640xf32> to vector<16x128xf32>
    %swap3A_964 = arith.constant 0 : index
    %swap3A_965 = arith.constant 106 : index
    %swap3A_966 = arith.constant 0 : index
    %swap3A_967 = vector.load %arg4[%swap3A_964, %swap3A_965, %swap3A_966] : memref<16x160x128xf32, #tpu.memory_space<vmem>>, vector<16x1x128xf32>
    %swap3A_968 = vector.shape_cast %swap3A_967 : vector<16x1x128xf32> to vector<16x128xf32>
    %swap3A_969 = vector.shape_cast %slice3A_963 : vector<16x128xf32> to vector<16x1x128xf32>
    tpu.vector_store %arg4[%swap3A_964, %swap3A_965, %swap3A_966], %swap3A_969 {strides = array<i32>} : memref<16x160x128xf32, #tpu.memory_space<vmem>>, vector<16x1x128xf32>,
    %slice3A_970 = vector.extract_strided_slice %dot_general3A_955 {offsets = [0, 256], sizes = [16, 128], strides = [1, 1]} : vector<16x640xf32> to vector<16x128xf32>
    %swap3A_971 = arith.constant 0 : index
    %swap3A_972 = arith.constant 107 : index
    %swap3A_973 = arith.constant 0 : index
    %swap3A_974 = vector.load %arg4[%swap3A_971, %swap3A_972, %swap3A_973] : memref<16x160x128xf32, #tpu.memory_space<vmem>>, vector<16x1x128xf32>
    %swap3A_975 = vector.shape_cast %swap3A_974 : vector<16x1x128xf32> to vector<16x128xf32>
    %swap3A_976 = vector.shape_cast %slice3A_970 : vector<16x128xf32> to vector<16x1x128xf32>
    tpu.vector_store %arg4[%swap3A_971, %swap3A_972, %swap3A_973], %swap3A_976 {strides = array<i32>} : memref<16x160x128xf32, #tpu.memory_space<vmem>>, vector<16x1x128xf32>,
    %slice3A_977 = vector.extract_strided_slice %dot_general3A_955 {offsets = [0, 384], sizes = [16, 128], strides = [1, 1]} : vector<16x640xf32> to vector<16x128xf32>
    %swap3A_978 = arith.constant 0 : index
    %swap3A_979 = arith.constant 108 : index
    %swap3A_980 = arith.constant 0 : index
    %swap3A_981 = vector.load %arg4[%swap3A_978, %swap3A_979, %swap3A_980] : memref<16x160x128xf32, #tpu.memory_space<vmem>>, vector<16x1x128xf32>
    %swap3A_982 = vector.shape_cast %swap3A_981 : vector<16x1x128xf32> to vector<16x128xf32>
    %swap3A_983 = vector.shape_cast %slice3A_977 : vector<16x128xf32> to vector<16x1x128xf32>
    tpu.vector_store %arg4[%swap3A_978, %swap3A_979, %swap3A_980], %swap3A_983 {strides = array<i32>} : memref<16x160x128xf32, #tpu.memory_space<vmem>>, vector<16x1x128xf32>,
    %slice3A_984 = vector.extract_strided_slice %dot_general3A_955 {offsets = [0, 512], sizes = [16, 128], strides = [1, 1]} : vector<16x640xf32> to vector<16x128xf32>
    %swap3A_985 = arith.constant 0 : index
    %swap3A_986 = arith.constant 109 : index
    %swap3A_987 = arith.constant 0 : index
    %swap3A_988 = vector.load %arg4[%swap3A_985, %swap3A_986, %swap3A_987] : memref<16x160x128xf32, #tpu.memory_space<vmem>>, vector<16x1x128xf32>
    %swap3A_989 = vector.shape_cast %swap3A_988 : vector<16x1x128xf32> to vector<16x128xf32>
    %swap3A_990 = vector.shape_cast %slice3A_984 : vector<16x128xf32> to vector<16x1x128xf32>
    tpu.vector_store %arg4[%swap3A_985, %swap3A_986, %swap3A_987], %swap3A_990 {strides = array<i32>} : memref<16x160x128xf32, #tpu.memory_space<vmem>>, vector<16x1x128xf32>,
    %get3A_991 = arith.constant 0 : index
    %get3A_992 = arith.constant 2816 : index
    %get3A_993 = vector.load %arg0[%get3A_991, %get3A_992] : memref<16x4096xf32, #tpu.memory_space<vmem>>, vector<16x128xf32>
    %mul3A_994 = vector.broadcast %mul3A_18 : f32 to vector<16x128xf32>
    %mul3A_995 = arith.mulf %get3A_993, %mul3A_994 : vector<16x128xf32>
    %add3A_996 = vector.broadcast %sub3A_22 : f32 to vector<16x128xf32>
    %add3A_997 = arith.addf %mul3A_995, %add3A_996 : vector<16x128xf32>
    %dot_general3A_998 = arith.constant dense<0.000000e+00> : vector<16x640xf32>
    %dot_general3A_999 = tpu.matmul %add3A_997, %get3A_25, %dot_general3A_998 {dimension_numbers = #tpu.dot_dimension_numbers<[1], [0], [0], [1], [0, 0, 1, 1], [], []>, transpose_lhs_hint = false} : vector<16x128xf32>, vector<128x640xf32>, vector<16x640xf32> -> vector<16x640xf32>
    %slice3A_1000 = vector.extract_strided_slice %dot_general3A_999 {offsets = [0, 0], sizes = [16, 128], strides = [1, 1]} : vector<16x640xf32> to vector<16x128xf32>
    %swap3A_1001 = arith.constant 0 : index
    %swap3A_1002 = arith.constant 110 : index
    %swap3A_1003 = arith.constant 0 : index
    %swap3A_1004 = vector.load %arg4[%swap3A_1001, %swap3A_1002, %swap3A_1003] : memref<16x160x128xf32, #tpu.memory_space<vmem>>, vector<16x1x128xf32>
    %swap3A_1005 = vector.shape_cast %swap3A_1004 : vector<16x1x128xf32> to vector<16x128xf32>
    %swap3A_1006 = vector.shape_cast %slice3A_1000 : vector<16x128xf32> to vector<16x1x128xf32>
    tpu.vector_store %arg4[%swap3A_1001, %swap3A_1002, %swap3A_1003], %swap3A_1006 {strides = array<i32>} : memref<16x160x128xf32, #tpu.memory_space<vmem>>, vector<16x1x128xf32>,
    %slice3A_1007 = vector.extract_strided_slice %dot_general3A_999 {offsets = [0, 128], sizes = [16, 128], strides = [1, 1]} : vector<16x640xf32> to vector<16x128xf32>
    %swap3A_1008 = arith.constant 0 : index
    %swap3A_1009 = arith.constant 111 : index
    %swap3A_1010 = arith.constant 0 : index
    %swap3A_1011 = vector.load %arg4[%swap3A_1008, %swap3A_1009, %swap3A_1010] : memref<16x160x128xf32, #tpu.memory_space<vmem>>, vector<16x1x128xf32>
    %swap3A_1012 = vector.shape_cast %swap3A_1011 : vector<16x1x128xf32> to vector<16x128xf32>
    %swap3A_1013 = vector.shape_cast %slice3A_1007 : vector<16x128xf32> to vector<16x1x128xf32>
    tpu.vector_store %arg4[%swap3A_1008, %swap3A_1009, %swap3A_1010], %swap3A_1013 {strides = array<i32>} : memref<16x160x128xf32, #tpu.memory_space<vmem>>, vector<16x1x128xf32>,
    %slice3A_1014 = vector.extract_strided_slice %dot_general3A_999 {offsets = [0, 256], sizes = [16, 128], strides = [1, 1]} : vector<16x640xf32> to vector<16x128xf32>
    %swap3A_1015 = arith.constant 0 : index
    %swap3A_1016 = arith.constant 112 : index
    %swap3A_1017 = arith.constant 0 : index
    %swap3A_1018 = vector.load %arg4[%swap3A_1015, %swap3A_1016, %swap3A_1017] : memref<16x160x128xf32, #tpu.memory_space<vmem>>, vector<16x1x128xf32>
    %swap3A_1019 = vector.shape_cast %swap3A_1018 : vector<16x1x128xf32> to vector<16x128xf32>
    %swap3A_1020 = vector.shape_cast %slice3A_1014 : vector<16x128xf32> to vector<16x1x128xf32>
    tpu.vector_store %arg4[%swap3A_1015, %swap3A_1016, %swap3A_1017], %swap3A_1020 {strides = array<i32>} : memref<16x160x128xf32, #tpu.memory_space<vmem>>, vector<16x1x128xf32>,
    %slice3A_1021 = vector.extract_strided_slice %dot_general3A_999 {offsets = [0, 384], sizes = [16, 128], strides = [1, 1]} : vector<16x640xf32> to vector<16x128xf32>
    %swap3A_1022 = arith.constant 0 : index
    %swap3A_1023 = arith.constant 113 : index
    %swap3A_1024 = arith.constant 0 : index
    %swap3A_1025 = vector.load %arg4[%swap3A_1022, %swap3A_1023, %swap3A_1024] : memref<16x160x128xf32, #tpu.memory_space<vmem>>, vector<16x1x128xf32>
    %swap3A_1026 = vector.shape_cast %swap3A_1025 : vector<16x1x128xf32> to vector<16x128xf32>
    %swap3A_1027 = vector.shape_cast %slice3A_1021 : vector<16x128xf32> to vector<16x1x128xf32>
    tpu.vector_store %arg4[%swap3A_1022, %swap3A_1023, %swap3A_1024], %swap3A_1027 {strides = array<i32>} : memref<16x160x128xf32, #tpu.memory_space<vmem>>, vector<16x1x128xf32>,
    %slice3A_1028 = vector.extract_strided_slice %dot_general3A_999 {offsets = [0, 512], sizes = [16, 128], strides = [1, 1]} : vector<16x640xf32> to vector<16x128xf32>
    %swap3A_1029 = arith.constant 0 : index
    %swap3A_1030 = arith.constant 114 : index
    %swap3A_1031 = arith.constant 0 : index
    %swap3A_1032 = vector.load %arg4[%swap3A_1029, %swap3A_1030, %swap3A_1031] : memref<16x160x128xf32, #tpu.memory_space<vmem>>, vector<16x1x128xf32>
    %swap3A_1033 = vector.shape_cast %swap3A_1032 : vector<16x1x128xf32> to vector<16x128xf32>
    %swap3A_1034 = vector.shape_cast %slice3A_1028 : vector<16x128xf32> to vector<16x1x128xf32>
    tpu.vector_store %arg4[%swap3A_1029, %swap3A_1030, %swap3A_1031], %swap3A_1034 {strides = array<i32>} : memref<16x160x128xf32, #tpu.memory_space<vmem>>, vector<16x1x128xf32>,
    %get3A_1035 = arith.constant 0 : index
    %get3A_1036 = arith.constant 2944 : index
    %get3A_1037 = vector.load %arg0[%get3A_1035, %get3A_1036] : memref<16x4096xf32, #tpu.memory_space<vmem>>, vector<16x128xf32>
    %mul3A_1038 = vector.broadcast %mul3A_18 : f32 to vector<16x128xf32>
    %mul3A_1039 = arith.mulf %get3A_1037, %mul3A_1038 : vector<16x128xf32>
    %add3A_1040 = vector.broadcast %sub3A_22 : f32 to vector<16x128xf32>
    %add3A_1041 = arith.addf %mul3A_1039, %add3A_1040 : vector<16x128xf32>
    %dot_general3A_1042 = arith.constant dense<0.000000e+00> : vector<16x640xf32>
    %dot_general3A_1043 = tpu.matmul %add3A_1041, %get3A_25, %dot_general3A_1042 {dimension_numbers = #tpu.dot_dimension_numbers<[1], [0], [0], [1], [0, 0, 1, 1], [], []>, transpose_lhs_hint = false} : vector<16x128xf32>, vector<128x640xf32>, vector<16x640xf32> -> vector<16x640xf32>
    %slice3A_1044 = vector.extract_strided_slice %dot_general3A_1043 {offsets = [0, 0], sizes = [16, 128], strides = [1, 1]} : vector<16x640xf32> to vector<16x128xf32>
    %swap3A_1045 = arith.constant 0 : index
    %swap3A_1046 = arith.constant 115 : index
    %swap3A_1047 = arith.constant 0 : index
    %swap3A_1048 = vector.load %arg4[%swap3A_1045, %swap3A_1046, %swap3A_1047] : memref<16x160x128xf32, #tpu.memory_space<vmem>>, vector<16x1x128xf32>
    %swap3A_1049 = vector.shape_cast %swap3A_1048 : vector<16x1x128xf32> to vector<16x128xf32>
    %swap3A_1050 = vector.shape_cast %slice3A_1044 : vector<16x128xf32> to vector<16x1x128xf32>
    tpu.vector_store %arg4[%swap3A_1045, %swap3A_1046, %swap3A_1047], %swap3A_1050 {strides = array<i32>} : memref<16x160x128xf32, #tpu.memory_space<vmem>>, vector<16x1x128xf32>,
    %slice3A_1051 = vector.extract_strided_slice %dot_general3A_1043 {offsets = [0, 128], sizes = [16, 128], strides = [1, 1]} : vector<16x640xf32> to vector<16x128xf32>
    %swap3A_1052 = arith.constant 0 : index
    %swap3A_1053 = arith.constant 116 : index
    %swap3A_1054 = arith.constant 0 : index
    %swap3A_1055 = vector.load %arg4[%swap3A_1052, %swap3A_1053, %swap3A_1054] : memref<16x160x128xf32, #tpu.memory_space<vmem>>, vector<16x1x128xf32>
    %swap3A_1056 = vector.shape_cast %swap3A_1055 : vector<16x1x128xf32> to vector<16x128xf32>
    %swap3A_1057 = vector.shape_cast %slice3A_1051 : vector<16x128xf32> to vector<16x1x128xf32>
    tpu.vector_store %arg4[%swap3A_1052, %swap3A_1053, %swap3A_1054], %swap3A_1057 {strides = array<i32>} : memref<16x160x128xf32, #tpu.memory_space<vmem>>, vector<16x1x128xf32>,
    %slice3A_1058 = vector.extract_strided_slice %dot_general3A_1043 {offsets = [0, 256], sizes = [16, 128], strides = [1, 1]} : vector<16x640xf32> to vector<16x128xf32>
    %swap3A_1059 = arith.constant 0 : index
    %swap3A_1060 = arith.constant 117 : index
    %swap3A_1061 = arith.constant 0 : index
    %swap3A_1062 = vector.load %arg4[%swap3A_1059, %swap3A_1060, %swap3A_1061] : memref<16x160x128xf32, #tpu.memory_space<vmem>>, vector<16x1x128xf32>
    %swap3A_1063 = vector.shape_cast %swap3A_1062 : vector<16x1x128xf32> to vector<16x128xf32>
    %swap3A_1064 = vector.shape_cast %slice3A_1058 : vector<16x128xf32> to vector<16x1x128xf32>
    tpu.vector_store %arg4[%swap3A_1059, %swap3A_1060, %swap3A_1061], %swap3A_1064 {strides = array<i32>} : memref<16x160x128xf32, #tpu.memory_space<vmem>>, vector<16x1x128xf32>,
    %slice3A_1065 = vector.extract_strided_slice %dot_general3A_1043 {offsets = [0, 384], sizes = [16, 128], strides = [1, 1]} : vector<16x640xf32> to vector<16x128xf32>
    %swap3A_1066 = arith.constant 0 : index
    %swap3A_1067 = arith.constant 118 : index
    %swap3A_1068 = arith.constant 0 : index
    %swap3A_1069 = vector.load %arg4[%swap3A_1066, %swap3A_1067, %swap3A_1068] : memref<16x160x128xf32, #tpu.memory_space<vmem>>, vector<16x1x128xf32>
    %swap3A_1070 = vector.shape_cast %swap3A_1069 : vector<16x1x128xf32> to vector<16x128xf32>
    %swap3A_1071 = vector.shape_cast %slice3A_1065 : vector<16x128xf32> to vector<16x1x128xf32>
    tpu.vector_store %arg4[%swap3A_1066, %swap3A_1067, %swap3A_1068], %swap3A_1071 {strides = array<i32>} : memref<16x160x128xf32, #tpu.memory_space<vmem>>, vector<16x1x128xf32>,
    %slice3A_1072 = vector.extract_strided_slice %dot_general3A_1043 {offsets = [0, 512], sizes = [16, 128], strides = [1, 1]} : vector<16x640xf32> to vector<16x128xf32>
    %swap3A_1073 = arith.constant 0 : index
    %swap3A_1074 = arith.constant 119 : index
    %swap3A_1075 = arith.constant 0 : index
    %swap3A_1076 = vector.load %arg4[%swap3A_1073, %swap3A_1074, %swap3A_1075] : memref<16x160x128xf32, #tpu.memory_space<vmem>>, vector<16x1x128xf32>
    %swap3A_1077 = vector.shape_cast %swap3A_1076 : vector<16x1x128xf32> to vector<16x128xf32>
    %swap3A_1078 = vector.shape_cast %slice3A_1072 : vector<16x128xf32> to vector<16x1x128xf32>
    tpu.vector_store %arg4[%swap3A_1073, %swap3A_1074, %swap3A_1075], %swap3A_1078 {strides = array<i32>} : memref<16x160x128xf32, #tpu.memory_space<vmem>>, vector<16x1x128xf32>,
    %get3A_1079 = arith.constant 0 : index
    %get3A_1080 = arith.constant 3072 : index
    %get3A_1081 = vector.load %arg0[%get3A_1079, %get3A_1080] : memref<16x4096xf32, #tpu.memory_space<vmem>>, vector<16x128xf32>
    %mul3A_1082 = vector.broadcast %mul3A_18 : f32 to vector<16x128xf32>
    %mul3A_1083 = arith.mulf %get3A_1081, %mul3A_1082 : vector<16x128xf32>
    %add3A_1084 = vector.broadcast %sub3A_22 : f32 to vector<16x128xf32>
    %add3A_1085 = arith.addf %mul3A_1083, %add3A_1084 : vector<16x128xf32>
    %dot_general3A_1086 = arith.constant dense<0.000000e+00> : vector<16x640xf32>
    %dot_general3A_1087 = tpu.matmul %add3A_1085, %get3A_25, %dot_general3A_1086 {dimension_numbers = #tpu.dot_dimension_numbers<[1], [0], [0], [1], [0, 0, 1, 1], [], []>, transpose_lhs_hint = false} : vector<16x128xf32>, vector<128x640xf32>, vector<16x640xf32> -> vector<16x640xf32>
    %slice3A_1088 = vector.extract_strided_slice %dot_general3A_1087 {offsets = [0, 0], sizes = [16, 128], strides = [1, 1]} : vector<16x640xf32> to vector<16x128xf32>
    %swap3A_1089 = arith.constant 0 : index
    %swap3A_1090 = arith.constant 120 : index
    %swap3A_1091 = arith.constant 0 : index
    %swap3A_1092 = vector.load %arg4[%swap3A_1089, %swap3A_1090, %swap3A_1091] : memref<16x160x128xf32, #tpu.memory_space<vmem>>, vector<16x1x128xf32>
    %swap3A_1093 = vector.shape_cast %swap3A_1092 : vector<16x1x128xf32> to vector<16x128xf32>
    %swap3A_1094 = vector.shape_cast %slice3A_1088 : vector<16x128xf32> to vector<16x1x128xf32>
    tpu.vector_store %arg4[%swap3A_1089, %swap3A_1090, %swap3A_1091], %swap3A_1094 {strides = array<i32>} : memref<16x160x128xf32, #tpu.memory_space<vmem>>, vector<16x1x128xf32>,
    %slice3A_1095 = vector.extract_strided_slice %dot_general3A_1087 {offsets = [0, 128], sizes = [16, 128], strides = [1, 1]} : vector<16x640xf32> to vector<16x128xf32>
    %swap3A_1096 = arith.constant 0 : index
    %swap3A_1097 = arith.constant 121 : index
    %swap3A_1098 = arith.constant 0 : index
    %swap3A_1099 = vector.load %arg4[%swap3A_1096, %swap3A_1097, %swap3A_1098] : memref<16x160x128xf32, #tpu.memory_space<vmem>>, vector<16x1x128xf32>
    %swap3A_1100 = vector.shape_cast %swap3A_1099 : vector<16x1x128xf32> to vector<16x128xf32>
    %swap3A_1101 = vector.shape_cast %slice3A_1095 : vector<16x128xf32> to vector<16x1x128xf32>
    tpu.vector_store %arg4[%swap3A_1096, %swap3A_1097, %swap3A_1098], %swap3A_1101 {strides = array<i32>} : memref<16x160x128xf32, #tpu.memory_space<vmem>>, vector<16x1x128xf32>,
    %slice3A_1102 = vector.extract_strided_slice %dot_general3A_1087 {offsets = [0, 256], sizes = [16, 128], strides = [1, 1]} : vector<16x640xf32> to vector<16x128xf32>
    %swap3A_1103 = arith.constant 0 : index
    %swap3A_1104 = arith.constant 122 : index
    %swap3A_1105 = arith.constant 0 : index
    %swap3A_1106 = vector.load %arg4[%swap3A_1103, %swap3A_1104, %swap3A_1105] : memref<16x160x128xf32, #tpu.memory_space<vmem>>, vector<16x1x128xf32>
    %swap3A_1107 = vector.shape_cast %swap3A_1106 : vector<16x1x128xf32> to vector<16x128xf32>
    %swap3A_1108 = vector.shape_cast %slice3A_1102 : vector<16x128xf32> to vector<16x1x128xf32>
    tpu.vector_store %arg4[%swap3A_1103, %swap3A_1104, %swap3A_1105], %swap3A_1108 {strides = array<i32>} : memref<16x160x128xf32, #tpu.memory_space<vmem>>, vector<16x1x128xf32>,
    %slice3A_1109 = vector.extract_strided_slice %dot_general3A_1087 {offsets = [0, 384], sizes = [16, 128], strides = [1, 1]} : vector<16x640xf32> to vector<16x128xf32>
    %swap3A_1110 = arith.constant 0 : index
    %swap3A_1111 = arith.constant 123 : index
    %swap3A_1112 = arith.constant 0 : index
    %swap3A_1113 = vector.load %arg4[%swap3A_1110, %swap3A_1111, %swap3A_1112] : memref<16x160x128xf32, #tpu.memory_space<vmem>>, vector<16x1x128xf32>
    %swap3A_1114 = vector.shape_cast %swap3A_1113 : vector<16x1x128xf32> to vector<16x128xf32>
    %swap3A_1115 = vector.shape_cast %slice3A_1109 : vector<16x128xf32> to vector<16x1x128xf32>
    tpu.vector_store %arg4[%swap3A_1110, %swap3A_1111, %swap3A_1112], %swap3A_1115 {strides = array<i32>} : memref<16x160x128xf32, #tpu.memory_space<vmem>>, vector<16x1x128xf32>,
    %slice3A_1116 = vector.extract_strided_slice %dot_general3A_1087 {offsets = [0, 512], sizes = [16, 128], strides = [1, 1]} : vector<16x640xf32> to vector<16x128xf32>
    %swap3A_1117 = arith.constant 0 : index
    %swap3A_1118 = arith.constant 124 : index
    %swap3A_1119 = arith.constant 0 : index
    %swap3A_1120 = vector.load %arg4[%swap3A_1117, %swap3A_1118, %swap3A_1119] : memref<16x160x128xf32, #tpu.memory_space<vmem>>, vector<16x1x128xf32>
    %swap3A_1121 = vector.shape_cast %swap3A_1120 : vector<16x1x128xf32> to vector<16x128xf32>
    %swap3A_1122 = vector.shape_cast %slice3A_1116 : vector<16x128xf32> to vector<16x1x128xf32>
    tpu.vector_store %arg4[%swap3A_1117, %swap3A_1118, %swap3A_1119], %swap3A_1122 {strides = array<i32>} : memref<16x160x128xf32, #tpu.memory_space<vmem>>, vector<16x1x128xf32>,
    %get3A_1123 = arith.constant 0 : index
    %get3A_1124 = arith.constant 3200 : index
    %get3A_1125 = vector.load %arg0[%get3A_1123, %get3A_1124] : memref<16x4096xf32, #tpu.memory_space<vmem>>, vector<16x128xf32>
    %mul3A_1126 = vector.broadcast %mul3A_18 : f32 to vector<16x128xf32>
    %mul3A_1127 = arith.mulf %get3A_1125, %mul3A_1126 : vector<16x128xf32>
    %add3A_1128 = vector.broadcast %sub3A_22 : f32 to vector<16x128xf32>
    %add3A_1129 = arith.addf %mul3A_1127, %add3A_1128 : vector<16x128xf32>
    %dot_general3A_1130 = arith.constant dense<0.000000e+00> : vector<16x640xf32>
    %dot_general3A_1131 = tpu.matmul %add3A_1129, %get3A_25, %dot_general3A_1130 {dimension_numbers = #tpu.dot_dimension_numbers<[1], [0], [0], [1], [0, 0, 1, 1], [], []>, transpose_lhs_hint = false} : vector<16x128xf32>, vector<128x640xf32>, vector<16x640xf32> -> vector<16x640xf32>
    %slice3A_1132 = vector.extract_strided_slice %dot_general3A_1131 {offsets = [0, 0], sizes = [16, 128], strides = [1, 1]} : vector<16x640xf32> to vector<16x128xf32>
    %swap3A_1133 = arith.constant 0 : index
    %swap3A_1134 = arith.constant 125 : index
    %swap3A_1135 = arith.constant 0 : index
    %swap3A_1136 = vector.load %arg4[%swap3A_1133, %swap3A_1134, %swap3A_1135] : memref<16x160x128xf32, #tpu.memory_space<vmem>>, vector<16x1x128xf32>
    %swap3A_1137 = vector.shape_cast %swap3A_1136 : vector<16x1x128xf32> to vector<16x128xf32>
    %swap3A_1138 = vector.shape_cast %slice3A_1132 : vector<16x128xf32> to vector<16x1x128xf32>
    tpu.vector_store %arg4[%swap3A_1133, %swap3A_1134, %swap3A_1135], %swap3A_1138 {strides = array<i32>} : memref<16x160x128xf32, #tpu.memory_space<vmem>>, vector<16x1x128xf32>,
    %slice3A_1139 = vector.extract_strided_slice %dot_general3A_1131 {offsets = [0, 128], sizes = [16, 128], strides = [1, 1]} : vector<16x640xf32> to vector<16x128xf32>
    %swap3A_1140 = arith.constant 0 : index
    %swap3A_1141 = arith.constant 126 : index
    %swap3A_1142 = arith.constant 0 : index
    %swap3A_1143 = vector.load %arg4[%swap3A_1140, %swap3A_1141, %swap3A_1142] : memref<16x160x128xf32, #tpu.memory_space<vmem>>, vector<16x1x128xf32>
    %swap3A_1144 = vector.shape_cast %swap3A_1143 : vector<16x1x128xf32> to vector<16x128xf32>
    %swap3A_1145 = vector.shape_cast %slice3A_1139 : vector<16x128xf32> to vector<16x1x128xf32>
    tpu.vector_store %arg4[%swap3A_1140, %swap3A_1141, %swap3A_1142], %swap3A_1145 {strides = array<i32>} : memref<16x160x128xf32, #tpu.memory_space<vmem>>, vector<16x1x128xf32>,
    %slice3A_1146 = vector.extract_strided_slice %dot_general3A_1131 {offsets = [0, 256], sizes = [16, 128], strides = [1, 1]} : vector<16x640xf32> to vector<16x128xf32>
    %swap3A_1147 = arith.constant 0 : index
    %swap3A_1148 = arith.constant 127 : index
    %swap3A_1149 = arith.constant 0 : index
    %swap3A_1150 = vector.load %arg4[%swap3A_1147, %swap3A_1148, %swap3A_1149] : memref<16x160x128xf32, #tpu.memory_space<vmem>>, vector<16x1x128xf32>
    %swap3A_1151 = vector.shape_cast %swap3A_1150 : vector<16x1x128xf32> to vector<16x128xf32>
    %swap3A_1152 = vector.shape_cast %slice3A_1146 : vector<16x128xf32> to vector<16x1x128xf32>
    tpu.vector_store %arg4[%swap3A_1147, %swap3A_1148, %swap3A_1149], %swap3A_1152 {strides = array<i32>} : memref<16x160x128xf32, #tpu.memory_space<vmem>>, vector<16x1x128xf32>,
    %slice3A_1153 = vector.extract_strided_slice %dot_general3A_1131 {offsets = [0, 384], sizes = [16, 128], strides = [1, 1]} : vector<16x640xf32> to vector<16x128xf32>
    %swap3A_1154 = arith.constant 0 : index
    %swap3A_1155 = arith.constant 128 : index
    %swap3A_1156 = arith.constant 0 : index
    %swap3A_1157 = vector.load %arg4[%swap3A_1154, %swap3A_1155, %swap3A_1156] : memref<16x160x128xf32, #tpu.memory_space<vmem>>, vector<16x1x128xf32>
    %swap3A_1158 = vector.shape_cast %swap3A_1157 : vector<16x1x128xf32> to vector<16x128xf32>
    %swap3A_1159 = vector.shape_cast %slice3A_1153 : vector<16x128xf32> to vector<16x1x128xf32>
    tpu.vector_store %arg4[%swap3A_1154, %swap3A_1155, %swap3A_1156], %swap3A_1159 {strides = array<i32>} : memref<16x160x128xf32, #tpu.memory_space<vmem>>, vector<16x1x128xf32>,
    %slice3A_1160 = vector.extract_strided_slice %dot_general3A_1131 {offsets = [0, 512], sizes = [16, 128], strides = [1, 1]} : vector<16x640xf32> to vector<16x128xf32>
    %swap3A_1161 = arith.constant 0 : index
    %swap3A_1162 = arith.constant 129 : index
    %swap3A_1163 = arith.constant 0 : index
    %swap3A_1164 = vector.load %arg4[%swap3A_1161, %swap3A_1162, %swap3A_1163] : memref<16x160x128xf32, #tpu.memory_space<vmem>>, vector<16x1x128xf32>
    %swap3A_1165 = vector.shape_cast %swap3A_1164 : vector<16x1x128xf32> to vector<16x128xf32>
    %swap3A_1166 = vector.shape_cast %slice3A_1160 : vector<16x128xf32> to vector<16x1x128xf32>
    tpu.vector_store %arg4[%swap3A_1161, %swap3A_1162, %swap3A_1163], %swap3A_1166 {strides = array<i32>} : memref<16x160x128xf32, #tpu.memory_space<vmem>>, vector<16x1x128xf32>,
    %get3A_1167 = arith.constant 0 : index
    %get3A_1168 = arith.constant 3328 : index
    %get3A_1169 = vector.load %arg0[%get3A_1167, %get3A_1168] : memref<16x4096xf32, #tpu.memory_space<vmem>>, vector<16x128xf32>
    %mul3A_1170 = vector.broadcast %mul3A_18 : f32 to vector<16x128xf32>
    %mul3A_1171 = arith.mulf %get3A_1169, %mul3A_1170 : vector<16x128xf32>
    %add3A_1172 = vector.broadcast %sub3A_22 : f32 to vector<16x128xf32>
    %add3A_1173 = arith.addf %mul3A_1171, %add3A_1172 : vector<16x128xf32>
    %dot_general3A_1174 = arith.constant dense<0.000000e+00> : vector<16x640xf32>
    %dot_general3A_1175 = tpu.matmul %add3A_1173, %get3A_25, %dot_general3A_1174 {dimension_numbers = #tpu.dot_dimension_numbers<[1], [0], [0], [1], [0, 0, 1, 1], [], []>, transpose_lhs_hint = false} : vector<16x128xf32>, vector<128x640xf32>, vector<16x640xf32> -> vector<16x640xf32>
    %slice3A_1176 = vector.extract_strided_slice %dot_general3A_1175 {offsets = [0, 0], sizes = [16, 128], strides = [1, 1]} : vector<16x640xf32> to vector<16x128xf32>
    %swap3A_1177 = arith.constant 0 : index
    %swap3A_1178 = arith.constant 130 : index
    %swap3A_1179 = arith.constant 0 : index
    %swap3A_1180 = vector.load %arg4[%swap3A_1177, %swap3A_1178, %swap3A_1179] : memref<16x160x128xf32, #tpu.memory_space<vmem>>, vector<16x1x128xf32>
    %swap3A_1181 = vector.shape_cast %swap3A_1180 : vector<16x1x128xf32> to vector<16x128xf32>
    %swap3A_1182 = vector.shape_cast %slice3A_1176 : vector<16x128xf32> to vector<16x1x128xf32>
    tpu.vector_store %arg4[%swap3A_1177, %swap3A_1178, %swap3A_1179], %swap3A_1182 {strides = array<i32>} : memref<16x160x128xf32, #tpu.memory_space<vmem>>, vector<16x1x128xf32>,
    %slice3A_1183 = vector.extract_strided_slice %dot_general3A_1175 {offsets = [0, 128], sizes = [16, 128], strides = [1, 1]} : vector<16x640xf32> to vector<16x128xf32>
    %swap3A_1184 = arith.constant 0 : index
    %swap3A_1185 = arith.constant 131 : index
    %swap3A_1186 = arith.constant 0 : index
    %swap3A_1187 = vector.load %arg4[%swap3A_1184, %swap3A_1185, %swap3A_1186] : memref<16x160x128xf32, #tpu.memory_space<vmem>>, vector<16x1x128xf32>
    %swap3A_1188 = vector.shape_cast %swap3A_1187 : vector<16x1x128xf32> to vector<16x128xf32>
    %swap3A_1189 = vector.shape_cast %slice3A_1183 : vector<16x128xf32> to vector<16x1x128xf32>
    tpu.vector_store %arg4[%swap3A_1184, %swap3A_1185, %swap3A_1186], %swap3A_1189 {strides = array<i32>} : memref<16x160x128xf32, #tpu.memory_space<vmem>>, vector<16x1x128xf32>,
    %slice3A_1190 = vector.extract_strided_slice %dot_general3A_1175 {offsets = [0, 256], sizes = [16, 128], strides = [1, 1]} : vector<16x640xf32> to vector<16x128xf32>
    %swap3A_1191 = arith.constant 0 : index
    %swap3A_1192 = arith.constant 132 : index
    %swap3A_1193 = arith.constant 0 : index
    %swap3A_1194 = vector.load %arg4[%swap3A_1191, %swap3A_1192, %swap3A_1193] : memref<16x160x128xf32, #tpu.memory_space<vmem>>, vector<16x1x128xf32>
    %swap3A_1195 = vector.shape_cast %swap3A_1194 : vector<16x1x128xf32> to vector<16x128xf32>
    %swap3A_1196 = vector.shape_cast %slice3A_1190 : vector<16x128xf32> to vector<16x1x128xf32>
    tpu.vector_store %arg4[%swap3A_1191, %swap3A_1192, %swap3A_1193], %swap3A_1196 {strides = array<i32>} : memref<16x160x128xf32, #tpu.memory_space<vmem>>, vector<16x1x128xf32>,
    %slice3A_1197 = vector.extract_strided_slice %dot_general3A_1175 {offsets = [0, 384], sizes = [16, 128], strides = [1, 1]} : vector<16x640xf32> to vector<16x128xf32>
    %swap3A_1198 = arith.constant 0 : index
    %swap3A_1199 = arith.constant 133 : index
    %swap3A_1200 = arith.constant 0 : index
    %swap3A_1201 = vector.load %arg4[%swap3A_1198, %swap3A_1199, %swap3A_1200] : memref<16x160x128xf32, #tpu.memory_space<vmem>>, vector<16x1x128xf32>
    %swap3A_1202 = vector.shape_cast %swap3A_1201 : vector<16x1x128xf32> to vector<16x128xf32>
    %swap3A_1203 = vector.shape_cast %slice3A_1197 : vector<16x128xf32> to vector<16x1x128xf32>
    tpu.vector_store %arg4[%swap3A_1198, %swap3A_1199, %swap3A_1200], %swap3A_1203 {strides = array<i32>} : memref<16x160x128xf32, #tpu.memory_space<vmem>>, vector<16x1x128xf32>,
    %slice3A_1204 = vector.extract_strided_slice %dot_general3A_1175 {offsets = [0, 512], sizes = [16, 128], strides = [1, 1]} : vector<16x640xf32> to vector<16x128xf32>
    %swap3A_1205 = arith.constant 0 : index
    %swap3A_1206 = arith.constant 134 : index
    %swap3A_1207 = arith.constant 0 : index
    %swap3A_1208 = vector.load %arg4[%swap3A_1205, %swap3A_1206, %swap3A_1207] : memref<16x160x128xf32, #tpu.memory_space<vmem>>, vector<16x1x128xf32>
    %swap3A_1209 = vector.shape_cast %swap3A_1208 : vector<16x1x128xf32> to vector<16x128xf32>
    %swap3A_1210 = vector.shape_cast %slice3A_1204 : vector<16x128xf32> to vector<16x1x128xf32>
    tpu.vector_store %arg4[%swap3A_1205, %swap3A_1206, %swap3A_1207], %swap3A_1210 {strides = array<i32>} : memref<16x160x128xf32, #tpu.memory_space<vmem>>, vector<16x1x128xf32>,
    %get3A_1211 = arith.constant 0 : index
    %get3A_1212 = arith.constant 3456 : index
    %get3A_1213 = vector.load %arg0[%get3A_1211, %get3A_1212] : memref<16x4096xf32, #tpu.memory_space<vmem>>, vector<16x128xf32>
    %mul3A_1214 = vector.broadcast %mul3A_18 : f32 to vector<16x128xf32>
    %mul3A_1215 = arith.mulf %get3A_1213, %mul3A_1214 : vector<16x128xf32>
    %add3A_1216 = vector.broadcast %sub3A_22 : f32 to vector<16x128xf32>
    %add3A_1217 = arith.addf %mul3A_1215, %add3A_1216 : vector<16x128xf32>
    %dot_general3A_1218 = arith.constant dense<0.000000e+00> : vector<16x640xf32>
    %dot_general3A_1219 = tpu.matmul %add3A_1217, %get3A_25, %dot_general3A_1218 {dimension_numbers = #tpu.dot_dimension_numbers<[1], [0], [0], [1], [0, 0, 1, 1], [], []>, transpose_lhs_hint = false} : vector<16x128xf32>, vector<128x640xf32>, vector<16x640xf32> -> vector<16x640xf32>
    %slice3A_1220 = vector.extract_strided_slice %dot_general3A_1219 {offsets = [0, 0], sizes = [16, 128], strides = [1, 1]} : vector<16x640xf32> to vector<16x128xf32>
    %swap3A_1221 = arith.constant 0 : index
    %swap3A_1222 = arith.constant 135 : index
    %swap3A_1223 = arith.constant 0 : index
    %swap3A_1224 = vector.load %arg4[%swap3A_1221, %swap3A_1222, %swap3A_1223] : memref<16x160x128xf32, #tpu.memory_space<vmem>>, vector<16x1x128xf32>
    %swap3A_1225 = vector.shape_cast %swap3A_1224 : vector<16x1x128xf32> to vector<16x128xf32>
    %swap3A_1226 = vector.shape_cast %slice3A_1220 : vector<16x128xf32> to vector<16x1x128xf32>
    tpu.vector_store %arg4[%swap3A_1221, %swap3A_1222, %swap3A_1223], %swap3A_1226 {strides = array<i32>} : memref<16x160x128xf32, #tpu.memory_space<vmem>>, vector<16x1x128xf32>,
    %slice3A_1227 = vector.extract_strided_slice %dot_general3A_1219 {offsets = [0, 128], sizes = [16, 128], strides = [1, 1]} : vector<16x640xf32> to vector<16x128xf32>
    %swap3A_1228 = arith.constant 0 : index
    %swap3A_1229 = arith.constant 136 : index
    %swap3A_1230 = arith.constant 0 : index
    %swap3A_1231 = vector.load %arg4[%swap3A_1228, %swap3A_1229, %swap3A_1230] : memref<16x160x128xf32, #tpu.memory_space<vmem>>, vector<16x1x128xf32>
    %swap3A_1232 = vector.shape_cast %swap3A_1231 : vector<16x1x128xf32> to vector<16x128xf32>
    %swap3A_1233 = vector.shape_cast %slice3A_1227 : vector<16x128xf32> to vector<16x1x128xf32>
    tpu.vector_store %arg4[%swap3A_1228, %swap3A_1229, %swap3A_1230], %swap3A_1233 {strides = array<i32>} : memref<16x160x128xf32, #tpu.memory_space<vmem>>, vector<16x1x128xf32>,
    %slice3A_1234 = vector.extract_strided_slice %dot_general3A_1219 {offsets = [0, 256], sizes = [16, 128], strides = [1, 1]} : vector<16x640xf32> to vector<16x128xf32>
    %swap3A_1235 = arith.constant 0 : index
    %swap3A_1236 = arith.constant 137 : index
    %swap3A_1237 = arith.constant 0 : index
    %swap3A_1238 = vector.load %arg4[%swap3A_1235, %swap3A_1236, %swap3A_1237] : memref<16x160x128xf32, #tpu.memory_space<vmem>>, vector<16x1x128xf32>
    %swap3A_1239 = vector.shape_cast %swap3A_1238 : vector<16x1x128xf32> to vector<16x128xf32>
    %swap3A_1240 = vector.shape_cast %slice3A_1234 : vector<16x128xf32> to vector<16x1x128xf32>
    tpu.vector_store %arg4[%swap3A_1235, %swap3A_1236, %swap3A_1237], %swap3A_1240 {strides = array<i32>} : memref<16x160x128xf32, #tpu.memory_space<vmem>>, vector<16x1x128xf32>,
    %slice3A_1241 = vector.extract_strided_slice %dot_general3A_1219 {offsets = [0, 384], sizes = [16, 128], strides = [1, 1]} : vector<16x640xf32> to vector<16x128xf32>
    %swap3A_1242 = arith.constant 0 : index
    %swap3A_1243 = arith.constant 138 : index
    %swap3A_1244 = arith.constant 0 : index
    %swap3A_1245 = vector.load %arg4[%swap3A_1242, %swap3A_1243, %swap3A_1244] : memref<16x160x128xf32, #tpu.memory_space<vmem>>, vector<16x1x128xf32>
    %swap3A_1246 = vector.shape_cast %swap3A_1245 : vector<16x1x128xf32> to vector<16x128xf32>
    %swap3A_1247 = vector.shape_cast %slice3A_1241 : vector<16x128xf32> to vector<16x1x128xf32>
    tpu.vector_store %arg4[%swap3A_1242, %swap3A_1243, %swap3A_1244], %swap3A_1247 {strides = array<i32>} : memref<16x160x128xf32, #tpu.memory_space<vmem>>, vector<16x1x128xf32>,
    %slice3A_1248 = vector.extract_strided_slice %dot_general3A_1219 {offsets = [0, 512], sizes = [16, 128], strides = [1, 1]} : vector<16x640xf32> to vector<16x128xf32>
    %swap3A_1249 = arith.constant 0 : index
    %swap3A_1250 = arith.constant 139 : index
    %swap3A_1251 = arith.constant 0 : index
    %swap3A_1252 = vector.load %arg4[%swap3A_1249, %swap3A_1250, %swap3A_1251] : memref<16x160x128xf32, #tpu.memory_space<vmem>>, vector<16x1x128xf32>
    %swap3A_1253 = vector.shape_cast %swap3A_1252 : vector<16x1x128xf32> to vector<16x128xf32>
    %swap3A_1254 = vector.shape_cast %slice3A_1248 : vector<16x128xf32> to vector<16x1x128xf32>
    tpu.vector_store %arg4[%swap3A_1249, %swap3A_1250, %swap3A_1251], %swap3A_1254 {strides = array<i32>} : memref<16x160x128xf32, #tpu.memory_space<vmem>>, vector<16x1x128xf32>,
    %get3A_1255 = arith.constant 0 : index
    %get3A_1256 = arith.constant 3584 : index
    %get3A_1257 = vector.load %arg0[%get3A_1255, %get3A_1256] : memref<16x4096xf32, #tpu.memory_space<vmem>>, vector<16x128xf32>
    %mul3A_1258 = vector.broadcast %mul3A_18 : f32 to vector<16x128xf32>
    %mul3A_1259 = arith.mulf %get3A_1257, %mul3A_1258 : vector<16x128xf32>
    %add3A_1260 = vector.broadcast %sub3A_22 : f32 to vector<16x128xf32>
    %add3A_1261 = arith.addf %mul3A_1259, %add3A_1260 : vector<16x128xf32>
    %dot_general3A_1262 = arith.constant dense<0.000000e+00> : vector<16x640xf32>
    %dot_general3A_1263 = tpu.matmul %add3A_1261, %get3A_25, %dot_general3A_1262 {dimension_numbers = #tpu.dot_dimension_numbers<[1], [0], [0], [1], [0, 0, 1, 1], [], []>, transpose_lhs_hint = false} : vector<16x128xf32>, vector<128x640xf32>, vector<16x640xf32> -> vector<16x640xf32>
    %slice3A_1264 = vector.extract_strided_slice %dot_general3A_1263 {offsets = [0, 0], sizes = [16, 128], strides = [1, 1]} : vector<16x640xf32> to vector<16x128xf32>
    %swap3A_1265 = arith.constant 0 : index
    %swap3A_1266 = arith.constant 140 : index
    %swap3A_1267 = arith.constant 0 : index
    %swap3A_1268 = vector.load %arg4[%swap3A_1265, %swap3A_1266, %swap3A_1267] : memref<16x160x128xf32, #tpu.memory_space<vmem>>, vector<16x1x128xf32>
    %swap3A_1269 = vector.shape_cast %swap3A_1268 : vector<16x1x128xf32> to vector<16x128xf32>
    %swap3A_1270 = vector.shape_cast %slice3A_1264 : vector<16x128xf32> to vector<16x1x128xf32>
    tpu.vector_store %arg4[%swap3A_1265, %swap3A_1266, %swap3A_1267], %swap3A_1270 {strides = array<i32>} : memref<16x160x128xf32, #tpu.memory_space<vmem>>, vector<16x1x128xf32>,
    %slice3A_1271 = vector.extract_strided_slice %dot_general3A_1263 {offsets = [0, 128], sizes = [16, 128], strides = [1, 1]} : vector<16x640xf32> to vector<16x128xf32>
    %swap3A_1272 = arith.constant 0 : index
    %swap3A_1273 = arith.constant 141 : index
    %swap3A_1274 = arith.constant 0 : index
    %swap3A_1275 = vector.load %arg4[%swap3A_1272, %swap3A_1273, %swap3A_1274] : memref<16x160x128xf32, #tpu.memory_space<vmem>>, vector<16x1x128xf32>
    %swap3A_1276 = vector.shape_cast %swap3A_1275 : vector<16x1x128xf32> to vector<16x128xf32>
    %swap3A_1277 = vector.shape_cast %slice3A_1271 : vector<16x128xf32> to vector<16x1x128xf32>
    tpu.vector_store %arg4[%swap3A_1272, %swap3A_1273, %swap3A_1274], %swap3A_1277 {strides = array<i32>} : memref<16x160x128xf32, #tpu.memory_space<vmem>>, vector<16x1x128xf32>,
    %slice3A_1278 = vector.extract_strided_slice %dot_general3A_1263 {offsets = [0, 256], sizes = [16, 128], strides = [1, 1]} : vector<16x640xf32> to vector<16x128xf32>
    %swap3A_1279 = arith.constant 0 : index
    %swap3A_1280 = arith.constant 142 : index
    %swap3A_1281 = arith.constant 0 : index
    %swap3A_1282 = vector.load %arg4[%swap3A_1279, %swap3A_1280, %swap3A_1281] : memref<16x160x128xf32, #tpu.memory_space<vmem>>, vector<16x1x128xf32>
    %swap3A_1283 = vector.shape_cast %swap3A_1282 : vector<16x1x128xf32> to vector<16x128xf32>
    %swap3A_1284 = vector.shape_cast %slice3A_1278 : vector<16x128xf32> to vector<16x1x128xf32>
    tpu.vector_store %arg4[%swap3A_1279, %swap3A_1280, %swap3A_1281], %swap3A_1284 {strides = array<i32>} : memref<16x160x128xf32, #tpu.memory_space<vmem>>, vector<16x1x128xf32>,
    %slice3A_1285 = vector.extract_strided_slice %dot_general3A_1263 {offsets = [0, 384], sizes = [16, 128], strides = [1, 1]} : vector<16x640xf32> to vector<16x128xf32>
    %swap3A_1286 = arith.constant 0 : index
    %swap3A_1287 = arith.constant 143 : index
    %swap3A_1288 = arith.constant 0 : index
    %swap3A_1289 = vector.load %arg4[%swap3A_1286, %swap3A_1287, %swap3A_1288] : memref<16x160x128xf32, #tpu.memory_space<vmem>>, vector<16x1x128xf32>
    %swap3A_1290 = vector.shape_cast %swap3A_1289 : vector<16x1x128xf32> to vector<16x128xf32>
    %swap3A_1291 = vector.shape_cast %slice3A_1285 : vector<16x128xf32> to vector<16x1x128xf32>
    tpu.vector_store %arg4[%swap3A_1286, %swap3A_1287, %swap3A_1288], %swap3A_1291 {strides = array<i32>} : memref<16x160x128xf32, #tpu.memory_space<vmem>>, vector<16x1x128xf32>,
    %slice3A_1292 = vector.extract_strided_slice %dot_general3A_1263 {offsets = [0, 512], sizes = [16, 128], strides = [1, 1]} : vector<16x640xf32> to vector<16x128xf32>
    %swap3A_1293 = arith.constant 0 : index
    %swap3A_1294 = arith.constant 144 : index
    %swap3A_1295 = arith.constant 0 : index
    %swap3A_1296 = vector.load %arg4[%swap3A_1293, %swap3A_1294, %swap3A_1295] : memref<16x160x128xf32, #tpu.memory_space<vmem>>, vector<16x1x128xf32>
    %swap3A_1297 = vector.shape_cast %swap3A_1296 : vector<16x1x128xf32> to vector<16x128xf32>
    %swap3A_1298 = vector.shape_cast %slice3A_1292 : vector<16x128xf32> to vector<16x1x128xf32>
    tpu.vector_store %arg4[%swap3A_1293, %swap3A_1294, %swap3A_1295], %swap3A_1298 {strides = array<i32>} : memref<16x160x128xf32, #tpu.memory_space<vmem>>, vector<16x1x128xf32>,
    %get3A_1299 = arith.constant 0 : index
    %get3A_1300 = arith.constant 3712 : index
    %get3A_1301 = vector.load %arg0[%get3A_1299, %get3A_1300] : memref<16x4096xf32, #tpu.memory_space<vmem>>, vector<16x128xf32>
    %mul3A_1302 = vector.broadcast %mul3A_18 : f32 to vector<16x128xf32>
    %mul3A_1303 = arith.mulf %get3A_1301, %mul3A_1302 : vector<16x128xf32>
    %add3A_1304 = vector.broadcast %sub3A_22 : f32 to vector<16x128xf32>
    %add3A_1305 = arith.addf %mul3A_1303, %add3A_1304 : vector<16x128xf32>
    %dot_general3A_1306 = arith.constant dense<0.000000e+00> : vector<16x640xf32>
    %dot_general3A_1307 = tpu.matmul %add3A_1305, %get3A_25, %dot_general3A_1306 {dimension_numbers = #tpu.dot_dimension_numbers<[1], [0], [0], [1], [0, 0, 1, 1], [], []>, transpose_lhs_hint = false} : vector<16x128xf32>, vector<128x640xf32>, vector<16x640xf32> -> vector<16x640xf32>
    %slice3A_1308 = vector.extract_strided_slice %dot_general3A_1307 {offsets = [0, 0], sizes = [16, 128], strides = [1, 1]} : vector<16x640xf32> to vector<16x128xf32>
    %swap3A_1309 = arith.constant 0 : index
    %swap3A_1310 = arith.constant 145 : index
    %swap3A_1311 = arith.constant 0 : index
    %swap3A_1312 = vector.load %arg4[%swap3A_1309, %swap3A_1310, %swap3A_1311] : memref<16x160x128xf32, #tpu.memory_space<vmem>>, vector<16x1x128xf32>
    %swap3A_1313 = vector.shape_cast %swap3A_1312 : vector<16x1x128xf32> to vector<16x128xf32>
    %swap3A_1314 = vector.shape_cast %slice3A_1308 : vector<16x128xf32> to vector<16x1x128xf32>
    tpu.vector_store %arg4[%swap3A_1309, %swap3A_1310, %swap3A_1311], %swap3A_1314 {strides = array<i32>} : memref<16x160x128xf32, #tpu.memory_space<vmem>>, vector<16x1x128xf32>,
    %slice3A_1315 = vector.extract_strided_slice %dot_general3A_1307 {offsets = [0, 128], sizes = [16, 128], strides = [1, 1]} : vector<16x640xf32> to vector<16x128xf32>
    %swap3A_1316 = arith.constant 0 : index
    %swap3A_1317 = arith.constant 146 : index
    %swap3A_1318 = arith.constant 0 : index
    %swap3A_1319 = vector.load %arg4[%swap3A_1316, %swap3A_1317, %swap3A_1318] : memref<16x160x128xf32, #tpu.memory_space<vmem>>, vector<16x1x128xf32>
    %swap3A_1320 = vector.shape_cast %swap3A_1319 : vector<16x1x128xf32> to vector<16x128xf32>
    %swap3A_1321 = vector.shape_cast %slice3A_1315 : vector<16x128xf32> to vector<16x1x128xf32>
    tpu.vector_store %arg4[%swap3A_1316, %swap3A_1317, %swap3A_1318], %swap3A_1321 {strides = array<i32>} : memref<16x160x128xf32, #tpu.memory_space<vmem>>, vector<16x1x128xf32>,
    %slice3A_1322 = vector.extract_strided_slice %dot_general3A_1307 {offsets = [0, 256], sizes = [16, 128], strides = [1, 1]} : vector<16x640xf32> to vector<16x128xf32>
    %swap3A_1323 = arith.constant 0 : index
    %swap3A_1324 = arith.constant 147 : index
    %swap3A_1325 = arith.constant 0 : index
    %swap3A_1326 = vector.load %arg4[%swap3A_1323, %swap3A_1324, %swap3A_1325] : memref<16x160x128xf32, #tpu.memory_space<vmem>>, vector<16x1x128xf32>
    %swap3A_1327 = vector.shape_cast %swap3A_1326 : vector<16x1x128xf32> to vector<16x128xf32>
    %swap3A_1328 = vector.shape_cast %slice3A_1322 : vector<16x128xf32> to vector<16x1x128xf32>
    tpu.vector_store %arg4[%swap3A_1323, %swap3A_1324, %swap3A_1325], %swap3A_1328 {strides = array<i32>} : memref<16x160x128xf32, #tpu.memory_space<vmem>>, vector<16x1x128xf32>,
    %slice3A_1329 = vector.extract_strided_slice %dot_general3A_1307 {offsets = [0, 384], sizes = [16, 128], strides = [1, 1]} : vector<16x640xf32> to vector<16x128xf32>
    %swap3A_1330 = arith.constant 0 : index
    %swap3A_1331 = arith.constant 148 : index
    %swap3A_1332 = arith.constant 0 : index
    %swap3A_1333 = vector.load %arg4[%swap3A_1330, %swap3A_1331, %swap3A_1332] : memref<16x160x128xf32, #tpu.memory_space<vmem>>, vector<16x1x128xf32>
    %swap3A_1334 = vector.shape_cast %swap3A_1333 : vector<16x1x128xf32> to vector<16x128xf32>
    %swap3A_1335 = vector.shape_cast %slice3A_1329 : vector<16x128xf32> to vector<16x1x128xf32>
    tpu.vector_store %arg4[%swap3A_1330, %swap3A_1331, %swap3A_1332], %swap3A_1335 {strides = array<i32>} : memref<16x160x128xf32, #tpu.memory_space<vmem>>, vector<16x1x128xf32>,
    %slice3A_1336 = vector.extract_strided_slice %dot_general3A_1307 {offsets = [0, 512], sizes = [16, 128], strides = [1, 1]} : vector<16x640xf32> to vector<16x128xf32>
    %swap3A_1337 = arith.constant 0 : index
    %swap3A_1338 = arith.constant 149 : index
    %swap3A_1339 = arith.constant 0 : index
    %swap3A_1340 = vector.load %arg4[%swap3A_1337, %swap3A_1338, %swap3A_1339] : memref<16x160x128xf32, #tpu.memory_space<vmem>>, vector<16x1x128xf32>
    %swap3A_1341 = vector.shape_cast %swap3A_1340 : vector<16x1x128xf32> to vector<16x128xf32>
    %swap3A_1342 = vector.shape_cast %slice3A_1336 : vector<16x128xf32> to vector<16x1x128xf32>
    tpu.vector_store %arg4[%swap3A_1337, %swap3A_1338, %swap3A_1339], %swap3A_1342 {strides = array<i32>} : memref<16x160x128xf32, #tpu.memory_space<vmem>>, vector<16x1x128xf32>,
    %get3A_1343 = arith.constant 0 : index
    %get3A_1344 = arith.constant 3840 : index
    %get3A_1345 = vector.load %arg0[%get3A_1343, %get3A_1344] : memref<16x4096xf32, #tpu.memory_space<vmem>>, vector<16x128xf32>
    %mul3A_1346 = vector.broadcast %mul3A_18 : f32 to vector<16x128xf32>
    %mul3A_1347 = arith.mulf %get3A_1345, %mul3A_1346 : vector<16x128xf32>
    %add3A_1348 = vector.broadcast %sub3A_22 : f32 to vector<16x128xf32>
    %add3A_1349 = arith.addf %mul3A_1347, %add3A_1348 : vector<16x128xf32>
    %dot_general3A_1350 = arith.constant dense<0.000000e+00> : vector<16x640xf32>
    %dot_general3A_1351 = tpu.matmul %add3A_1349, %get3A_25, %dot_general3A_1350 {dimension_numbers = #tpu.dot_dimension_numbers<[1], [0], [0], [1], [0, 0, 1, 1], [], []>, transpose_lhs_hint = false} : vector<16x128xf32>, vector<128x640xf32>, vector<16x640xf32> -> vector<16x640xf32>
    %slice3A_1352 = vector.extract_strided_slice %dot_general3A_1351 {offsets = [0, 0], sizes = [16, 128], strides = [1, 1]} : vector<16x640xf32> to vector<16x128xf32>
    %swap3A_1353 = arith.constant 0 : index
    %swap3A_1354 = arith.constant 150 : index
    %swap3A_1355 = arith.constant 0 : index
    %swap3A_1356 = vector.load %arg4[%swap3A_1353, %swap3A_1354, %swap3A_1355] : memref<16x160x128xf32, #tpu.memory_space<vmem>>, vector<16x1x128xf32>
    %swap3A_1357 = vector.shape_cast %swap3A_1356 : vector<16x1x128xf32> to vector<16x128xf32>
    %swap3A_1358 = vector.shape_cast %slice3A_1352 : vector<16x128xf32> to vector<16x1x128xf32>
    tpu.vector_store %arg4[%swap3A_1353, %swap3A_1354, %swap3A_1355], %swap3A_1358 {strides = array<i32>} : memref<16x160x128xf32, #tpu.memory_space<vmem>>, vector<16x1x128xf32>,
    %slice3A_1359 = vector.extract_strided_slice %dot_general3A_1351 {offsets = [0, 128], sizes = [16, 128], strides = [1, 1]} : vector<16x640xf32> to vector<16x128xf32>
    %swap3A_1360 = arith.constant 0 : index
    %swap3A_1361 = arith.constant 151 : index
    %swap3A_1362 = arith.constant 0 : index
    %swap3A_1363 = vector.load %arg4[%swap3A_1360, %swap3A_1361, %swap3A_1362] : memref<16x160x128xf32, #tpu.memory_space<vmem>>, vector<16x1x128xf32>
    %swap3A_1364 = vector.shape_cast %swap3A_1363 : vector<16x1x128xf32> to vector<16x128xf32>
    %swap3A_1365 = vector.shape_cast %slice3A_1359 : vector<16x128xf32> to vector<16x1x128xf32>
    tpu.vector_store %arg4[%swap3A_1360, %swap3A_1361, %swap3A_1362], %swap3A_1365 {strides = array<i32>} : memref<16x160x128xf32, #tpu.memory_space<vmem>>, vector<16x1x128xf32>,
    %slice3A_1366 = vector.extract_strided_slice %dot_general3A_1351 {offsets = [0, 256], sizes = [16, 128], strides = [1, 1]} : vector<16x640xf32> to vector<16x128xf32>
    %swap3A_1367 = arith.constant 0 : index
    %swap3A_1368 = arith.constant 152 : index
    %swap3A_1369 = arith.constant 0 : index
    %swap3A_1370 = vector.load %arg4[%swap3A_1367, %swap3A_1368, %swap3A_1369] : memref<16x160x128xf32, #tpu.memory_space<vmem>>, vector<16x1x128xf32>
    %swap3A_1371 = vector.shape_cast %swap3A_1370 : vector<16x1x128xf32> to vector<16x128xf32>
    %swap3A_1372 = vector.shape_cast %slice3A_1366 : vector<16x128xf32> to vector<16x1x128xf32>
    tpu.vector_store %arg4[%swap3A_1367, %swap3A_1368, %swap3A_1369], %swap3A_1372 {strides = array<i32>} : memref<16x160x128xf32, #tpu.memory_space<vmem>>, vector<16x1x128xf32>,
    %slice3A_1373 = vector.extract_strided_slice %dot_general3A_1351 {offsets = [0, 384], sizes = [16, 128], strides = [1, 1]} : vector<16x640xf32> to vector<16x128xf32>
    %swap3A_1374 = arith.constant 0 : index
    %swap3A_1375 = arith.constant 153 : index
    %swap3A_1376 = arith.constant 0 : index
    %swap3A_1377 = vector.load %arg4[%swap3A_1374, %swap3A_1375, %swap3A_1376] : memref<16x160x128xf32, #tpu.memory_space<vmem>>, vector<16x1x128xf32>
    %swap3A_1378 = vector.shape_cast %swap3A_1377 : vector<16x1x128xf32> to vector<16x128xf32>
    %swap3A_1379 = vector.shape_cast %slice3A_1373 : vector<16x128xf32> to vector<16x1x128xf32>
    tpu.vector_store %arg4[%swap3A_1374, %swap3A_1375, %swap3A_1376], %swap3A_1379 {strides = array<i32>} : memref<16x160x128xf32, #tpu.memory_space<vmem>>, vector<16x1x128xf32>,
    %slice3A_1380 = vector.extract_strided_slice %dot_general3A_1351 {offsets = [0, 512], sizes = [16, 128], strides = [1, 1]} : vector<16x640xf32> to vector<16x128xf32>
    %swap3A_1381 = arith.constant 0 : index
    %swap3A_1382 = arith.constant 154 : index
    %swap3A_1383 = arith.constant 0 : index
    %swap3A_1384 = vector.load %arg4[%swap3A_1381, %swap3A_1382, %swap3A_1383] : memref<16x160x128xf32, #tpu.memory_space<vmem>>, vector<16x1x128xf32>
    %swap3A_1385 = vector.shape_cast %swap3A_1384 : vector<16x1x128xf32> to vector<16x128xf32>
    %swap3A_1386 = vector.shape_cast %slice3A_1380 : vector<16x128xf32> to vector<16x1x128xf32>
    tpu.vector_store %arg4[%swap3A_1381, %swap3A_1382, %swap3A_1383], %swap3A_1386 {strides = array<i32>} : memref<16x160x128xf32, #tpu.memory_space<vmem>>, vector<16x1x128xf32>,
    %get3A_1387 = arith.constant 0 : index
    %get3A_1388 = arith.constant 3968 : index
    %get3A_1389 = vector.load %arg0[%get3A_1387, %get3A_1388] : memref<16x4096xf32, #tpu.memory_space<vmem>>, vector<16x128xf32>
    %mul3A_1390 = vector.broadcast %mul3A_18 : f32 to vector<16x128xf32>
    %mul3A_1391 = arith.mulf %get3A_1389, %mul3A_1390 : vector<16x128xf32>
    %add3A_1392 = vector.broadcast %sub3A_22 : f32 to vector<16x128xf32>
    %add3A_1393 = arith.addf %mul3A_1391, %add3A_1392 : vector<16x128xf32>
    %dot_general3A_1394 = arith.constant dense<0.000000e+00> : vector<16x640xf32>
    %dot_general3A_1395 = tpu.matmul %add3A_1393, %get3A_25, %dot_general3A_1394 {dimension_numbers = #tpu.dot_dimension_numbers<[1], [0], [0], [1], [0, 0, 1, 1], [], []>, transpose_lhs_hint = false} : vector<16x128xf32>, vector<128x640xf32>, vector<16x640xf32> -> vector<16x640xf32>
    %slice3A_1396 = vector.extract_strided_slice %dot_general3A_1395 {offsets = [0, 0], sizes = [16, 128], strides = [1, 1]} : vector<16x640xf32> to vector<16x128xf32>
    %swap3A_1397 = arith.constant 0 : index
    %swap3A_1398 = arith.constant 155 : index
    %swap3A_1399 = arith.constant 0 : index
    %swap3A_1400 = vector.load %arg4[%swap3A_1397, %swap3A_1398, %swap3A_1399] : memref<16x160x128xf32, #tpu.memory_space<vmem>>, vector<16x1x128xf32>
    %swap3A_1401 = vector.shape_cast %swap3A_1400 : vector<16x1x128xf32> to vector<16x128xf32>
    %swap3A_1402 = vector.shape_cast %slice3A_1396 : vector<16x128xf32> to vector<16x1x128xf32>
    tpu.vector_store %arg4[%swap3A_1397, %swap3A_1398, %swap3A_1399], %swap3A_1402 {strides = array<i32>} : memref<16x160x128xf32, #tpu.memory_space<vmem>>, vector<16x1x128xf32>,
    %slice3A_1403 = vector.extract_strided_slice %dot_general3A_1395 {offsets = [0, 128], sizes = [16, 128], strides = [1, 1]} : vector<16x640xf32> to vector<16x128xf32>
    %swap3A_1404 = arith.constant 0 : index
    %swap3A_1405 = arith.constant 156 : index
    %swap3A_1406 = arith.constant 0 : index
    %swap3A_1407 = vector.load %arg4[%swap3A_1404, %swap3A_1405, %swap3A_1406] : memref<16x160x128xf32, #tpu.memory_space<vmem>>, vector<16x1x128xf32>
    %swap3A_1408 = vector.shape_cast %swap3A_1407 : vector<16x1x128xf32> to vector<16x128xf32>
    %swap3A_1409 = vector.shape_cast %slice3A_1403 : vector<16x128xf32> to vector<16x1x128xf32>
    tpu.vector_store %arg4[%swap3A_1404, %swap3A_1405, %swap3A_1406], %swap3A_1409 {strides = array<i32>} : memref<16x160x128xf32, #tpu.memory_space<vmem>>, vector<16x1x128xf32>,
    %slice3A_1410 = vector.extract_strided_slice %dot_general3A_1395 {offsets = [0, 256], sizes = [16, 128], strides = [1, 1]} : vector<16x640xf32> to vector<16x128xf32>
    %swap3A_1411 = arith.constant 0 : index
    %swap3A_1412 = arith.constant 157 : index
    %swap3A_1413 = arith.constant 0 : index
    %swap3A_1414 = vector.load %arg4[%swap3A_1411, %swap3A_1412, %swap3A_1413] : memref<16x160x128xf32, #tpu.memory_space<vmem>>, vector<16x1x128xf32>
    %swap3A_1415 = vector.shape_cast %swap3A_1414 : vector<16x1x128xf32> to vector<16x128xf32>
    %swap3A_1416 = vector.shape_cast %slice3A_1410 : vector<16x128xf32> to vector<16x1x128xf32>
    tpu.vector_store %arg4[%swap3A_1411, %swap3A_1412, %swap3A_1413], %swap3A_1416 {strides = array<i32>} : memref<16x160x128xf32, #tpu.memory_space<vmem>>, vector<16x1x128xf32>,
    %slice3A_1417 = vector.extract_strided_slice %dot_general3A_1395 {offsets = [0, 384], sizes = [16, 128], strides = [1, 1]} : vector<16x640xf32> to vector<16x128xf32>
    %swap3A_1418 = arith.constant 0 : index
    %swap3A_1419 = arith.constant 158 : index
    %swap3A_1420 = arith.constant 0 : index
    %swap3A_1421 = vector.load %arg4[%swap3A_1418, %swap3A_1419, %swap3A_1420] : memref<16x160x128xf32, #tpu.memory_space<vmem>>, vector<16x1x128xf32>
    %swap3A_1422 = vector.shape_cast %swap3A_1421 : vector<16x1x128xf32> to vector<16x128xf32>
    %swap3A_1423 = vector.shape_cast %slice3A_1417 : vector<16x128xf32> to vector<16x1x128xf32>
    tpu.vector_store %arg4[%swap3A_1418, %swap3A_1419, %swap3A_1420], %swap3A_1423 {strides = array<i32>} : memref<16x160x128xf32, #tpu.memory_space<vmem>>, vector<16x1x128xf32>,
    %slice3A_1424 = vector.extract_strided_slice %dot_general3A_1395 {offsets = [0, 512], sizes = [16, 128], strides = [1, 1]} : vector<16x640xf32> to vector<16x128xf32>
    %swap3A_1425 = arith.constant 0 : index
    %swap3A_1426 = arith.constant 159 : index
    %swap3A_1427 = arith.constant 0 : index
    %swap3A_1428 = vector.load %arg4[%swap3A_1425, %swap3A_1426, %swap3A_1427] : memref<16x160x128xf32, #tpu.memory_space<vmem>>, vector<16x1x128xf32>
    %swap3A_1429 = vector.shape_cast %swap3A_1428 : vector<16x1x128xf32> to vector<16x128xf32>
    %swap3A_1430 = vector.shape_cast %slice3A_1424 : vector<16x128xf32> to vector<16x1x128xf32>
    tpu.vector_store %arg4[%swap3A_1425, %swap3A_1426, %swap3A_1427], %swap3A_1430 {strides = array<i32>} : memref<16x160x128xf32, #tpu.memory_space<vmem>>, vector<16x1x128xf32>,
    return
  }
}

</mosaic_0001>

<sc_bundles>
// kernel: kernel.5.cloned.1.call-start
scs
__scs_entry_jumppad:
0x0: {  	(pc) =	sbr.rel $0x88, $3  }
0x1: {  	(tag) =	ssettag $0x0;
	lr =	simm.s32 $0x1  }
0x2: {  	[smem:$0x3F9D] =	sst lr;
	_ =	strace $0xD0000000  }
0x3: {  	_ = 	snop  }
0x4: {  	_ = 	snop  }
0x5: {  	_ = 	snop  }
0x6: {  	_ = 	snop  }
0x7: {  	_ = 	snop  }
__scs_overlays_trampoline_lowered:
0x8: {  	[smem:$0x3FAC] =	sst s0  }
0x9: {  	[smem:$0x3FAD] =	sst s1  }
0xa: {  	[smem:$0x3FAE] =	sst s2  }
0xb: {  	[smem:$0x3FAF] =	sst s3  }
0xc: {  	[smem:$0x3FB0] =	sst s4  }
0xd: {  	[smem:$0x3FB1] =	sst s5  }
0xe: {  	[smem:$0x3FB2] =	sst s6  }
0xf: {  	[smem:$0x3FB3] =	sst s7  }
0x10: {  	[smem:$0x3FB4] =	sst s8  }
0x11: {  	[smem:$0x3FB5] =	sst s9;
	s0 =	simm.s32 @!p0 $0x0  }
0x12: {  	s1 =	sld [smem:$0x3F9B];
	s0 =	simm.s32 @p0 $0x1  }
0x13: {  	[smem:$0x3FB6] =	sst s0;
	s0 =	simm.s32 @!p1 $0x0  }
0x14: {  	s2 =	sld [smem:$0x3F9A];
	s0 =	simm.s32 @p1 $0x1  }
0x15: {  	[smem:$0x3FB7] =	sst s0;
	s0 =	simm.s32 @!p2 $0x0  }
0x16: {  	s3 =	sld [smem:$0x3FDB];
	s0 =	simm.s32 @p2 $0x1  }
0x17: {  	s4 =	simm.s32 $0x1BF5;
	[smem:$0x3FB9] =	sst s0  }
0x18: {  	s0 =	sld [smem:$0x3F9C];
	_ =	swait.ge [sflag:s4], $0x0  }
0x19: {  	s7 =	sld [smem:$0x3F9D]  }
0x1a: {  	s8 =	sadd.s32 $0xFFFFE003, lr  }
0x1b: {  	s9 =	sadd.s32 $0xFFFFFEF7, lr;
	s5 =	simm.s32 $0xFFFFFFFF;
	p2 =	slt.u32 s8, $0xFFFFF086  }
0x1c: {  	p1 =	slt.u32 s9, $0xF7A;
	s5 =	simm.s32 @!p2 $0x0  }
0x1d: {  	s5 =	simm.s32 @p1 $0x1;
	p0 =	seq.s32 s7, s2  }
0x1e: {  	s7 =	smul.u32 @!p0 $0xF7A, s2;
	p2 =	seq.s32 @!p0 s5, $0x0  }
0x1f: {  	s9 =	smul.u32 $0xF7A, s1;
	s8 =	simm.s32 @!p0 $0x1BF5;
	p2 =	por !p2, p0  }
0x20: {  	[sflag:s8] =	ssyncset.s32 @!p0 $0xFFFFF086;
	s6 =	sadd.s32 @!p0 s3, s7;
	s7 =	simm.s32 @!p0 $0x108  }
0x21: {  	s3 =	sadd.s32 s3, s9;
	s6 =	sadd.s32 @!p0 $0x88, s6;
	s7 =	simm.s32 @p2 $0x1082  }
0x22: {  	[simem:s7], [sflag:s8] =	dma.local @!p0 [hbm:s6], $0xF7A  }
0x23: {  	s9 =	sor.u32 $0xD0000000, s2;
	s6 =	simm.s32 $0x108;
	_ =	swait.ge @!p0 [sflag:s8], $0x0  }
0x24: {  	s3 =	sadd.s32 $0x88, s3;
	s6 =	simm.s32 @!p1 $0x1082;
	[sflag:s4] =	ssyncset.s32 $0xFFFFF086  }
0x25: {  	[simem:s6], [sflag:s4] =	dma.local [hbm:s3], $0xF7A  }
0x26: {  	[smem:$0x3F9D] =	sst s1;
	(tag) =	ssettag s2;
	_ =	strace s9  }
0x27: {  	s1 =	sld [smem:$0x3FAD]  }
0x28: {  	s2 =	sld [smem:$0x3FAE]  }
0x29: {  	s4 =	sld [smem:$0x3FB0]  }
0x2a: {  	p0 =	seq.s32 s5, $0x0;
	s5 =	sld [smem:$0x3FB1]  }
0x2b: {  	s6 =	sld [smem:$0x3FB2]  }
0x2c: {  	s7 =	sld [smem:$0x3FB3]  }
0x2d: {  	s3 =	simm.s32 $0x108;
	s8 =	sld [smem:$0x3FB4]  }
0x2e: {  	s3 =	simm.s32 @!p0 $0x1082;
	s9 =	sld [smem:$0x3FB5]  }
0x2f: {  	lr =	sadd.s32 s0, s3;
	s0 =	sld [smem:$0x3FAC]  }
0x30: {  	s3 =	sld [smem:$0x3FAF]  }
0x31: {  	[smem:$0x3FB8] =	sst s10  }
0x32: {  	s10 =	sld [smem:$0x3FB6];
	_ =	sdelay $0x3  }
0x33: {  	p0 =	seq.s32 s10, $0x1;
	s10 =	sld [smem:$0x3FB8];
	_ =	sdelay $0x3  }
0x34: {  	[smem:$0x3FB8] =	sst s10  }
0x35: {  	s10 =	sld [smem:$0x3FB7];
	_ =	sdelay $0x3  }
0x36: {  	p1 =	seq.s32 s10, $0x1;
	s10 =	sld [smem:$0x3FB8];
	_ =	sdelay $0x3  }
0x37: {  	[smem:$0x3FB8] =	sst s10  }
0x38: {  	s10 =	sld [smem:$0x3FB9]  }
0x39: {  	_ = 	snop;
	(pc) =	sbr.ind lr, $3  }
0x3a: {  	_ = 	snop  }
0x3b: {  	_ = 	snop  }
0x3c: {  	p2 =	seq.s32 s10, $0x1;
	s10 =	sld [smem:$0x3FB8]  }
0x3d: {  	_ =	shalt  }
0x3e: {  	_ =	shalt  }
0x3f: {  	_ =	shalt  }
0x40: {  	_ =	shalt  }
0x41: {  	_ =	shalt  }
0x42: {  	_ =	shalt  }
0x43: {  	_ =	shalt  }
0x44: {  	_ =	shalt  }
0x45: {  	_ =	shalt  }
0x46: {  	_ =	shalt  }
0x47: {  	_ =	shalt  }
0x48: {  	_ =	shalt  }
0x49: {  	_ =	shalt  }
0x4a: {  	_ =	shalt  }
0x4b: {  	_ =	shalt  }
0x4c: {  	_ =	shalt  }
0x4d: {  	_ =	shalt  }
0x4e: {  	_ =	shalt  }
0x4f: {  	_ =	shalt  }
0x50: {  	_ =	shalt  }
0x51: {  	_ =	shalt  }
0x52: {  	_ =	shalt  }
0x53: {  	_ =	shalt  }
0x54: {  	_ =	shalt  }
0x55: {  	_ =	shalt  }
0x56: {  	_ =	shalt  }
0x57: {  	_ =	shalt  }
0x58: {  	_ =	shalt  }
0x59: {  	_ =	shalt  }
0x5a: {  	_ =	shalt  }
0x5b: {  	_ =	shalt  }
0x5c: {  	_ =	shalt  }
0x5d: {  	_ =	shalt  }
0x5e: {  	_ =	shalt  }
0x5f: {  	_ =	shalt  }
0x60: {  	_ =	shalt  }
0x61: {  	_ =	shalt  }
0x62: {  	_ =	shalt  }
0x63: {  	_ =	shalt  }
0x64: {  	_ =	shalt  }
0x65: {  	_ =	shalt  }
0x66: {  	_ =	shalt  }
0x67: {  	_ =	shalt  }
0x68: {  	_ =	shalt  }
0x69: {  	_ =	shalt  }
0x6a: {  	_ =	shalt  }
0x6b: {  	_ =	shalt  }
0x6c: {  	_ =	shalt  }
0x6d: {  	_ =	shalt  }
0x6e: {  	_ =	shalt  }
0x6f: {  	_ =	shalt  }
0x70: {  	_ =	shalt  }
0x71: {  	_ =	shalt  }
0x72: {  	_ =	shalt  }
0x73: {  	_ =	shalt  }
0x74: {  	_ =	shalt  }
0x75: {  	_ =	shalt  }
0x76: {  	_ =	shalt  }
0x77: {  	_ =	shalt  }
0x78: {  	_ =	shalt  }
0x79: {  	_ =	shalt  }
0x7a: {  	_ =	shalt  }
0x7b: {  	_ =	shalt  }
0x7c: {  	_ =	shalt  }
0x7d: {  	_ =	shalt  }
0x7e: {  	_ =	shalt  }
0x7f: {  	_ =	shalt  }
0x80: {  	_ =	shalt  }
0x81: {  	_ =	shalt  }
0x82: {  	_ =	shalt  }
0x83: {  	_ =	shalt  }
0x84: {  	_ =	shalt  }
0x85: {  	_ =	shalt  }
0x86: {  	_ =	shalt  }
0x87: {  	_ =	shalt  }
.Lfunc_end0:
.L_simem_size_0:
called_computation_lowered:
.L_overlay_start_0:
0x88: {  	s2 =	sld [smem:$0x3FD9]  }
0x89: {  	s3 =	sld [smem:$0x3FFE];
	_ =	sdelay $0x1  }
0x8a: {  	s1 =	srdreg.scid  }
0x8b: {  	s0 =	sand.u32 $0x1, s1  }
0x8c: {  	s17 =	sshll.u32 s0, $0xA;
	s2 =	sadd.s32 s3, s2  }
0x8d: {  	s2 =	sadd.s32 s2, s17  }
0x8e: {  	[smem:$0x3FC4] =	sst s2  }
0x8f: {  	_ = 	snop  }
0x90: {  	s2 =	sld [smem:$0x3FD0];
	(tm) =	ssettm $0x1  }
0x91: {  	s18 =	sld [smem:$0x3FFB];
	_ =	sdelay $0x3  }
0x92: {  	_ =	strace s18  }
0x93: {  	s3 =	sld [smem:$0x3FFC];
	_ =	sdelay $0x3  }
0x94: {  	_ =	strace s3  }
0x95: {  	s3 =	sld [smem:$0x3FFD];
	_ =	sdelay $0x3  }
0x96: {  	_ =	strace s3  }
0x97: {  	_ =	strace $0x8FFFFFFF  }
0x98: {  	s19 =	sld [smem:$0x3FDB];
	_ =	sdelay $0x1  }
0x99: {  	s4 =	simm.s32 $_scs_section_size  }
0x9a: {  	s5 =	simm.s32 $_size__tile_overlayer_lowered;
	s6 =	simm.s32 $_tile_overlayer_lowered  }
0x9b: {  	s22 =	simm.s32 $0x1BFF;
	s21 =	sshll.u32 s6, $0x1;
	s3 =	sadd.s32 s4, s19  }
0x9c: {  	s7 =	simm.s32 $0x0;
	s20 =	sshll.u32 s5, $0x1;
	s5 =	sadd.s32 s21, s3  }
0x9d: {  	[timem:s7], [sflag:s22] =	dma.local [hbm:s5], s20  }
0x9e: {  	_ =	swait.ge [sflag:s22], s20  }
0x9f: {  	s4 =	ssub.s32 $0x0, s20;
	[sflag:s22] =	ssyncset.done $0x0  }
0xa0: {  	[sflag:s22] =	ssyncadd.s32 s4;
	_ =	sdelay $0x1  }
0xa1: {  	s23 =	simm.s32 $0x1B8B  }
0xa2: {  	_ =	swait.ge [sflag:s23], $0x1  }
0xa3: {  	[sflag:s23] =	ssyncset.done $0x0  }
0xa4: {  	s25 =	simm.s32 $0x1B8E;
	s24 =	sld [smem:$0x3FFE];
	[sflag:s23] =	ssyncadd.s32 $0xFFFFFFFF  }
0xa5: {  	s26 =	simm.s32 $execute0_lowered;
	[smem:$0x3FD2] =	sst s25  }
0xa6: {  	s5 =	sshll.u32 s26, $0x1;
	_ =	strace $0x80000046;
	[dreg:$0x1] =	wrdreg $0xFFFFFFFF  }
0xa7: {  	s28 =	simm.s32 $_size_execute0_lowered;
	s3 =	sadd.s32 s3, s5;
	[dreg:$0x0] =	wrdreg $0x0  }
0xa8: {  	s5 =	sshll.u32 s28, $0x1;
	[dreg:$0x2] =	wrdreg s3  }
0xa9: {  	[dreg:$0x3] =	wrdreg s5  }
0xaa: {  	[dreg:$0x4] =	wrdreg $0xC0  }
0xab: {  	_ =	task [dreg:s7], $0x5FFFF  }
0xac: {  	[dreg:$0x1] =	wrdreg $0xFFFFFFFF  }
0xad: {  	[dreg:$0x0] =	wrdreg $0x60  }
0xae: {  	[dreg:$0x2] =	wrdreg s2  }
0xaf: {  	[dreg:$0x3] =	wrdreg s24  }
0xb0: {  	[dreg:$0x4] =	wrdreg $0x9  }
0xb1: {  	_ =	task.clear_ibuf [dreg:s7], $0x5FFFF;
	_ =	strace $0x90000046  }
0xb2: {  	s29 =	simm.s32 $0x9;
	_ =	strace $0x80000048  }
0xb3: {  	_ =	swait.ge [sflag:s29], $0x1  }
0xb4: {  	[sflag:s29] =	ssyncadd.s32 $0xFFFFFFFF  }
0xb5: {  	_ =	strace $0x90000048  }
0xb6: {  	_ =	sfence  }
0xb7: {  	s30 =	sld [smem:$0x0];
	_ =	sdelay $0x2  }
0xb8: {  	s31 =	sshll.u32 s1, $0xD;
	s1 =	sshrl.u32 s1, $0x2  }
0xb9: {  	s3 =	sand.u32 $0x4000, s31;
	s1 =	sadd.s32 s1, s30  }
0xba: {  	s0 =	sor.u32 s3, s0;
	s1 =	sshll.u32 s1, $0x11  }
0xbb: {  	s0 =	sor.u32 s1, s0  }
0xbc: {  	s0 =	sadd.s32 $0x8F2B, s0  }
0xbd: {  	[sflag:s0] =	ssyncadd.remote.s32 $0x1  }
0xbe: {  	_ =	sfence.sel $0xFFFF  }
0xbf: {  	[dreg:$0x0] =	wrdreg $0xFFFFFFFF;
	(pc) =	sbr.abs _section_cstart, $3  }
0xc0: {  	[dreg:$0x1] =	wrdreg $0xFFFFFFFF  }
0xc1: {  	_ =	task.clear_ibuf [dreg:s7], $0x2FFFF;
	_ =	strace $0x9FFFFFFF  }
0xc2: {  	(tm) =	ssettm $0x7FFFFFFF  }
0xc3: {  	_ =	shalt  }
tec
execute0_lowered:
.L_overlay_start_1:
0x0: {  	(tag) =	ssettag $0x1  }
0x1: {  	s1 =	stileid.u32  }
0x2: {  	p0 =	sgt.u32 s1, $0x7  }
.Ltmp0:
0x3: {  	_ = 	snop;
	(pc) =	sbr.rel @p0 .LBB2_5-.Ltmp0, $4  }
0x4: {  	s5 =	rddreg [dreg:$0x0]  }
0x5: {  	s4 =	rddreg [dreg:$0x1];
	s2 =	simm.s32 $0x0  }
0x6: {  	[smem:$0x7FF] =	sst s2  }
0x7: {  	s0 =	rddreg [dreg:$0x2];
	_ =	strace $0x80000047  }
0x8: {  	s3 =	srdreg.scid;
	s6 =	sshll.u32 s1, $0x5  }
0x9: {  	s7 =	sshll.u32 s1, $0xA;
	s9 =	simm.s32 $0x1;
	s10 =	simm.s32 $0x1000  }
0xa: {  	s11 =	simm.s32 $0x1C80;
	s12 =	simm.s32 $0x2D00;
	s3 =	sand.u32 $0x1, s3  }
0xb: {  	s6 =	sand.u32 $0x60, s6;
	s7 =	sand.u32 $0x1000, s7;
	s8 =	sshll.u32 s3, $0x4  }
0xc: {  	s29 =	ssub.s32 $0x2, s3;
	s3 =	sadd.s32 $0xA00, s4;
	s6 =	sor.u32 s8, s6  }
0xd: {  	s30 =	sshrl.u32 s29, $0x1;
	s8 =	simm.s32 $0x400;
	s6 =	sor.u32 s7, s6  }
0xe: {  	s7 =	ssub.s32 s29, s30;
	s31 =	sadd.s32 s6, s4;
	s5 =	sadd.s32 s5, s6  }
0xf: {  	v0 =	vimm.s32 $0x0;
	s6 =	smax.u32 s7, $0x1;
	s7 =	simm.s32 $0x80;
	s4 =	sadd.s32 $0xC00, s31  }
.LBB2_2:
0x10: {  	s13 =	simm.s32 $0x0  }
0x11: {  	[tilespmem:s13], [sflag:$0x1] =	stream.strided.gather [hbm4b:s5+s7], $0x1000, s8, s7, $0x38;
	[tilespmem:$0x3D00] =	vst v63  }
0x12: {  	_ =	swait.ge [sflag:s9], $0x1000  }
0x13: {  	[sflag:s9] =	ssyncset.done $0x0  }
0x14: {  	[sflag:s9] =	ssyncadd.s32 $0xFFFFF000  }
0x15: {  	[tilespmem:s10], [sflag:$0x1] =	stream.linear.gather [hbm4b:s3+s13], $0xC80, $0x38;
	[tilespmem:$0x3D00] =	vst v63  }
0x16: {  	_ =	swait.ge [sflag:s9], $0xC80  }
0x17: {  	[sflag:s9] =	ssyncset.done $0x0  }
0x18: {  	[sflag:s9] =	ssyncadd.s32 $0xFFFFF380  }
0x19: {  	s13 =	simm.s32 $0x0;
	[tilespmem:$0x1C80] =	vst v0  }
0x1a: {  	v2 =	vld [tilespmem:s13+$0x0];
	_ =	sdelay $0x4  }
0x1b: {  	v1 =	vand.u32 $0x8, v2  }
0x1c: {  	vm0 =	vne.s32 v1, $0x0  }
0x1d: {  	v1 =	vshrl.u32 v2, $0x4;
	_ =	sdelay $0x1  }
0x1e: {  	v3 =	vadd.s32 $0xFFFFFFFF, v1  }
0x1f: {  	v4 =	vadd.s32 $0xFFFFFFFE, v1  }
0x20: {  	v6 =	vand.u32 $0x7, v2;
	v5 =	vadd.s32 $0xFFFFFFFD, v1  }
0x21: {  	v7 =	vadd.s32 $0xFFFFFFFC, v1;
	[tilespmem:v1+s11+$0x0] =	vst.idx.msk vm0, v6  }
0x22: {  	v1 =	vld.idx.msk [tilespmem:v1+s11+$0x0], $0xffff  }
0x23: {  	v3 =	vld.idx.msk [tilespmem:v3+s11+$0x0], $0xffff  }
0x24: {  	v4 =	vld.idx.msk [tilespmem:v4+s11+$0x0], $0xffff  }
0x25: {  	v5 =	vld.idx.msk [tilespmem:v5+s11+$0x0], $0xffff  }
0x26: {  	v6 =	vld.idx.msk [tilespmem:v7+s11+$0x0], $0xffff;
	_ =	sdelay $0x1  }
0x27: {  	v3 =	vmul.u32 $0x5, v3  }
0x28: {  	v4 =	vmul.u32 $0x19, v4  }
0x29: {  	v5 =	vmul.u32 $0x7D, v5;
	v1 =	vadd.s32 v3, v1  }
0x2a: {  	v3 =	vmul.u32 $0x271, v6;
	v1 =	vadd.s32 v4, v1  }
0x2b: {  	v1 =	vadd.s32 v5, v1  }
0x2c: {  	s14 =	simm.s32 $0x10;
	v3 =	vadd.s32 v3, v1  }
0x2d: {  	vm0 =	vgt.u32 v2, $0xCF;
	v1 =	vld [tilespmem:s14+$0x0];
	v2 =	vadd.s32 $0x1, v3  }
0x2e: {  	v2 =	vnsel vm0, $0x0, v2;
	_ =	sdelay $0x3  }
0x2f: {  	v3 =	vand.u32 $0x8, v1  }
0x30: {  	vm0 =	vne.s32 v3, $0x0;
	v6 =	vld.idx.msk [tilespmem:v2+s10+$0x0], $0xffff  }
0x31: {  	v4 =	vshrl.u32 v1, $0x4  }
0x32: {  	v5 =	vadd.s32 $0xFFFFFFFF, v4  }
0x33: {  	s15 =	simm.s32 $0x80;
	v3 =	vadd.s32 $0xFFFFFFFD, v4;
	v7 =	vadd.s32 $0xFFFFFFFE, v4;
	v2 =	vadd.s32 $0xFFFFFFFC, v4  }
.LBB2_3:
0x34: {  	p0 =	sne.s32 s15, $0x3FC0;
	s16 =	smov.u32 s15;
	s15 =	sadd.s32 $0x40, s15  }
0x35: {  	v8 =	vand.u32 $0x7, v1;
	[tilespmem:s13+$0x2D00] =	vst v6;
	s13 =	smov.u32 s14  }
0x36: {  	[tilespmem:v4+s11+$0x0] =	vst.idx.msk vm0, v8  }
0x37: {  	v4 =	vld.idx.msk [tilespmem:v4+s11+$0x0], $0xffff  }
0x38: {  	v5 =	vld.idx.msk [tilespmem:v5+s11+$0x0], $0xffff  }
0x39: {  	v6 =	vld.idx.msk [tilespmem:v7+s11+$0x0], $0xffff  }
0x3a: {  	v3 =	vld.idx.msk [tilespmem:v3+s11+$0x0], $0xffff  }
0x3b: {  	v2 =	vld.idx.msk [tilespmem:v2+s11+$0x0], $0xffff;
	_ =	sdelay $0x2  }
0x3c: {  	v5 =	vmul.u32 $0x5, v5  }
0x3d: {  	v6 =	vmul.u32 $0x19, v6  }
0x3e: {  	v3 =	vmul.u32 $0x7D, v3;
	v4 =	vadd.s32 v5, v4  }
0x3f: {  	v2 =	vmul.u32 $0x271, v2;
	v4 =	vadd.s32 v6, v4  }
0x40: {  	v3 =	vadd.s32 v3, v4  }
0x41: {  	v2 =	vadd.s32 v2, v3  }
0x42: {  	s14 =	sshra.s32 s16, $0x2;
	vm0 =	vgt.u32 v1, $0xCF;
	v2 =	vadd.s32 $0x1, v2  }
0x43: {  	v2 =	vnsel vm0, $0x0, v2;
	v1 =	vld [tilespmem:s14+$0x0];
	_ =	sdelay $0x4  }
.Ltmp1:
0x44: {  	v3 =	vand.u32 $0x8, v1;
	v6 =	vld.idx.msk [tilespmem:v2+s10+$0x0], $0xffff;
	(pc) =	sbr.rel @p0 .LBB2_3-.Ltmp1, $4  }
0x45: {  	vm0 =	vne.s32 v3, $0x0  }
0x46: {  	v4 =	vshrl.u32 v1, $0x4  }
0x47: {  	v5 =	vadd.s32 $0xFFFFFFFF, v4;
	v3 =	vadd.s32 $0xFFFFFFFD, v4;
	v2 =	vadd.s32 $0xFFFFFFFC, v4  }
0x48: {  	v7 =	vadd.s32 $0xFFFFFFFE, v4  }
0x49: {  	_ =	sdelay $0x3  }
0x4a: {  	v8 =	vand.u32 $0x7, v1;
	[tilespmem:s13+$0x2D00] =	vst v6  }
0x4b: {  	[tilespmem:v4+s11+$0x0] =	vst.idx.msk vm0, v8  }
0x4c: {  	v4 =	vld.idx.msk [tilespmem:v4+s11+$0x0], $0xffff  }
0x4d: {  	v5 =	vld.idx.msk [tilespmem:v5+s11+$0x0], $0xffff  }
0x4e: {  	v6 =	vld.idx.msk [tilespmem:v7+s11+$0x0], $0xffff  }
0x4f: {  	v3 =	vld.idx.msk [tilespmem:v3+s11+$0x0], $0xffff  }
0x50: {  	v2 =	vld.idx.msk [tilespmem:v2+s11+$0x0], $0xffff;
	_ =	sdelay $0x1  }
0x51: {  	v5 =	vmul.u32 $0x5, v5  }
0x52: {  	v6 =	vmul.u32 $0x19, v6  }
0x53: {  	v3 =	vmul.u32 $0x7D, v3;
	v4 =	vadd.s32 v5, v4  }
0x54: {  	v2 =	vmul.u32 $0x271, v2;
	v4 =	vadd.s32 v6, v4  }
0x55: {  	v3 =	vadd.s32 v3, v4  }
0x56: {  	v2 =	vadd.s32 v2, v3  }
0x57: {  	vm15 =	vgt.u32 v1, $0xCF;
	v1 =	vadd.s32 $0x1, v2  }
0x58: {  	v1 =	vnsel vm15, $0x0, v1;
	_ =	sdelay $0x4  }
0x59: {  	v1 =	vld.idx.msk [tilespmem:v1+s10+$0x0], $0xffff;
	_ =	sdelay $0x2  }
0x5a: {  	s2 =	sadd.s32 $0x1, s2  }
0x5b: {  	p0 =	sne.s32 s2, s6  }
.Ltmp2:
0x5c: {  	[tilespmem:s14+$0x2D00] =	vst v1;
	(pc) =	sbr.rel @p0 .LBB2_2-.Ltmp2, $4  }
0x5d: {  	[hbm4b:s4+s7] =	stream.strided.scatter [tilespmem:s12], [sflag:$0x1], $0x1000, s8, s7, $0x38;
	[tilespmem:$0x3D00] =	vst v63  }
0x5e: {  	_ =	swait.ge [sflag:s9], $0x1000  }
0x5f: {  	[sflag:s9] =	ssyncset.done $0x0  }
0x60: {  	[sflag:s9] =	ssyncadd.s32 $0xFFFFF000  }
.LBB2_5:
0x61: {  	_ =	sfence.sel $0x180000  }
0x62: {  	[bflag:$0x0] =	sbarrier.arrive $0xFFFF  }
0x63: {  	p0 =	sne.s32 s1, $0x0;
	_ =	strace $0x90000047  }
0x64: {  	s0 =	sadd.s32 @!p0 $0x100000, s0;
	[bflag:$0x2] =	sbarrier.arrive $0xFFFF  }
0x65: {  	[sflag:s0] =	ssyncadd.tile.s32 @!p0 $0x1;
	_ =	shalt  }
.Lfunc_end2:
_tile_overlayer_lowered:
.L_overlay_start_2:
0x66: {  	(tag) =	ssettag $0x2  }
0x67: {  	s0 =	rddreg [dreg:$0x0];
	s2 =	stileid.u32  }
0x68: {  	s1 =	rddreg [dreg:$0x1];
	p0 =	sne.s32 s2, $0x0  }
0x69: {  	s3 =	rddreg [dreg:$0x2];
	[bflag:$0x3] =	sbarrier.arrive $0xFFFF;
	s2 =	simm.s32 @!p0 $0x1C01  }
0x6a: {  	[timem:s3], [sflag:s2] =	dma.local @!p0 [hbm:s0], s1  }
0x6b: {  	s0 =	simm.s32 @!p0 $0x1  }
0x6c: {  	_ =	swait.ge @!p0 [sflag:s0], s1  }
0x6d: {  	s1 =	ssub.s32 @!p0 $0x0, s1;
	[sflag:s0] =	ssyncset.done @!p0 $0x0  }
0x6e: {  	[sflag:s0] =	ssyncadd.s32 @!p0 s1  }
0x6f: {  	[bflag:$0x3] =	sbarrier.arrive $0xFFFF  }
0x70: {  	_ =	shalt  }

</sc_bundles>
